<compile_context>
chip_gen: v7x
topology: tpu7x:2x2x1
jax: 0.10.2.dev20260603
libtpu: 0.0.44.dev20260713+nightly
codegen_flags: <defaults>
</compile_context>

<pallas_src>
import functools

import jax
import jax.numpy as jnp
from jax import lax
from jax.experimental import pallas as pl
from jax.experimental.pallas import tpu as pltpu
from jax.experimental.pallas import tpu_sc as plsc

B = 100
L = 50
DIM = 128
HP = 16
S = 12
NUM_NODE = 50000
ALPHA = 0.2
BETA = 0.005
NEG = -9e15

NW = 32

E_PER_W = 10240 // NW
T_PER_W = 15360 // NW
N_TOTAL = 15360 * S
N_PER_W = N_TOTAL // NW
N_CHUNK = 128
N_STEPS = N_PER_W // N_CHUNK
N_BUF = 3

def _wid():
    return lax.axis_index("s") * 2 + lax.axis_index("c")


@functools.cache
def _build_sc_gather():
    mesh = plsc.VectorSubcoreMesh(core_axis_name="c", subcore_axis_name="s")

    @functools.partial(
        pl.kernel,
        mesh=mesh,
        out_type=(
            jax.ShapeDtypeStruct((10240, DIM), jnp.float32),
            jax.ShapeDtypeStruct((N_TOTAL, DIM), jnp.float32),
            jax.ShapeDtypeStruct((N_TOTAL,), jnp.float32),
            jax.ShapeDtypeStruct((N_TOTAL,), jnp.int32),
        ),
        scratch_types=[
            pltpu.VMEM((E_PER_W,), jnp.int32),
            pltpu.VMEM((E_PER_W, DIM), jnp.float32),
            pltpu.VMEM((N_PER_W,), jnp.int32),
            pltpu.VMEM((N_PER_W,), jnp.int32),
            pltpu.VMEM((N_PER_W,), jnp.float32),
            pltpu.VMEM((N_PER_W,), jnp.int32),
            pltpu.VMEM((N_BUF, N_CHUNK, DIM), jnp.float32),
            pltpu.SemaphoreType.DMA,
            pltpu.SemaphoreType.DMA,
        ],
    )
    def sc_all(emb, ids_e, adj1, nw1, pos1, idel,
               out_e, out_n, out_nw, out_pos,
               idxe, bufe, idxel, bufadj, bufnw, bufpos, ring, semg, semw):
        w = _wid()
        be = w * E_PER_W
        bn = w * N_PER_W
        pltpu.sync_copy(ids_e.at[pl.ds(be, E_PER_W)], idxe)
        pltpu.sync_copy(idel.at[pl.ds(bn, N_PER_W)], idxel)
        hs = []
        for k in range(E_PER_W // 80):
            sl = pl.ds(k * 80, 80)
            hs.append(pltpu.async_copy(emb.at[idxe.at[sl]], bufe.at[sl], semg))
        ha = pltpu.async_copy(adj1.at[idxel], bufadj, semg)
        hn = pltpu.async_copy(nw1.at[idxel], bufnw, semg)
        hp = pltpu.async_copy(pos1.at[idxel], bufpos, semg)
        for h in hs:
            h.wait()
        ha.wait()
        hn.wait()
        hp.wait()
        pltpu.sync_copy(bufe, out_e.at[pl.ds(be, E_PER_W)])
        pltpu.sync_copy(bufnw, out_nw.at[pl.ds(bn, N_PER_W)])
        pltpu.sync_copy(bufpos, out_pos.at[pl.ds(bn, N_PER_W)])

        def body2(j, carry):
            base = pl.multiple_of(j * (N_BUF * N_CHUNK), N_BUF * N_CHUNK)
            gh = []
            for b in range(N_BUF):
                sl = pl.ds(base + b * N_CHUNK, N_CHUNK)
                gh.append(pltpu.async_copy(emb.at[bufadj.at[sl]],
                                           ring.at[b], semg))
            wh = []
            for b in range(N_BUF):
                gh[b].wait()
                sl = pl.ds(bn + base + b * N_CHUNK, N_CHUNK)
                wh.append(pltpu.async_copy(ring.at[b], out_n.at[sl], semw))
            for h in wh:
                h.wait()
            return carry

        lax.fori_loop(0, N_STEPS // N_BUF, body2, 0)

    return sc_all


def _sc_gather(emb, ids_e, adj1, nw1, pos1, idel):
    return _build_sc_gather()(emb, ids_e, adj1, nw1, pos1, idel)


NB1 = 10


def _t1_local(h_ref, adj_ref, a4_ref, out_ref):
    for nb in range(NB1):
        h = h_ref[nb]
        adj = adj_ref[nb]
        alpha = jnp.full((L, L), NEG, dtype=jnp.float32)
        for r in range(4):
            ar = a4_ref[r, :][None, :]
            er = lax.dot_general(h * ar, h, (((1,), (1,)), ((), ())),
                                 preferred_element_type=jnp.float32)
            er = jnp.where(er > 0, er, ALPHA * er)
            alpha = jnp.where(adj == r + 1, er, alpha)
        alpha = alpha - jnp.max(alpha, axis=-1, keepdims=True)
        alpha = jnp.exp(alpha)
        alpha = alpha / jnp.sum(alpha, axis=-1, keepdims=True)
        out_ref[nb] = jnp.dot(alpha, h, preferred_element_type=jnp.float32)


NB2 = 4


def _t2_global(neigh_ref, nw_ref, pos_ref, h_ref, item_ref,
               g1a_ref, g1row_ref, g1p_ref, g2_ref,
               posb_ref, posa_ref, posio_ref, g3a_ref, g3b_ref, out_ref):
    M = NB2 * L * S
    h = h_ref[...].reshape(NB2 * L, DIM)
    extra = jnp.mean(item_ref[...], axis=1)
    g1a = g1a_ref[...]
    g1row = g1row_ref[...]
    g1p = g1p_ref[...]
    g2 = g2_ref[...]
    pm = (lax.broadcasted_iota(jnp.int32, (L, L * S), 1) // S
          == lax.broadcasted_iota(jnp.int32, (L, L * S), 0)).astype(jnp.float32)
    iota10 = lax.broadcasted_iota(jnp.int32, (M, 10), 1)
    acc = jnp.zeros((NB2 * L, DIM), dtype=jnp.float32)
    for r in range(3):
        neigh = neigh_ref[r]
        wgt = nw_ref[r].reshape(M, 1)
        ne = neigh.reshape(NB2, L * S, DIM) * extra[:, None, :]
        x = jnp.dot(ne.reshape(M, DIM), g1a, preferred_element_type=jnp.float32)
        x = x + wgt * g1row
        if r == 2:
            x = x + jnp.dot(posio_ref[1, :][None, :], g1p,
                            preferred_element_type=jnp.float32)
        else:
            pt = posb_ref[...] if r == 0 else posa_ref[...]
            pr = jnp.dot(pt, g1p, preferred_element_type=jnp.float32)
            oh = (pos_ref[r].reshape(M, 1) == iota10).astype(jnp.float32)
            x = x + jnp.dot(oh, pr, preferred_element_type=jnp.float32)
        x = jnp.where(x > 0, x, 0.2 * x)
        e = jnp.exp(jnp.dot(x, g2, preferred_element_type=jnp.float32))
        nvs = []
        for nb in range(NB2):
            enb = lax.slice(e, (nb * L * S, 0), ((nb + 1) * L * S, 1))
            gs = jnp.dot(pm, enb, preferred_element_type=jnp.float32)
            denom = lax.dot_general(pm, gs, (((0,), (0,)), ((), ())),
                                    preferred_element_type=jnp.float32)
            nnb = lax.slice(neigh, (nb * L * S, 0), ((nb + 1) * L * S, DIM))
            nvs.append(jnp.dot(pm, (enb / denom) * nnb,
                               preferred_element_type=jnp.float32))
        nv = jnp.concatenate(nvs, axis=0)
        o = jnp.dot(h, g3a_ref[...], preferred_element_type=jnp.float32)
        o = o + jnp.dot(nv, g3b_ref[...], preferred_element_type=jnp.float32)
        acc = acc + jnp.maximum(o, 0.0)
    out_ref[...] = (acc * (1.0 / 3.0)).reshape(NB2, L, DIM)


def _t3_pool(hl_ref, hg_ref, pe_ref, w1a_ref, w1b_ref,
             glu1_ref, glu1b_ref, glu2_ref, w2_ref, pr_ref, pc_ref,
             out_ref, con_ref):
    pev = jnp.dot(pe_ref[...], w1a_ref[...],
                  preferred_element_type=jnp.float32)

    def attend(hid3):
        hs = jnp.mean(hid3, axis=1)
        flat = hid3.reshape(B * L, DIM)
        t = jnp.dot(flat, w1b_ref[...], preferred_element_type=jnp.float32)
        t = jnp.tanh(t.reshape(B, L, DIM) + pev[None])
        g = jnp.dot(t.reshape(B * L, DIM), glu1_ref[...],
                    preferred_element_type=jnp.float32).reshape(B, L, DIM)
        g = g + glu1b_ref[...][None]
        g = g + jnp.dot(hs, glu2_ref[...],
                        preferred_element_type=jnp.float32)[:, None, :]
        g = jax.nn.sigmoid(g)
        beta = jnp.dot(g.reshape(B * L, DIM), w2_ref[...],
                       preferred_element_type=jnp.float32).reshape(B, L, 1)
        return jnp.sum(beta * hid3, axis=1)

    select = attend(hl_ref[...])
    hg = attend(hg_ref[...])
    corrupted = jnp.dot(jnp.dot(pr_ref[...], select,
                                preferred_element_type=jnp.float32),
                        pc_ref[...], preferred_element_type=jnp.float32)
    pos_s = jnp.sum(select * hg, axis=1)
    neg_s = jnp.sum(hg * corrupted, axis=1)
    con = jnp.sum(-jnp.log(1e-8 + jax.nn.sigmoid(pos_s))
                  - jnp.log(1e-8 + (1.0 - jax.nn.sigmoid(neg_s))))
    con_ref[...] = jnp.reshape(BETA * con, (1, 1))
    out_ref[...] = select + hg


def _t4_scores(ov_ref, ea_ref, eb_ref, out_ref):
    eh = jnp.concatenate([ea_ref[1:], eb_ref[:1]], axis=0)
    out_ref[...] = lax.dot_general(ov_ref[...], eh, (((1,), (1,)), ((), ())),
                                   preferred_element_type=jnp.float32)


def kernel(params, inputs, adj, mask_item, item, adj_all, num_w, pos_all):
    p = params
    emb = p["embedding"]

    inputs_flat = inputs.reshape(-1).astype(jnp.int32)
    item_flat = item.reshape(-1).astype(jnp.int32)
    pad120 = jnp.zeros((120,), jnp.int32)
    ids_e = jnp.concatenate([inputs_flat, pad120, item_flat, pad120])
    ids_t = jnp.concatenate(
        [jnp.concatenate([r * NUM_NODE + inputs_flat, pad120]) for r in range(3)]
    )
    idel = (jnp.repeat(ids_t, S) * S
            + jnp.tile(jnp.arange(S, dtype=jnp.int32), ids_t.shape[0]))
    adj1 = adj_all.reshape(-1).astype(jnp.int32)
    nw1 = num_w.reshape(-1)
    pos1 = pos_all.reshape(-1).astype(jnp.int32)

    emb_rows, neigh_flat, nw_el, pos_el = _sc_gather(
        emb, ids_e, adj1, nw1, pos1, idel)

    h3 = emb_rows[:B * L].reshape(B, L, DIM)
    item3 = emb_rows[5120:5120 + B * L].reshape(B, L, DIM)
    nw4 = nw_el.reshape(3, 5120 * S)[:, :B * L * S].reshape(3, B, L * S, 1)
    pos4 = pos_el.reshape(3, 5120 * S)[:, :B * L * S].reshape(3, B, L * S, 1)
    neigh3 = neigh_flat.reshape(3, 5120 * S, DIM)

    a4 = jnp.concatenate([p["a0"].T, p["a1"].T, p["a2"].T, p["a3"].T], axis=0)
    h_local = pl.pallas_call(
        _t1_local,
        grid=(B // NB1,),
        in_specs=[
            pl.BlockSpec((NB1, L, DIM), lambda b: (b, 0, 0)),
            pl.BlockSpec((NB1, L, L), lambda b: (b, 0, 0)),
            pl.BlockSpec((4, DIM), lambda b: (0, 0)),
        ],
        out_specs=pl.BlockSpec((NB1, L, DIM), lambda b: (b, 0, 0)),
        out_shape=jax.ShapeDtypeStruct((B, L, DIM), jnp.float32),
    )(h3, adj.astype(jnp.int32), a4)

    g_w1 = p["g_w1"]
    h_global = pl.pallas_call(
        _t2_global,
        grid=(B // NB2,),
        in_specs=[
            pl.BlockSpec((3, NB2 * L * S, DIM), lambda b: (0, b, 0)),
            pl.BlockSpec((3, NB2, L * S, 1), lambda b: (0, b, 0, 0)),
            pl.BlockSpec((3, NB2, L * S, 1), lambda b: (0, b, 0, 0)),
            pl.BlockSpec((NB2, L, DIM), lambda b: (b, 0, 0)),
            pl.BlockSpec((NB2, L, DIM), lambda b: (b, 0, 0)),
            pl.BlockSpec((DIM, DIM), lambda b: (0, 0)),
            pl.BlockSpec((1, DIM), lambda b: (0, 0)),
            pl.BlockSpec((HP, DIM), lambda b: (0, 0)),
            pl.BlockSpec((DIM, 1), lambda b: (0, 0)),
            pl.BlockSpec((10, HP), lambda b: (0, 0)),
            pl.BlockSpec((10, HP), lambda b: (0, 0)),
            pl.BlockSpec((2, HP), lambda b: (0, 0)),
            pl.BlockSpec((DIM, DIM), lambda b: (0, 0)),
            pl.BlockSpec((DIM, DIM), lambda b: (0, 0)),
        ],
        out_specs=pl.BlockSpec((NB2, L, DIM), lambda b: (b, 0, 0)),
        out_shape=jax.ShapeDtypeStruct((B, L, DIM), jnp.float32),
    )(neigh3, nw4, pos4, h3, item3,
      g_w1[:DIM], g_w1[DIM:DIM + 1], g_w1[DIM + 1:], p["g_w2"],
      p["pos_before"], p["pos_after"], p["pos_io"],
      p["g_w3"][:DIM], p["g_w3"][DIM:])

    kp = jax.random.PRNGKey(42)
    perm_r = jax.random.permutation(jax.random.fold_in(kp, 0), B)
    perm_c = jax.random.permutation(jax.random.fold_in(kp, 1), DIM)
    pr_mat = jax.nn.one_hot(perm_r, B, dtype=jnp.float32)
    pc_mat = jax.nn.one_hot(perm_c, DIM, dtype=jnp.float32).T
    w_1 = p["w_1"]
    out_vec, con = pl.pallas_call(
        _t3_pool,
        out_shape=[jax.ShapeDtypeStruct((B, DIM), jnp.float32),
                   jax.ShapeDtypeStruct((1, 1), jnp.float32)],
    )(h_local, h_global, p["pos_embedding"][:L], w_1[:DIM], w_1[DIM:],
      p["glu1_w"], p["glu1_b"][None, :], p["glu2_w"], p["w_2"],
      pr_mat, pc_mat)

    nblk = 25
    blk = 2048
    scores = pl.pallas_call(
        _t4_scores,
        grid=(nblk,),
        in_specs=[
            pl.BlockSpec((B, DIM), lambda k: (0, 0)),
            pl.BlockSpec((blk, DIM), lambda k: (k, 0)),
            pl.BlockSpec((blk, DIM), lambda k: (jnp.minimum(k + 1, nblk - 1), 0)),
        ],
        out_specs=pl.BlockSpec((B, blk), lambda k: (0, k)),
        out_shape=jax.ShapeDtypeStruct((B, NUM_NODE - 1), jnp.float32),
    )(out_vec, emb, emb)

    return scores, con[0, 0]

# --- scband reference (transcript-rebuilt; emitter-appended) ---
"""Pipeline reference for scband-combine-graph-17008070492875 (READ-ONLY COPY).

The authoritative reference and input builder live on the scoring server;
editing this copy changes nothing except your own understanding.
"""

import jax, jax.numpy as jnp
import numpy as np

B = 100
L = 50
DIM = 128
HP = 16
S = 12
NUM_NODE = 50000
ALPHA = 0.2
BETA = 0.005


def init_params(key):
    stdv = 1.0 / np.sqrt(DIM)
    names_shapes = [
        ("embedding", (NUM_NODE, DIM)),
        ("pos_embedding", (300, DIM)),
        ("pos_before", (10, HP)),
        ("pos_after", (10, HP)),
        ("pos_io", (2, HP)),
        ("a0", (DIM, 1)), ("a1", (DIM, 1)), ("a2", (DIM, 1)), ("a3", (DIM, 1)),
        ("local_bias", (DIM,)),
        ("g_w1", (DIM + 1 + HP, DIM)),
        ("g_w2", (DIM, 1)),
        ("g_w3", (2 * DIM, DIM)),
        ("w_1", (2 * DIM, DIM)),
        ("w_2", (DIM, 1)),
        ("glu1_w", (DIM, DIM)),
        ("glu1_b", (DIM,)),
        ("glu2_w", (DIM, DIM)),
        ("lt_w", (DIM, DIM)),
    ]
    params = {}
    for i, (n, s) in enumerate(names_shapes):
        params[n] = jax.random.uniform(jax.random.fold_in(key, i), s, minval=-stdv, maxval=stdv, dtype=jnp.float32)
    return params


def local_agg(p, h, adj):
    # GCE-GNN LocalAggregator: relation-typed attention over session graph
    a_input = h[:, :, None, :] * h[:, None, :, :]  # [B, L, L, D]
    def e(a):
        return jax.nn.leaky_relu(jnp.squeeze(a_input @ a, -1), ALPHA)
    e0, e1, e2, e3 = e(p["a0"]), e(p["a1"]), e(p["a2"]), e(p["a3"])
    neg = jnp.full_like(e0, -9e15)
    alpha = jnp.where(adj == 1, e0, neg)
    alpha = jnp.where(adj == 2, e1, alpha)
    alpha = jnp.where(adj == 3, e2, alpha)
    alpha = jnp.where(adj == 4, e3, alpha)
    alpha = jax.nn.softmax(alpha, axis=-1)
    return alpha @ h


def global_hop(p, self_vec, inputs, sum_item_emb, adj_all, num_w, pos_all):
    # one hop of position-aware global aggregation over the 3 relation channels (in / out / in-out)
    outs = []
    extra = sum_item_emb[:, None, None, :]
    for r in range(3):
        neigh_ids = adj_all[r][inputs]             # [B, L, S] gather
        weight = num_w[r][inputs]                  # [B, L, S]
        pos = pos_all[r][inputs]                   # [B, L, S]
        neigh = p["embedding"][neigh_ids]          # [B, L, S, D] gather
        if r == 0:
            pe = p["pos_before"][pos]
        elif r == 1:
            pe = p["pos_after"][pos]
        else:
            pe = jnp.broadcast_to(p["pos_io"][1], pos.shape + (HP,))
        a_in = jnp.concatenate([extra * neigh, weight[..., None], pe], axis=-1)
        alpha = jax.nn.leaky_relu(a_in @ p["g_w1"], 0.2)
        alpha = jnp.squeeze(alpha @ p["g_w2"], -1)
        alpha = jax.nn.softmax(alpha, axis=-1)[..., None]
        nv = jnp.sum(alpha * neigh, axis=-2)
        out = jnp.concatenate([self_vec, nv], axis=-1) @ p["g_w3"]
        outs.append(jax.nn.relu(out))
    return jnp.mean(jnp.stack(outs, 0), 0)


def compute_scores(p, hidden, global_hidden, mask2d):
    mask = mask2d[..., None]
    length = hidden.shape[1]
    def attend(hid):
        hs = jnp.sum(hid * mask, axis=-2) / jnp.sum(mask, axis=1)
        hs = jnp.broadcast_to(hs[:, None, :], hid.shape)
        pe = jnp.broadcast_to(p["pos_embedding"][:length][None], hid.shape)
        nh = jnp.tanh(jnp.concatenate([pe, hid], axis=-1) @ p["w_1"])
        nh = jax.nn.sigmoid(nh @ p["glu1_w"] + p["glu1_b"] + hs @ p["glu2_w"])
        beta = (nh @ p["w_2"]) * mask
        return jnp.sum(beta * hid, axis=1)
    select = attend(hidden)
    h_g = attend(global_hidden)
    # SSL contrastive loss with fixed-seed row/column shuffle
    kp = jax.random.PRNGKey(42)
    perm_r = jax.random.permutation(jax.random.fold_in(kp, 0), select.shape[0])
    perm_c = jax.random.permutation(jax.random.fold_in(kp, 1), select.shape[1])
    corrupted = select[perm_r][:, perm_c]
    pos_s = jnp.sum(select * h_g, axis=1)
    neg_s = jnp.sum(h_g * corrupted, axis=1)
    con_loss = jnp.sum(-jnp.log(1e-8 + jax.nn.sigmoid(pos_s)) - jnp.log(1e-8 + (1.0 - jax.nn.sigmoid(neg_s))))
    con_loss = BETA * con_loss
    output = select + h_g
    scores = output @ p["embedding"][1:].T
    return scores, con_loss


def forward(params, inputs, adj, mask_item, item, adj_all, num_w, pos_all):
    p = params
    h = p["embedding"][inputs]
    h_local = local_agg(p, h, adj)
    item_emb = p["embedding"][item] * mask_item[..., None]
    sum_item_emb = jnp.sum(item_emb, axis=1) / jnp.sum(mask_item, axis=-1, keepdims=True)
    h_global = global_hop(p, h, inputs, sum_item_emb, adj_all, num_w, pos_all)
    return compute_scores(p, h_local, h_global, mask_item)


def setup_inputs():
    key = jax.random.PRNGKey(0)
    ks = jax.random.split(key, 8)
    inputs = jax.random.randint(ks[0], (B, L), 0, NUM_NODE)
    adj = jax.random.randint(ks[1], (B, L, L), 0, 5)
    mask_item = jnp.ones((B, L), dtype=jnp.float32)
    item = jax.random.randint(ks[2], (B, L), 0, NUM_NODE)
    adj_all = jax.random.randint(ks[3], (3, NUM_NODE, S), 0, NUM_NODE)
    num_w = jax.random.uniform(ks[4], (3, NUM_NODE, S), dtype=jnp.float32)
    pos_all = jax.random.randint(ks[5], (3, NUM_NODE, S), 0, 10)
    params = init_params(ks[6])
    return {"params": params, "inputs": inputs, "adj": adj, "mask_item": mask_item, "item": item, "adj_all": adj_all, "num_w": num_w, "pos_all": pos_all}


def reference(params, inputs, adj, mask_item, item, adj_all, num_w, pos_all):
    return forward(params, inputs, adj, mask_item, item, adj_all, num_w, pos_all)

if __name__ == "__main__":
    import jax
    _d = setup_inputs()
    print(jax.jit(kernel)(*tuple(_d.values())))

</pallas_src>

<mosaic_0001>
#map = affine_map<(d0, d1) -> (0, 0)>
#map1 = affine_map<(d0, d1) -> (0)>
module attributes {stable_mosaic.version = 14 : i64} {
  func.func @sc_all(%arg0: i32, %arg1: i32, %arg2: memref<50000x128xf32, #tpu.memory_space<hbm>>, %arg3: memref<10240xi32, #tpu.memory_space<hbm>>, %arg4: memref<1800000xi32, #tpu.memory_space<hbm>>, %arg5: memref<1800000xf32, #tpu.memory_space<hbm>>, %arg6: memref<1800000xi32, #tpu.memory_space<hbm>>, %arg7: memref<184320xi32, #tpu.memory_space<hbm>>, %arg8: memref<10240x128xf32, #tpu.memory_space<hbm>>, %arg9: memref<184320x128xf32, #tpu.memory_space<hbm>>, %arg10: memref<184320xf32, #tpu.memory_space<hbm>>, %arg11: memref<184320xi32, #tpu.memory_space<hbm>>, %arg12: memref<320xi32, #tpu.memory_space<vmem>>, %arg13: memref<320x128xf32, #tpu.memory_space<vmem>>, %arg14: memref<5760xi32, #tpu.memory_space<vmem>>, %arg15: memref<5760xi32, #tpu.memory_space<vmem>>, %arg16: memref<5760xf32, #tpu.memory_space<vmem>>, %arg17: memref<5760xi32, #tpu.memory_space<vmem>>, %arg18: memref<3x128x128xf32, #tpu.memory_space<vmem>>, %arg19: memref<!tpu.dma_semaphore, #tpu.memory_space<semaphore_mem>>, %arg20: memref<!tpu.dma_semaphore, #tpu.memory_space<semaphore_mem>>) attributes {dimension_semantics = [#tpu.dimension_semantics<core_parallel>, #tpu.dimension_semantics<subcore_parallel>], iteration_bounds = array<i64: 2, 16>, scalar_prefetch = 0 : i64, scratch_operands = 9 : i64, tpu.core_type = #tpu.core_type<sc_vector_subcore>, window_params = [{transform_indices = #map}, {transform_indices = #map1}, {transform_indices = #map1}, {transform_indices = #map1}, {transform_indices = #map1}, {transform_indices = #map1}, {transform_indices = #map}, {transform_indices = #map}, {transform_indices = #map1}, {transform_indices = #map1}]} {
    %mul3A = arith.constant 2 : i32
    %mul3A_0 = arith.muli %arg1, %mul3A : i32
    %add3A = arith.addi %mul3A_0, %arg0 : i32
    %mul3A_1 = arith.constant 320 : i32
    %mul3A_2 = arith.muli %add3A, %mul3A_1 : i32
    %mul3A_3 = arith.constant 5760 : i32
    %mul3A_4 = arith.muli %add3A, %mul3A_3 : i32
    "tpu.region"() ({
      %run_scoped3A = tpu.sem_alloc : memref<!tpu.dma_semaphore, #tpu.memory_space<semaphore_mem>>
      %dma_start3A_84 = tpu.memref_slice %arg3[%mul3A_2] : memref<10240xi32, #tpu.memory_space<hbm>> -> memref<320xi32, #tpu.memory_space<hbm>>
      %dma_start3A_85 = tpu.memref_slice %arg3[%mul3A_2] : memref<10240xi32, #tpu.memory_space<hbm>> -> memref<320xi32, #tpu.memory_space<hbm>>
      tpu.enqueue_dma source(%dma_start3A_85 : memref<320xi32, #tpu.memory_space<hbm>>) target(%arg12 : memref<320xi32, #tpu.memory_space<vmem>>) target_semaphore(%run_scoped3A : memref<!tpu.dma_semaphore, #tpu.memory_space<semaphore_mem>>)
      %dma_wait3A_86 = tpu.memref_slice %arg3[%mul3A_2] : memref<10240xi32, #tpu.memory_space<hbm>> -> memref<320xi32, #tpu.memory_space<hbm>>
      %dma_wait3A_87 = tpu.memref_slice %arg3[%mul3A_2] : memref<10240xi32, #tpu.memory_space<hbm>> -> memref<320xi32, #tpu.memory_space<hbm>>
      tpu.wait_dma2 semaphore(%run_scoped3A : memref<!tpu.dma_semaphore, #tpu.memory_space<semaphore_mem>>) src(%dma_wait3A_87 : memref<320xi32, #tpu.memory_space<hbm>>) dst(%arg12 : memref<320xi32, #tpu.memory_space<vmem>>)
      tpu.yield
    }) : () -> ()
    "tpu.region"() ({
      %run_scoped3A = tpu.sem_alloc : memref<!tpu.dma_semaphore, #tpu.memory_space<semaphore_mem>>
      %dma_start3A_84 = tpu.memref_slice %arg7[%mul3A_4] : memref<184320xi32, #tpu.memory_space<hbm>> -> memref<5760xi32, #tpu.memory_space<hbm>>
      %dma_start3A_85 = tpu.memref_slice %arg7[%mul3A_4] : memref<184320xi32, #tpu.memory_space<hbm>> -> memref<5760xi32, #tpu.memory_space<hbm>>
      tpu.enqueue_dma source(%dma_start3A_85 : memref<5760xi32, #tpu.memory_space<hbm>>) target(%arg14 : memref<5760xi32, #tpu.memory_space<vmem>>) target_semaphore(%run_scoped3A : memref<!tpu.dma_semaphore, #tpu.memory_space<semaphore_mem>>)
      %dma_wait3A_86 = tpu.memref_slice %arg7[%mul3A_4] : memref<184320xi32, #tpu.memory_space<hbm>> -> memref<5760xi32, #tpu.memory_space<hbm>>
      %dma_wait3A_87 = tpu.memref_slice %arg7[%mul3A_4] : memref<184320xi32, #tpu.memory_space<hbm>> -> memref<5760xi32, #tpu.memory_space<hbm>>
      tpu.wait_dma2 semaphore(%run_scoped3A : memref<!tpu.dma_semaphore, #tpu.memory_space<semaphore_mem>>) src(%dma_wait3A_87 : memref<5760xi32, #tpu.memory_space<hbm>>) dst(%arg14 : memref<5760xi32, #tpu.memory_space<vmem>>)
      tpu.yield
    }) : () -> ()
    %dma_start3A = arith.constant 0 : i32
    %dma_start3A_5 = arith.constant 0 : i32
    %dma_start3A_6 = tpu.memref_slice %arg13[%dma_start3A, %dma_start3A_5] : memref<320x128xf32, #tpu.memory_space<vmem>> -> memref<80x128xf32, #tpu.memory_space<vmem>>
    %dma_start3A_7 = arith.constant 0 : i32
    %dma_start3A_8 = tpu.memref_slice %arg12[%dma_start3A_7] : memref<320xi32, #tpu.memory_space<vmem>> -> memref<80xi32, #tpu.memory_space<vmem>>
    %dma_start3A_9 = arith.constant 0 : i32
    %dma_start3A_10 = arith.constant 0 : i32
    %dma_start3A_11 = tpu.memref_slice %arg2[%dma_start3A_9, %dma_start3A_10] : memref<50000x128xf32, #tpu.memory_space<hbm>> -> memref<50000x128xf32, #tpu.memory_space<hbm>>
    tpu.enqueue_indirect_dma source(%dma_start3A_11 : memref<50000x128xf32, #tpu.memory_space<hbm>>) target(%dma_start3A_6 : memref<80x128xf32, #tpu.memory_space<vmem>>) offsets(%dma_start3A_8 : memref<80xi32, #tpu.memory_space<vmem>>) semaphore(%arg19 : memref<!tpu.dma_semaphore, #tpu.memory_space<semaphore_mem>>)
    %dma_start3A_12 = arith.constant 80 : i32
    %dma_start3A_13 = arith.constant 0 : i32
    %dma_start3A_14 = tpu.memref_slice %arg13[%dma_start3A_12, %dma_start3A_13] : memref<320x128xf32, #tpu.memory_space<vmem>> -> memref<80x128xf32, #tpu.memory_space<vmem>>
    %dma_start3A_15 = arith.constant 80 : i32
    %dma_start3A_16 = tpu.memref_slice %arg12[%dma_start3A_15] : memref<320xi32, #tpu.memory_space<vmem>> -> memref<80xi32, #tpu.memory_space<vmem>>
    %dma_start3A_17 = arith.constant 0 : i32
    %dma_start3A_18 = arith.constant 0 : i32
    %dma_start3A_19 = tpu.memref_slice %arg2[%dma_start3A_17, %dma_start3A_18] : memref<50000x128xf32, #tpu.memory_space<hbm>> -> memref<50000x128xf32, #tpu.memory_space<hbm>>
    tpu.enqueue_indirect_dma source(%dma_start3A_19 : memref<50000x128xf32, #tpu.memory_space<hbm>>) target(%dma_start3A_14 : memref<80x128xf32, #tpu.memory_space<vmem>>) offsets(%dma_start3A_16 : memref<80xi32, #tpu.memory_space<vmem>>) semaphore(%arg19 : memref<!tpu.dma_semaphore, #tpu.memory_space<semaphore_mem>>)
    %dma_start3A_20 = arith.constant 160 : i32
    %dma_start3A_21 = arith.constant 0 : i32
    %dma_start3A_22 = tpu.memref_slice %arg13[%dma_start3A_20, %dma_start3A_21] : memref<320x128xf32, #tpu.memory_space<vmem>> -> memref<80x128xf32, #tpu.memory_space<vmem>>
    %dma_start3A_23 = arith.constant 160 : i32
    %dma_start3A_24 = tpu.memref_slice %arg12[%dma_start3A_23] : memref<320xi32, #tpu.memory_space<vmem>> -> memref<80xi32, #tpu.memory_space<vmem>>
    %dma_start3A_25 = arith.constant 0 : i32
    %dma_start3A_26 = arith.constant 0 : i32
    %dma_start3A_27 = tpu.memref_slice %arg2[%dma_start3A_25, %dma_start3A_26] : memref<50000x128xf32, #tpu.memory_space<hbm>> -> memref<50000x128xf32, #tpu.memory_space<hbm>>
    tpu.enqueue_indirect_dma source(%dma_start3A_27 : memref<50000x128xf32, #tpu.memory_space<hbm>>) target(%dma_start3A_22 : memref<80x128xf32, #tpu.memory_space<vmem>>) offsets(%dma_start3A_24 : memref<80xi32, #tpu.memory_space<vmem>>) semaphore(%arg19 : memref<!tpu.dma_semaphore, #tpu.memory_space<semaphore_mem>>)
    %dma_start3A_28 = arith.constant 240 : i32
    %dma_start3A_29 = arith.constant 0 : i32
    %dma_start3A_30 = tpu.memref_slice %arg13[%dma_start3A_28, %dma_start3A_29] : memref<320x128xf32, #tpu.memory_space<vmem>> -> memref<80x128xf32, #tpu.memory_space<vmem>>
    %dma_start3A_31 = arith.constant 240 : i32
    %dma_start3A_32 = tpu.memref_slice %arg12[%dma_start3A_31] : memref<320xi32, #tpu.memory_space<vmem>> -> memref<80xi32, #tpu.memory_space<vmem>>
    %dma_start3A_33 = arith.constant 0 : i32
    %dma_start3A_34 = arith.constant 0 : i32
    %dma_start3A_35 = tpu.memref_slice %arg2[%dma_start3A_33, %dma_start3A_34] : memref<50000x128xf32, #tpu.memory_space<hbm>> -> memref<50000x128xf32, #tpu.memory_space<hbm>>
    tpu.enqueue_indirect_dma source(%dma_start3A_35 : memref<50000x128xf32, #tpu.memory_space<hbm>>) target(%dma_start3A_30 : memref<80x128xf32, #tpu.memory_space<vmem>>) offsets(%dma_start3A_32 : memref<80xi32, #tpu.memory_space<vmem>>) semaphore(%arg19 : memref<!tpu.dma_semaphore, #tpu.memory_space<semaphore_mem>>)
    %dma_start3A_36 = arith.constant 0 : i32
    %dma_start3A_37 = tpu.memref_slice %arg4[%dma_start3A_36] : memref<1800000xi32, #tpu.memory_space<hbm>> -> memref<1800000xi32, #tpu.memory_space<hbm>>
    tpu.enqueue_indirect_dma source(%dma_start3A_37 : memref<1800000xi32, #tpu.memory_space<hbm>>) target(%arg15 : memref<5760xi32, #tpu.memory_space<vmem>>) offsets(%arg14 : memref<5760xi32, #tpu.memory_space<vmem>>) semaphore(%arg19 : memref<!tpu.dma_semaphore, #tpu.memory_space<semaphore_mem>>)
    %dma_start3A_38 = arith.constant 0 : i32
    %dma_start3A_39 = tpu.memref_slice %arg5[%dma_start3A_38] : memref<1800000xf32, #tpu.memory_space<hbm>> -> memref<1800000xf32, #tpu.memory_space<hbm>>
    tpu.enqueue_indirect_dma source(%dma_start3A_39 : memref<1800000xf32, #tpu.memory_space<hbm>>) target(%arg16 : memref<5760xf32, #tpu.memory_space<vmem>>) offsets(%arg14 : memref<5760xi32, #tpu.memory_space<vmem>>) semaphore(%arg19 : memref<!tpu.dma_semaphore, #tpu.memory_space<semaphore_mem>>)
    %dma_start3A_40 = arith.constant 0 : i32
    %dma_start3A_41 = tpu.memref_slice %arg6[%dma_start3A_40] : memref<1800000xi32, #tpu.memory_space<hbm>> -> memref<1800000xi32, #tpu.memory_space<hbm>>
    tpu.enqueue_indirect_dma source(%dma_start3A_41 : memref<1800000xi32, #tpu.memory_space<hbm>>) target(%arg17 : memref<5760xi32, #tpu.memory_space<vmem>>) offsets(%arg14 : memref<5760xi32, #tpu.memory_space<vmem>>) semaphore(%arg19 : memref<!tpu.dma_semaphore, #tpu.memory_space<semaphore_mem>>)
    %dma_wait3A = arith.constant 0 : i32
    %dma_wait3A_42 = arith.constant 0 : i32
    %dma_wait3A_43 = tpu.memref_slice %arg13[%dma_wait3A, %dma_wait3A_42] : memref<320x128xf32, #tpu.memory_space<vmem>> -> memref<80x128xf32, #tpu.memory_space<vmem>>
    %dma_wait3A_44 = arith.constant 0 : i32
    %dma_wait3A_45 = tpu.memref_slice %arg12[%dma_wait3A_44] : memref<320xi32, #tpu.memory_space<vmem>> -> memref<80xi32, #tpu.memory_space<vmem>>
    %dma_wait3A_46 = arith.constant 0 : i32
    %dma_wait3A_47 = arith.constant 0 : i32
    %dma_wait3A_48 = tpu.memref_slice %arg2[%dma_wait3A_46, %dma_wait3A_47] : memref<50000x128xf32, #tpu.memory_space<hbm>> -> memref<50000x128xf32, #tpu.memory_space<hbm>>
    tpu.wait_indirect_dma semaphore(%arg19 : memref<!tpu.dma_semaphore, #tpu.memory_space<semaphore_mem>>) src(%dma_wait3A_48 : memref<50000x128xf32, #tpu.memory_space<hbm>>) dst(%dma_wait3A_43 : memref<80x128xf32, #tpu.memory_space<vmem>>)
    %dma_wait3A_49 = arith.constant 80 : i32
    %dma_wait3A_50 = arith.constant 0 : i32
    %dma_wait3A_51 = tpu.memref_slice %arg13[%dma_wait3A_49, %dma_wait3A_50] : memref<320x128xf32, #tpu.memory_space<vmem>> -> memref<80x128xf32, #tpu.memory_space<vmem>>
    %dma_wait3A_52 = arith.constant 80 : i32
    %dma_wait3A_53 = tpu.memref_slice %arg12[%dma_wait3A_52] : memref<320xi32, #tpu.memory_space<vmem>> -> memref<80xi32, #tpu.memory_space<vmem>>
    %dma_wait3A_54 = arith.constant 0 : i32
    %dma_wait3A_55 = arith.constant 0 : i32
    %dma_wait3A_56 = tpu.memref_slice %arg2[%dma_wait3A_54, %dma_wait3A_55] : memref<50000x128xf32, #tpu.memory_space<hbm>> -> memref<50000x128xf32, #tpu.memory_space<hbm>>
    tpu.wait_indirect_dma semaphore(%arg19 : memref<!tpu.dma_semaphore, #tpu.memory_space<semaphore_mem>>) src(%dma_wait3A_56 : memref<50000x128xf32, #tpu.memory_space<hbm>>) dst(%dma_wait3A_51 : memref<80x128xf32, #tpu.memory_space<vmem>>)
    %dma_wait3A_57 = arith.constant 160 : i32
    %dma_wait3A_58 = arith.constant 0 : i32
    %dma_wait3A_59 = tpu.memref_slice %arg13[%dma_wait3A_57, %dma_wait3A_58] : memref<320x128xf32, #tpu.memory_space<vmem>> -> memref<80x128xf32, #tpu.memory_space<vmem>>
    %dma_wait3A_60 = arith.constant 160 : i32
    %dma_wait3A_61 = tpu.memref_slice %arg12[%dma_wait3A_60] : memref<320xi32, #tpu.memory_space<vmem>> -> memref<80xi32, #tpu.memory_space<vmem>>
    %dma_wait3A_62 = arith.constant 0 : i32
    %dma_wait3A_63 = arith.constant 0 : i32
    %dma_wait3A_64 = tpu.memref_slice %arg2[%dma_wait3A_62, %dma_wait3A_63] : memref<50000x128xf32, #tpu.memory_space<hbm>> -> memref<50000x128xf32, #tpu.memory_space<hbm>>
    tpu.wait_indirect_dma semaphore(%arg19 : memref<!tpu.dma_semaphore, #tpu.memory_space<semaphore_mem>>) src(%dma_wait3A_64 : memref<50000x128xf32, #tpu.memory_space<hbm>>) dst(%dma_wait3A_59 : memref<80x128xf32, #tpu.memory_space<vmem>>)
    %dma_wait3A_65 = arith.constant 240 : i32
    %dma_wait3A_66 = arith.constant 0 : i32
    %dma_wait3A_67 = tpu.memref_slice %arg13[%dma_wait3A_65, %dma_wait3A_66] : memref<320x128xf32, #tpu.memory_space<vmem>> -> memref<80x128xf32, #tpu.memory_space<vmem>>
    %dma_wait3A_68 = arith.constant 240 : i32
    %dma_wait3A_69 = tpu.memref_slice %arg12[%dma_wait3A_68] : memref<320xi32, #tpu.memory_space<vmem>> -> memref<80xi32, #tpu.memory_space<vmem>>
    %dma_wait3A_70 = arith.constant 0 : i32
    %dma_wait3A_71 = arith.constant 0 : i32
    %dma_wait3A_72 = tpu.memref_slice %arg2[%dma_wait3A_70, %dma_wait3A_71] : memref<50000x128xf32, #tpu.memory_space<hbm>> -> memref<50000x128xf32, #tpu.memory_space<hbm>>
    tpu.wait_indirect_dma semaphore(%arg19 : memref<!tpu.dma_semaphore, #tpu.memory_space<semaphore_mem>>) src(%dma_wait3A_72 : memref<50000x128xf32, #tpu.memory_space<hbm>>) dst(%dma_wait3A_67 : memref<80x128xf32, #tpu.memory_space<vmem>>)
    %dma_wait3A_73 = arith.constant 0 : i32
    %dma_wait3A_74 = tpu.memref_slice %arg4[%dma_wait3A_73] : memref<1800000xi32, #tpu.memory_space<hbm>> -> memref<1800000xi32, #tpu.memory_space<hbm>>
    tpu.wait_indirect_dma semaphore(%arg19 : memref<!tpu.dma_semaphore, #tpu.memory_space<semaphore_mem>>) src(%dma_wait3A_74 : memref<1800000xi32, #tpu.memory_space<hbm>>) dst(%arg15 : memref<5760xi32, #tpu.memory_space<vmem>>)
    %dma_wait3A_75 = arith.constant 0 : i32
    %dma_wait3A_76 = tpu.memref_slice %arg5[%dma_wait3A_75] : memref<1800000xf32, #tpu.memory_space<hbm>> -> memref<1800000xf32, #tpu.memory_space<hbm>>
    tpu.wait_indirect_dma semaphore(%arg19 : memref<!tpu.dma_semaphore, #tpu.memory_space<semaphore_mem>>) src(%dma_wait3A_76 : memref<1800000xf32, #tpu.memory_space<hbm>>) dst(%arg16 : memref<5760xf32, #tpu.memory_space<vmem>>)
    %dma_wait3A_77 = arith.constant 0 : i32
    %dma_wait3A_78 = tpu.memref_slice %arg6[%dma_wait3A_77] : memref<1800000xi32, #tpu.memory_space<hbm>> -> memref<1800000xi32, #tpu.memory_space<hbm>>
    tpu.wait_indirect_dma semaphore(%arg19 : memref<!tpu.dma_semaphore, #tpu.memory_space<semaphore_mem>>) src(%dma_wait3A_78 : memref<1800000xi32, #tpu.memory_space<hbm>>) dst(%arg17 : memref<5760xi32, #tpu.memory_space<vmem>>)
    "tpu.region"() ({
      %run_scoped3A = tpu.sem_alloc : memref<!tpu.dma_semaphore, #tpu.memory_space<semaphore_mem>>
      %dma_start3A_84 = arith.constant 0 : i32
      %dma_start3A_85 = tpu.memref_slice %arg8[%mul3A_2, %dma_start3A_84] : memref<10240x128xf32, #tpu.memory_space<hbm>> -> memref<320x128xf32, #tpu.memory_space<hbm>>
      %dma_start3A_86 = arith.constant 0 : i32
      %dma_start3A_87 = tpu.memref_slice %arg8[%mul3A_2, %dma_start3A_86] : memref<10240x128xf32, #tpu.memory_space<hbm>> -> memref<320x128xf32, #tpu.memory_space<hbm>>
      tpu.enqueue_dma source(%arg13 : memref<320x128xf32, #tpu.memory_space<vmem>>) target(%dma_start3A_87 : memref<320x128xf32, #tpu.memory_space<hbm>>) target_semaphore(%run_scoped3A : memref<!tpu.dma_semaphore, #tpu.memory_space<semaphore_mem>>)
      %dma_wait3A_88 = arith.constant 0 : i32
      %dma_wait3A_89 = tpu.memref_slice %arg8[%mul3A_2, %dma_wait3A_88] : memref<10240x128xf32, #tpu.memory_space<hbm>> -> memref<320x128xf32, #tpu.memory_space<hbm>>
      %dma_wait3A_90 = arith.constant 0 : i32
      %dma_wait3A_91 = tpu.memref_slice %arg8[%mul3A_2, %dma_wait3A_90] : memref<10240x128xf32, #tpu.memory_space<hbm>> -> memref<320x128xf32, #tpu.memory_space<hbm>>
      tpu.wait_dma2 semaphore(%run_scoped3A : memref<!tpu.dma_semaphore, #tpu.memory_space<semaphore_mem>>) src(%arg13 : memref<320x128xf32, #tpu.memory_space<vmem>>) dst(%dma_wait3A_91 : memref<320x128xf32, #tpu.memory_space<hbm>>)
      tpu.yield
    }) : () -> ()
    "tpu.region"() ({
      %run_scoped3A = tpu.sem_alloc : memref<!tpu.dma_semaphore, #tpu.memory_space<semaphore_mem>>
      %dma_start3A_84 = tpu.memref_slice %arg10[%mul3A_4] : memref<184320xf32, #tpu.memory_space<hbm>> -> memref<5760xf32, #tpu.memory_space<hbm>>
      %dma_start3A_85 = tpu.memref_slice %arg10[%mul3A_4] : memref<184320xf32, #tpu.memory_space<hbm>> -> memref<5760xf32, #tpu.memory_space<hbm>>
      tpu.enqueue_dma source(%arg16 : memref<5760xf32, #tpu.memory_space<vmem>>) target(%dma_start3A_85 : memref<5760xf32, #tpu.memory_space<hbm>>) target_semaphore(%run_scoped3A : memref<!tpu.dma_semaphore, #tpu.memory_space<semaphore_mem>>)
      %dma_wait3A_86 = tpu.memref_slice %arg10[%mul3A_4] : memref<184320xf32, #tpu.memory_space<hbm>> -> memref<5760xf32, #tpu.memory_space<hbm>>
      %dma_wait3A_87 = tpu.memref_slice %arg10[%mul3A_4] : memref<184320xf32, #tpu.memory_space<hbm>> -> memref<5760xf32, #tpu.memory_space<hbm>>
      tpu.wait_dma2 semaphore(%run_scoped3A : memref<!tpu.dma_semaphore, #tpu.memory_space<semaphore_mem>>) src(%arg16 : memref<5760xf32, #tpu.memory_space<vmem>>) dst(%dma_wait3A_87 : memref<5760xf32, #tpu.memory_space<hbm>>)
      tpu.yield
    }) : () -> ()
    "tpu.region"() ({
      %run_scoped3A = tpu.sem_alloc : memref<!tpu.dma_semaphore, #tpu.memory_space<semaphore_mem>>
      %dma_start3A_84 = tpu.memref_slice %arg11[%mul3A_4] : memref<184320xi32, #tpu.memory_space<hbm>> -> memref<5760xi32, #tpu.memory_space<hbm>>
      %dma_start3A_85 = tpu.memref_slice %arg11[%mul3A_4] : memref<184320xi32, #tpu.memory_space<hbm>> -> memref<5760xi32, #tpu.memory_space<hbm>>
      tpu.enqueue_dma source(%arg17 : memref<5760xi32, #tpu.memory_space<vmem>>) target(%dma_start3A_85 : memref<5760xi32, #tpu.memory_space<hbm>>) target_semaphore(%run_scoped3A : memref<!tpu.dma_semaphore, #tpu.memory_space<semaphore_mem>>)
      %dma_wait3A_86 = tpu.memref_slice %arg11[%mul3A_4] : memref<184320xi32, #tpu.memory_space<hbm>> -> memref<5760xi32, #tpu.memory_space<hbm>>
      %dma_wait3A_87 = tpu.memref_slice %arg11[%mul3A_4] : memref<184320xi32, #tpu.memory_space<hbm>> -> memref<5760xi32, #tpu.memory_space<hbm>>
      tpu.wait_dma2 semaphore(%run_scoped3A : memref<!tpu.dma_semaphore, #tpu.memory_space<semaphore_mem>>) src(%arg17 : memref<5760xi32, #tpu.memory_space<vmem>>) dst(%dma_wait3A_87 : memref<5760xi32, #tpu.memory_space<hbm>>)
      tpu.yield
    }) : () -> ()
    %scan3A = arith.constant 0 : i32
    %scan3A_79 = arith.constant 0 : i32
    %scan3A_80 = arith.constant 15 : i32
    %scan3A_81 = arith.addi %scan3A_79, %scan3A_80 : i32
    %scan3A_82 = arith.constant 1 : i32
    scf.for %scan3A_84 = %scan3A_79 to %scan3A_81 step %scan3A_82  : i32 {
      %mul3A_85 = arith.constant 384 : i32
      %mul3A_86 = arith.muli %scan3A_84, %mul3A_85 : i32
      %multiple_of3A = tpu.assume_multiple %mul3A_86, 384 : i32
      %add3A_87 = arith.constant 0 : i32
      %add3A_88 = arith.addi %multiple_of3A, %add3A_87 : i32
      %dma_start3A_89 = arith.constant 0 : i32
      %dma_start3A_90 = arith.constant 0 : i32
      %dma_start3A_91 = arith.constant 0 : i32
      %dma_start3A_92 = tpu.memref_slice %arg18[%dma_start3A_89, %dma_start3A_90, %dma_start3A_91] : memref<3x128x128xf32, #tpu.memory_space<vmem>> -> memref<1x128x128xf32, #tpu.memory_space<vmem>>
      %dma_start3A_93 = tpu.memref_squeeze %dma_start3A_92 : memref<1x128x128xf32, #tpu.memory_space<vmem>> -> memref<128x128xf32, #tpu.memory_space<vmem>>
      %dma_start3A_94 = tpu.memref_slice %arg15[%add3A_88] : memref<5760xi32, #tpu.memory_space<vmem>> -> memref<128xi32, #tpu.memory_space<vmem>>
      %dma_start3A_95 = arith.constant 0 : i32
      %dma_start3A_96 = arith.constant 0 : i32
      %dma_start3A_97 = tpu.memref_slice %arg2[%dma_start3A_95, %dma_start3A_96] : memref<50000x128xf32, #tpu.memory_space<hbm>> -> memref<50000x128xf32, #tpu.memory_space<hbm>>
      tpu.enqueue_indirect_dma source(%dma_start3A_97 : memref<50000x128xf32, #tpu.memory_space<hbm>>) target(%dma_start3A_93 : memref<128x128xf32, #tpu.memory_space<vmem>>) offsets(%dma_start3A_94 : memref<128xi32, #tpu.memory_space<vmem>>) semaphore(%arg19 : memref<!tpu.dma_semaphore, #tpu.memory_space<semaphore_mem>>)
      %add3A_98 = arith.constant 128 : i32
      %add3A_99 = arith.addi %multiple_of3A, %add3A_98 : i32
      %dma_start3A_100 = arith.constant 1 : i32
      %dma_start3A_101 = arith.constant 0 : i32
      %dma_start3A_102 = arith.constant 0 : i32
      %dma_start3A_103 = tpu.memref_slice %arg18[%dma_start3A_100, %dma_start3A_101, %dma_start3A_102] : memref<3x128x128xf32, #tpu.memory_space<vmem>> -> memref<1x128x128xf32, #tpu.memory_space<vmem>>
      %dma_start3A_104 = tpu.memref_squeeze %dma_start3A_103 : memref<1x128x128xf32, #tpu.memory_space<vmem>> -> memref<128x128xf32, #tpu.memory_space<vmem>>
      %dma_start3A_105 = tpu.memref_slice %arg15[%add3A_99] : memref<5760xi32, #tpu.memory_space<vmem>> -> memref<128xi32, #tpu.memory_space<vmem>>
      %dma_start3A_106 = arith.constant 0 : i32
      %dma_start3A_107 = arith.constant 0 : i32
      %dma_start3A_108 = tpu.memref_slice %arg2[%dma_start3A_106, %dma_start3A_107] : memref<50000x128xf32, #tpu.memory_space<hbm>> -> memref<50000x128xf32, #tpu.memory_space<hbm>>
      tpu.enqueue_indirect_dma source(%dma_start3A_108 : memref<50000x128xf32, #tpu.memory_space<hbm>>) target(%dma_start3A_104 : memref<128x128xf32, #tpu.memory_space<vmem>>) offsets(%dma_start3A_105 : memref<128xi32, #tpu.memory_space<vmem>>) semaphore(%arg19 : memref<!tpu.dma_semaphore, #tpu.memory_space<semaphore_mem>>)
      %add3A_109 = arith.constant 256 : i32
      %add3A_110 = arith.addi %multiple_of3A, %add3A_109 : i32
      %dma_start3A_111 = arith.constant 2 : i32
      %dma_start3A_112 = arith.constant 0 : i32
      %dma_start3A_113 = arith.constant 0 : i32
      %dma_start3A_114 = tpu.memref_slice %arg18[%dma_start3A_111, %dma_start3A_112, %dma_start3A_113] : memref<3x128x128xf32, #tpu.memory_space<vmem>> -> memref<1x128x128xf32, #tpu.memory_space<vmem>>
      %dma_start3A_115 = tpu.memref_squeeze %dma_start3A_114 : memref<1x128x128xf32, #tpu.memory_space<vmem>> -> memref<128x128xf32, #tpu.memory_space<vmem>>
      %dma_start3A_116 = tpu.memref_slice %arg15[%add3A_110] : memref<5760xi32, #tpu.memory_space<vmem>> -> memref<128xi32, #tpu.memory_space<vmem>>
      %dma_start3A_117 = arith.constant 0 : i32
      %dma_start3A_118 = arith.constant 0 : i32
      %dma_start3A_119 = tpu.memref_slice %arg2[%dma_start3A_117, %dma_start3A_118] : memref<50000x128xf32, #tpu.memory_space<hbm>> -> memref<50000x128xf32, #tpu.memory_space<hbm>>
      tpu.enqueue_indirect_dma source(%dma_start3A_119 : memref<50000x128xf32, #tpu.memory_space<hbm>>) target(%dma_start3A_115 : memref<128x128xf32, #tpu.memory_space<vmem>>) offsets(%dma_start3A_116 : memref<128xi32, #tpu.memory_space<vmem>>) semaphore(%arg19 : memref<!tpu.dma_semaphore, #tpu.memory_space<semaphore_mem>>)
      %dma_wait3A_120 = arith.constant 0 : i32
      %dma_wait3A_121 = arith.constant 0 : i32
      %dma_wait3A_122 = arith.constant 0 : i32
      %dma_wait3A_123 = tpu.memref_slice %arg18[%dma_wait3A_120, %dma_wait3A_121, %dma_wait3A_122] : memref<3x128x128xf32, #tpu.memory_space<vmem>> -> memref<1x128x128xf32, #tpu.memory_space<vmem>>
      %dma_wait3A_124 = tpu.memref_squeeze %dma_wait3A_123 : memref<1x128x128xf32, #tpu.memory_space<vmem>> -> memref<128x128xf32, #tpu.memory_space<vmem>>
      %dma_wait3A_125 = tpu.memref_slice %arg15[%add3A_88] : memref<5760xi32, #tpu.memory_space<vmem>> -> memref<128xi32, #tpu.memory_space<vmem>>
      %dma_wait3A_126 = arith.constant 0 : i32
      %dma_wait3A_127 = arith.constant 0 : i32
      %dma_wait3A_128 = tpu.memref_slice %arg2[%dma_wait3A_126, %dma_wait3A_127] : memref<50000x128xf32, #tpu.memory_space<hbm>> -> memref<50000x128xf32, #tpu.memory_space<hbm>>
      tpu.wait_indirect_dma semaphore(%arg19 : memref<!tpu.dma_semaphore, #tpu.memory_space<semaphore_mem>>) src(%dma_wait3A_128 : memref<50000x128xf32, #tpu.memory_space<hbm>>) dst(%dma_wait3A_124 : memref<128x128xf32, #tpu.memory_space<vmem>>)
      %add3A_129 = arith.addi %mul3A_4, %multiple_of3A : i32
      %add3A_130 = arith.constant 0 : i32
      %add3A_131 = arith.addi %add3A_129, %add3A_130 : i32
      %dma_start3A_132 = arith.constant 0 : i32
      %dma_start3A_133 = arith.constant 0 : i32
      %dma_start3A_134 = arith.constant 0 : i32
      %dma_start3A_135 = tpu.memref_slice %arg18[%dma_start3A_132, %dma_start3A_133, %dma_start3A_134] : memref<3x128x128xf32, #tpu.memory_space<vmem>> -> memref<1x128x128xf32, #tpu.memory_space<vmem>>
      %dma_start3A_136 = tpu.memref_squeeze %dma_start3A_135 : memref<1x128x128xf32, #tpu.memory_space<vmem>> -> memref<128x128xf32, #tpu.memory_space<vmem>>
      %dma_start3A_137 = arith.constant 0 : i32
      %dma_start3A_138 = tpu.memref_slice %arg9[%add3A_131, %dma_start3A_137] : memref<184320x128xf32, #tpu.memory_space<hbm>> -> memref<128x128xf32, #tpu.memory_space<hbm>>
      %dma_start3A_139 = arith.constant 0 : i32
      %dma_start3A_140 = tpu.memref_slice %arg9[%add3A_131, %dma_start3A_139] : memref<184320x128xf32, #tpu.memory_space<hbm>> -> memref<128x128xf32, #tpu.memory_space<hbm>>
      %dma_start3A_141 = arith.constant 0 : i32
      %dma_start3A_142 = arith.constant 0 : i32
      %dma_start3A_143 = tpu.memref_slice %arg18[%dma_start3A_132, %dma_start3A_141, %dma_start3A_142] : memref<3x128x128xf32, #tpu.memory_space<vmem>> -> memref<1x128x128xf32, #tpu.memory_space<vmem>>
      %dma_start3A_144 = tpu.memref_squeeze %dma_start3A_143 : memref<1x128x128xf32, #tpu.memory_space<vmem>> -> memref<128x128xf32, #tpu.memory_space<vmem>>
      tpu.enqueue_dma source(%dma_start3A_144 : memref<128x128xf32, #tpu.memory_space<vmem>>) target(%dma_start3A_140 : memref<128x128xf32, #tpu.memory_space<hbm>>) target_semaphore(%arg20 : memref<!tpu.dma_semaphore, #tpu.memory_space<semaphore_mem>>)
      %dma_wait3A_145 = arith.constant 1 : i32
      %dma_wait3A_146 = arith.constant 0 : i32
      %dma_wait3A_147 = arith.constant 0 : i32
      %dma_wait3A_148 = tpu.memref_slice %arg18[%dma_wait3A_145, %dma_wait3A_146, %dma_wait3A_147] : memref<3x128x128xf32, #tpu.memory_space<vmem>> -> memref<1x128x128xf32, #tpu.memory_space<vmem>>
      %dma_wait3A_149 = tpu.memref_squeeze %dma_wait3A_148 : memref<1x128x128xf32, #tpu.memory_space<vmem>> -> memref<128x128xf32, #tpu.memory_space<vmem>>
      %dma_wait3A_150 = tpu.memref_slice %arg15[%add3A_99] : memref<5760xi32, #tpu.memory_space<vmem>> -> memref<128xi32, #tpu.memory_space<vmem>>
      %dma_wait3A_151 = arith.constant 0 : i32
      %dma_wait3A_152 = arith.constant 0 : i32
      %dma_wait3A_153 = tpu.memref_slice %arg2[%dma_wait3A_151, %dma_wait3A_152] : memref<50000x128xf32, #tpu.memory_space<hbm>> -> memref<50000x128xf32, #tpu.memory_space<hbm>>
      tpu.wait_indirect_dma semaphore(%arg19 : memref<!tpu.dma_semaphore, #tpu.memory_space<semaphore_mem>>) src(%dma_wait3A_153 : memref<50000x128xf32, #tpu.memory_space<hbm>>) dst(%dma_wait3A_149 : memref<128x128xf32, #tpu.memory_space<vmem>>)
      %add3A_154 = arith.addi %mul3A_4, %multiple_of3A : i32
      %add3A_155 = arith.constant 128 : i32
      %add3A_156 = arith.addi %add3A_154, %add3A_155 : i32
      %dma_start3A_157 = arith.constant 1 : i32
      %dma_start3A_158 = arith.constant 0 : i32
      %dma_start3A_159 = arith.constant 0 : i32
      %dma_start3A_160 = tpu.memref_slice %arg18[%dma_start3A_157, %dma_start3A_158, %dma_start3A_159] : memref<3x128x128xf32, #tpu.memory_space<vmem>> -> memref<1x128x128xf32, #tpu.memory_space<vmem>>
      %dma_start3A_161 = tpu.memref_squeeze %dma_start3A_160 : memref<1x128x128xf32, #tpu.memory_space<vmem>> -> memref<128x128xf32, #tpu.memory_space<vmem>>
      %dma_start3A_162 = arith.constant 0 : i32
      %dma_start3A_163 = tpu.memref_slice %arg9[%add3A_156, %dma_start3A_162] : memref<184320x128xf32, #tpu.memory_space<hbm>> -> memref<128x128xf32, #tpu.memory_space<hbm>>
      %dma_start3A_164 = arith.constant 0 : i32
      %dma_start3A_165 = tpu.memref_slice %arg9[%add3A_156, %dma_start3A_164] : memref<184320x128xf32, #tpu.memory_space<hbm>> -> memref<128x128xf32, #tpu.memory_space<hbm>>
      %dma_start3A_166 = arith.constant 0 : i32
      %dma_start3A_167 = arith.constant 0 : i32
      %dma_start3A_168 = tpu.memref_slice %arg18[%dma_start3A_157, %dma_start3A_166, %dma_start3A_167] : memref<3x128x128xf32, #tpu.memory_space<vmem>> -> memref<1x128x128xf32, #tpu.memory_space<vmem>>
      %dma_start3A_169 = tpu.memref_squeeze %dma_start3A_168 : memref<1x128x128xf32, #tpu.memory_space<vmem>> -> memref<128x128xf32, #tpu.memory_space<vmem>>
      tpu.enqueue_dma source(%dma_start3A_169 : memref<128x128xf32, #tpu.memory_space<vmem>>) target(%dma_start3A_165 : memref<128x128xf32, #tpu.memory_space<hbm>>) target_semaphore(%arg20 : memref<!tpu.dma_semaphore, #tpu.memory_space<semaphore_mem>>)
      %dma_wait3A_170 = arith.constant 2 : i32
      %dma_wait3A_171 = arith.constant 0 : i32
      %dma_wait3A_172 = arith.constant 0 : i32
      %dma_wait3A_173 = tpu.memref_slice %arg18[%dma_wait3A_170, %dma_wait3A_171, %dma_wait3A_172] : memref<3x128x128xf32, #tpu.memory_space<vmem>> -> memref<1x128x128xf32, #tpu.memory_space<vmem>>
      %dma_wait3A_174 = tpu.memref_squeeze %dma_wait3A_173 : memref<1x128x128xf32, #tpu.memory_space<vmem>> -> memref<128x128xf32, #tpu.memory_space<vmem>>
      %dma_wait3A_175 = tpu.memref_slice %arg15[%add3A_110] : memref<5760xi32, #tpu.memory_space<vmem>> -> memref<128xi32, #tpu.memory_space<vmem>>
      %dma_wait3A_176 = arith.constant 0 : i32
      %dma_wait3A_177 = arith.constant 0 : i32
      %dma_wait3A_178 = tpu.memref_slice %arg2[%dma_wait3A_176, %dma_wait3A_177] : memref<50000x128xf32, #tpu.memory_space<hbm>> -> memref<50000x128xf32, #tpu.memory_space<hbm>>
      tpu.wait_indirect_dma semaphore(%arg19 : memref<!tpu.dma_semaphore, #tpu.memory_space<semaphore_mem>>) src(%dma_wait3A_178 : memref<50000x128xf32, #tpu.memory_space<hbm>>) dst(%dma_wait3A_174 : memref<128x128xf32, #tpu.memory_space<vmem>>)
      %add3A_179 = arith.addi %mul3A_4, %multiple_of3A : i32
      %add3A_180 = arith.constant 256 : i32
      %add3A_181 = arith.addi %add3A_179, %add3A_180 : i32
      %dma_start3A_182 = arith.constant 2 : i32
      %dma_start3A_183 = arith.constant 0 : i32
      %dma_start3A_184 = arith.constant 0 : i32
      %dma_start3A_185 = tpu.memref_slice %arg18[%dma_start3A_182, %dma_start3A_183, %dma_start3A_184] : memref<3x128x128xf32, #tpu.memory_space<vmem>> -> memref<1x128x128xf32, #tpu.memory_space<vmem>>
      %dma_start3A_186 = tpu.memref_squeeze %dma_start3A_185 : memref<1x128x128xf32, #tpu.memory_space<vmem>> -> memref<128x128xf32, #tpu.memory_space<vmem>>
      %dma_start3A_187 = arith.constant 0 : i32
      %dma_start3A_188 = tpu.memref_slice %arg9[%add3A_181, %dma_start3A_187] : memref<184320x128xf32, #tpu.memory_space<hbm>> -> memref<128x128xf32, #tpu.memory_space<hbm>>
      %dma_start3A_189 = arith.constant 0 : i32
      %dma_start3A_190 = tpu.memref_slice %arg9[%add3A_181, %dma_start3A_189] : memref<184320x128xf32, #tpu.memory_space<hbm>> -> memref<128x128xf32, #tpu.memory_space<hbm>>
      %dma_start3A_191 = arith.constant 0 : i32
      %dma_start3A_192 = arith.constant 0 : i32
      %dma_start3A_193 = tpu.memref_slice %arg18[%dma_start3A_182, %dma_start3A_191, %dma_start3A_192] : memref<3x128x128xf32, #tpu.memory_space<vmem>> -> memref<1x128x128xf32, #tpu.memory_space<vmem>>
      %dma_start3A_194 = tpu.memref_squeeze %dma_start3A_193 : memref<1x128x128xf32, #tpu.memory_space<vmem>> -> memref<128x128xf32, #tpu.memory_space<vmem>>
      tpu.enqueue_dma source(%dma_start3A_194 : memref<128x128xf32, #tpu.memory_space<vmem>>) target(%dma_start3A_190 : memref<128x128xf32, #tpu.memory_space<hbm>>) target_semaphore(%arg20 : memref<!tpu.dma_semaphore, #tpu.memory_space<semaphore_mem>>)
      %dma_wait3A_195 = arith.constant 0 : i32
      %dma_wait3A_196 = arith.constant 0 : i32
      %dma_wait3A_197 = arith.constant 0 : i32
      %dma_wait3A_198 = tpu.memref_slice %arg18[%dma_wait3A_195, %dma_wait3A_196, %dma_wait3A_197] : memref<3x128x128xf32, #tpu.memory_space<vmem>> -> memref<1x128x128xf32, #tpu.memory_space<vmem>>
      %dma_wait3A_199 = tpu.memref_squeeze %dma_wait3A_198 : memref<1x128x128xf32, #tpu.memory_space<vmem>> -> memref<128x128xf32, #tpu.memory_space<vmem>>
      %dma_wait3A_200 = arith.constant 0 : i32
      %dma_wait3A_201 = tpu.memref_slice %arg9[%add3A_131, %dma_wait3A_200] : memref<184320x128xf32, #tpu.memory_space<hbm>> -> memref<128x128xf32, #tpu.memory_space<hbm>>
      %dma_wait3A_202 = arith.constant 0 : i32
      %dma_wait3A_203 = tpu.memref_slice %arg9[%add3A_131, %dma_wait3A_202] : memref<184320x128xf32, #tpu.memory_space<hbm>> -> memref<128x128xf32, #tpu.memory_space<hbm>>
      %dma_wait3A_204 = arith.constant 0 : i32
      %dma_wait3A_205 = arith.constant 0 : i32
      %dma_wait3A_206 = tpu.memref_slice %arg18[%dma_wait3A_195, %dma_wait3A_204, %dma_wait3A_205] : memref<3x128x128xf32, #tpu.memory_space<vmem>> -> memref<1x128x128xf32, #tpu.memory_space<vmem>>
      %dma_wait3A_207 = tpu.memref_squeeze %dma_wait3A_206 : memref<1x128x128xf32, #tpu.memory_space<vmem>> -> memref<128x128xf32, #tpu.memory_space<vmem>>
      tpu.wait_dma2 semaphore(%arg20 : memref<!tpu.dma_semaphore, #tpu.memory_space<semaphore_mem>>) src(%dma_wait3A_207 : memref<128x128xf32, #tpu.memory_space<vmem>>) dst(%dma_wait3A_203 : memref<128x128xf32, #tpu.memory_space<hbm>>)
      %dma_wait3A_208 = arith.constant 1 : i32
      %dma_wait3A_209 = arith.constant 0 : i32
      %dma_wait3A_210 = arith.constant 0 : i32
      %dma_wait3A_211 = tpu.memref_slice %arg18[%dma_wait3A_208, %dma_wait3A_209, %dma_wait3A_210] : memref<3x128x128xf32, #tpu.memory_space<vmem>> -> memref<1x128x128xf32, #tpu.memory_space<vmem>>
      %dma_wait3A_212 = tpu.memref_squeeze %dma_wait3A_211 : memref<1x128x128xf32, #tpu.memory_space<vmem>> -> memref<128x128xf32, #tpu.memory_space<vmem>>
      %dma_wait3A_213 = arith.constant 0 : i32
      %dma_wait3A_214 = tpu.memref_slice %arg9[%add3A_156, %dma_wait3A_213] : memref<184320x128xf32, #tpu.memory_space<hbm>> -> memref<128x128xf32, #tpu.memory_space<hbm>>
      %dma_wait3A_215 = arith.constant 0 : i32
      %dma_wait3A_216 = tpu.memref_slice %arg9[%add3A_156, %dma_wait3A_215] : memref<184320x128xf32, #tpu.memory_space<hbm>> -> memref<128x128xf32, #tpu.memory_space<hbm>>
      %dma_wait3A_217 = arith.constant 0 : i32
      %dma_wait3A_218 = arith.constant 0 : i32
      %dma_wait3A_219 = tpu.memref_slice %arg18[%dma_wait3A_208, %dma_wait3A_217, %dma_wait3A_218] : memref<3x128x128xf32, #tpu.memory_space<vmem>> -> memref<1x128x128xf32, #tpu.memory_space<vmem>>
      %dma_wait3A_220 = tpu.memref_squeeze %dma_wait3A_219 : memref<1x128x128xf32, #tpu.memory_space<vmem>> -> memref<128x128xf32, #tpu.memory_space<vmem>>
      tpu.wait_dma2 semaphore(%arg20 : memref<!tpu.dma_semaphore, #tpu.memory_space<semaphore_mem>>) src(%dma_wait3A_220 : memref<128x128xf32, #tpu.memory_space<vmem>>) dst(%dma_wait3A_216 : memref<128x128xf32, #tpu.memory_space<hbm>>)
      %dma_wait3A_221 = arith.constant 2 : i32
      %dma_wait3A_222 = arith.constant 0 : i32
      %dma_wait3A_223 = arith.constant 0 : i32
      %dma_wait3A_224 = tpu.memref_slice %arg18[%dma_wait3A_221, %dma_wait3A_222, %dma_wait3A_223] : memref<3x128x128xf32, #tpu.memory_space<vmem>> -> memref<1x128x128xf32, #tpu.memory_space<vmem>>
      %dma_wait3A_225 = tpu.memref_squeeze %dma_wait3A_224 : memref<1x128x128xf32, #tpu.memory_space<vmem>> -> memref<128x128xf32, #tpu.memory_space<vmem>>
      %dma_wait3A_226 = arith.constant 0 : i32
      %dma_wait3A_227 = tpu.memref_slice %arg9[%add3A_181, %dma_wait3A_226] : memref<184320x128xf32, #tpu.memory_space<hbm>> -> memref<128x128xf32, #tpu.memory_space<hbm>>
      %dma_wait3A_228 = arith.constant 0 : i32
      %dma_wait3A_229 = tpu.memref_slice %arg9[%add3A_181, %dma_wait3A_228] : memref<184320x128xf32, #tpu.memory_space<hbm>> -> memref<128x128xf32, #tpu.memory_space<hbm>>
      %dma_wait3A_230 = arith.constant 0 : i32
      %dma_wait3A_231 = arith.constant 0 : i32
      %dma_wait3A_232 = tpu.memref_slice %arg18[%dma_wait3A_221, %dma_wait3A_230, %dma_wait3A_231] : memref<3x128x128xf32, #tpu.memory_space<vmem>> -> memref<1x128x128xf32, #tpu.memory_space<vmem>>
      %dma_wait3A_233 = tpu.memref_squeeze %dma_wait3A_232 : memref<1x128x128xf32, #tpu.memory_space<vmem>> -> memref<128x128xf32, #tpu.memory_space<vmem>>
      tpu.wait_dma2 semaphore(%arg20 : memref<!tpu.dma_semaphore, #tpu.memory_space<semaphore_mem>>) src(%dma_wait3A_233 : memref<128x128xf32, #tpu.memory_space<vmem>>) dst(%dma_wait3A_229 : memref<128x128xf32, #tpu.memory_space<hbm>>)
    }
    %scan3A_83 = arith.constant 15 : i32
    return
  }
}

module attributes {stable_mosaic.version = 14 : i64} {
  func.func @_t1_local(%arg0: i32, %arg1: memref<10x50x128xf32, #tpu.memory_space<vmem>>, %arg2: memref<10x50x50xi32, #tpu.memory_space<vmem>>, %arg3: memref<4x128xf32, #tpu.memory_space<vmem>>, %arg4: memref<10x50x128xf32, #tpu.memory_space<vmem>>) attributes {dimension_semantics = [#tpu.dimension_semantics<arbitrary>], iteration_bounds = array<i64: 10>, scalar_prefetch = 0 : i64, scratch_operands = 0 : i64, tpu.core_type = #tpu.core_type<tc>, window_params = [{transform_indices = @transform_0, window_bounds = array<i64: 10, 50, 128>}, {transform_indices = @transform_1, window_bounds = array<i64: 10, 50, 50>}, {pipeline_mode = #tpu.pipeline_mode<synchronous>, transform_indices = @transform_2, window_bounds = array<i64: 4, 128>}, {transform_indices = @transform_3, window_bounds = array<i64: 10, 50, 128>}]} {
    %get3A = arith.constant 0 : index
    %get3A_0 = arith.constant 0 : index
    %get3A_1 = arith.constant 0 : index
    %get3A_2 = vector.load %arg1[%get3A, %get3A_0, %get3A_1] : memref<10x50x128xf32, #tpu.memory_space<vmem>>, vector<1x50x128xf32>
    %get3A_3 = vector.shape_cast %get3A_2 : vector<1x50x128xf32> to vector<50x128xf32>
    %get3A_4 = arith.constant 0 : index
    %get3A_5 = arith.constant 0 : index
    %get3A_6 = arith.constant 0 : index
    %get3A_7 = vector.load %arg2[%get3A_4, %get3A_5, %get3A_6] : memref<10x50x50xi32, #tpu.memory_space<vmem>>, vector<1x50x50xi32>
    %get3A_8 = vector.shape_cast %get3A_7 : vector<1x50x50xi32> to vector<50x50xi32>
    %broadcast_in_dim3A = arith.constant -9.000000e+15 : f32
    %broadcast_in_dim3A_9 = vector.broadcast %broadcast_in_dim3A : f32 to vector<50x50xf32>
    %get3A_10 = arith.constant 0 : index
    %get3A_11 = arith.constant 0 : index
    %get3A_12 = vector.load %arg3[%get3A_10, %get3A_11] : memref<4x128xf32, #tpu.memory_space<vmem>>, vector<1x128xf32>
    %get3A_13 = vector.shape_cast %get3A_12 : vector<1x128xf32> to vector<128xf32>
    %broadcast_in_dim3A_14 = vector.shape_cast %get3A_13 : vector<128xf32> to vector<1x128xf32>
    %mul3A = vector.broadcast %broadcast_in_dim3A_14 : vector<1x128xf32> to vector<50x128xf32>
    %mul3A_15 = arith.mulf %get3A_3, %mul3A : vector<50x128xf32>
    %dot_general3A = arith.constant dense<0.000000e+00> : vector<50x50xf32>
    %dot_general3A_16 = tpu.matmul %mul3A_15, %get3A_3, %dot_general3A {dimension_numbers = #tpu.dot_dimension_numbers<[1], [1], [0], [0], [0, 0, 1, 0], [], []>, transpose_lhs_hint = false} : vector<50x128xf32>, vector<50x128xf32>, vector<50x50xf32> -> vector<50x50xf32>
    %gt3A = arith.constant 0.000000e+00 : f32
    %gt3A_17 = vector.broadcast %gt3A : f32 to vector<50x50xf32>
    %gt3A_18 = arith.cmpf ogt, %dot_general3A_16, %gt3A_17 : vector<50x50xf32>
    %mul3A_19 = arith.constant 2.000000e-01 : f32
    %mul3A_20 = vector.broadcast %mul3A_19 : f32 to vector<50x50xf32>
    %mul3A_21 = arith.mulf %mul3A_20, %dot_general3A_16 : vector<50x50xf32>
    %select_n3A = arith.select %gt3A_18, %dot_general3A_16, %mul3A_21 : vector<50x50xi1>, vector<50x50xf32>
    %eq3A = arith.constant 1 : i32
    %eq3A_22 = vector.broadcast %eq3A : i32 to vector<50x50xi32>
    %eq3A_23 = arith.cmpi eq, %get3A_8, %eq3A_22 : vector<50x50xi32>
    %select_n3A_24 = arith.select %eq3A_23, %select_n3A, %broadcast_in_dim3A_9 : vector<50x50xi1>, vector<50x50xf32>
    %get3A_25 = arith.constant 1 : index
    %get3A_26 = arith.constant 0 : index
    %get3A_27 = vector.load %arg3[%get3A_25, %get3A_26] : memref<4x128xf32, #tpu.memory_space<vmem>>, vector<1x128xf32>
    %get3A_28 = vector.shape_cast %get3A_27 : vector<1x128xf32> to vector<128xf32>
    %broadcast_in_dim3A_29 = vector.shape_cast %get3A_28 : vector<128xf32> to vector<1x128xf32>
    %mul3A_30 = vector.broadcast %broadcast_in_dim3A_29 : vector<1x128xf32> to vector<50x128xf32>
    %mul3A_31 = arith.mulf %get3A_3, %mul3A_30 : vector<50x128xf32>
    %dot_general3A_32 = arith.constant dense<0.000000e+00> : vector<50x50xf32>
    %dot_general3A_33 = tpu.matmul %mul3A_31, %get3A_3, %dot_general3A_32 {dimension_numbers = #tpu.dot_dimension_numbers<[1], [1], [0], [0], [0, 0, 1, 0], [], []>, transpose_lhs_hint = false} : vector<50x128xf32>, vector<50x128xf32>, vector<50x50xf32> -> vector<50x50xf32>
    %gt3A_34 = arith.constant 0.000000e+00 : f32
    %gt3A_35 = vector.broadcast %gt3A_34 : f32 to vector<50x50xf32>
    %gt3A_36 = arith.cmpf ogt, %dot_general3A_33, %gt3A_35 : vector<50x50xf32>
    %mul3A_37 = arith.constant 2.000000e-01 : f32
    %mul3A_38 = vector.broadcast %mul3A_37 : f32 to vector<50x50xf32>
    %mul3A_39 = arith.mulf %mul3A_38, %dot_general3A_33 : vector<50x50xf32>
    %select_n3A_40 = arith.select %gt3A_36, %dot_general3A_33, %mul3A_39 : vector<50x50xi1>, vector<50x50xf32>
    %eq3A_41 = arith.constant 2 : i32
    %eq3A_42 = vector.broadcast %eq3A_41 : i32 to vector<50x50xi32>
    %eq3A_43 = arith.cmpi eq, %get3A_8, %eq3A_42 : vector<50x50xi32>
    %select_n3A_44 = arith.select %eq3A_43, %select_n3A_40, %select_n3A_24 : vector<50x50xi1>, vector<50x50xf32>
    %get3A_45 = arith.constant 2 : index
    %get3A_46 = arith.constant 0 : index
    %get3A_47 = vector.load %arg3[%get3A_45, %get3A_46] : memref<4x128xf32, #tpu.memory_space<vmem>>, vector<1x128xf32>
    %get3A_48 = vector.shape_cast %get3A_47 : vector<1x128xf32> to vector<128xf32>
    %broadcast_in_dim3A_49 = vector.shape_cast %get3A_48 : vector<128xf32> to vector<1x128xf32>
    %mul3A_50 = vector.broadcast %broadcast_in_dim3A_49 : vector<1x128xf32> to vector<50x128xf32>
    %mul3A_51 = arith.mulf %get3A_3, %mul3A_50 : vector<50x128xf32>
    %dot_general3A_52 = arith.constant dense<0.000000e+00> : vector<50x50xf32>
    %dot_general3A_53 = tpu.matmul %mul3A_51, %get3A_3, %dot_general3A_52 {dimension_numbers = #tpu.dot_dimension_numbers<[1], [1], [0], [0], [0, 0, 1, 0], [], []>, transpose_lhs_hint = false} : vector<50x128xf32>, vector<50x128xf32>, vector<50x50xf32> -> vector<50x50xf32>
    %gt3A_54 = arith.constant 0.000000e+00 : f32
    %gt3A_55 = vector.broadcast %gt3A_54 : f32 to vector<50x50xf32>
    %gt3A_56 = arith.cmpf ogt, %dot_general3A_53, %gt3A_55 : vector<50x50xf32>
    %mul3A_57 = arith.constant 2.000000e-01 : f32
    %mul3A_58 = vector.broadcast %mul3A_57 : f32 to vector<50x50xf32>
    %mul3A_59 = arith.mulf %mul3A_58, %dot_general3A_53 : vector<50x50xf32>
    %select_n3A_60 = arith.select %gt3A_56, %dot_general3A_53, %mul3A_59 : vector<50x50xi1>, vector<50x50xf32>
    %eq3A_61 = arith.constant 3 : i32
    %eq3A_62 = vector.broadcast %eq3A_61 : i32 to vector<50x50xi32>
    %eq3A_63 = arith.cmpi eq, %get3A_8, %eq3A_62 : vector<50x50xi32>
    %select_n3A_64 = arith.select %eq3A_63, %select_n3A_60, %select_n3A_44 : vector<50x50xi1>, vector<50x50xf32>
    %get3A_65 = arith.constant 3 : index
    %get3A_66 = arith.constant 0 : index
    %get3A_67 = vector.load %arg3[%get3A_65, %get3A_66] : memref<4x128xf32, #tpu.memory_space<vmem>>, vector<1x128xf32>
    %get3A_68 = vector.shape_cast %get3A_67 : vector<1x128xf32> to vector<128xf32>
    %broadcast_in_dim3A_69 = vector.shape_cast %get3A_68 : vector<128xf32> to vector<1x128xf32>
    %mul3A_70 = vector.broadcast %broadcast_in_dim3A_69 : vector<1x128xf32> to vector<50x128xf32>
    %mul3A_71 = arith.mulf %get3A_3, %mul3A_70 : vector<50x128xf32>
    %dot_general3A_72 = arith.constant dense<0.000000e+00> : vector<50x50xf32>
    %dot_general3A_73 = tpu.matmul %mul3A_71, %get3A_3, %dot_general3A_72 {dimension_numbers = #tpu.dot_dimension_numbers<[1], [1], [0], [0], [0, 0, 1, 0], [], []>, transpose_lhs_hint = false} : vector<50x128xf32>, vector<50x128xf32>, vector<50x50xf32> -> vector<50x50xf32>
    %gt3A_74 = arith.constant 0.000000e+00 : f32
    %gt3A_75 = vector.broadcast %gt3A_74 : f32 to vector<50x50xf32>
    %gt3A_76 = arith.cmpf ogt, %dot_general3A_73, %gt3A_75 : vector<50x50xf32>
    %mul3A_77 = arith.constant 2.000000e-01 : f32
    %mul3A_78 = vector.broadcast %mul3A_77 : f32 to vector<50x50xf32>
    %mul3A_79 = arith.mulf %mul3A_78, %dot_general3A_73 : vector<50x50xf32>
    %select_n3A_80 = arith.select %gt3A_76, %dot_general3A_73, %mul3A_79 : vector<50x50xi1>, vector<50x50xf32>
    %eq3A_81 = arith.constant 4 : i32
    %eq3A_82 = vector.broadcast %eq3A_81 : i32 to vector<50x50xi32>
    %eq3A_83 = arith.cmpi eq, %get3A_8, %eq3A_82 : vector<50x50xi32>
    %select_n3A_84 = arith.select %eq3A_83, %select_n3A_80, %select_n3A_64 : vector<50x50xi1>, vector<50x50xf32>
    %reduce_max3A = arith.constant dense<0xFF800000> : vector<50xf32>
    %reduce_max3A_85 = vector.multi_reduction <maximumf>, %select_n3A_84, %reduce_max3A [1] : vector<50x50xf32> to vector<50xf32>
    %broadcast_in_dim3A_86 = vector.shape_cast %reduce_max3A_85 : vector<50xf32> to vector<50x1xf32>
    %sub3A = vector.broadcast %broadcast_in_dim3A_86 : vector<50x1xf32> to vector<50x50xf32>
    %sub3A_87 = arith.subf %select_n3A_84, %sub3A : vector<50x50xf32>
    %exp3A = math.exp %sub3A_87 : vector<50x50xf32>
    %reduce_sum3A = arith.constant dense<0.000000e+00> : vector<50xf32>
    %reduce_sum3A_88 = vector.multi_reduction <add>, %exp3A, %reduce_sum3A [1] : vector<50x50xf32> to vector<50xf32>
    %broadcast_in_dim3A_89 = vector.shape_cast %reduce_sum3A_88 : vector<50xf32> to vector<50x1xf32>
    %div3A = vector.broadcast %broadcast_in_dim3A_89 : vector<50x1xf32> to vector<50x50xf32>
    %div3A_90 = arith.divf %exp3A, %div3A : vector<50x50xf32>
    %dot_general3A_91 = arith.constant dense<0.000000e+00> : vector<50x128xf32>
    %dot_general3A_92 = tpu.matmul %div3A_90, %get3A_3, %dot_general3A_91 {dimension_numbers = #tpu.dot_dimension_numbers<[1], [0], [0], [1], [0, 0, 1, 1], [], []>, transpose_lhs_hint = false} : vector<50x50xf32>, vector<50x128xf32>, vector<50x128xf32> -> vector<50x128xf32>
    %swap3A = arith.constant 0 : index
    %swap3A_93 = arith.constant 0 : index
    %swap3A_94 = arith.constant 0 : index
    %swap3A_95 = vector.load %arg4[%swap3A, %swap3A_93, %swap3A_94] : memref<10x50x128xf32, #tpu.memory_space<vmem>>, vector<1x50x128xf32>
    %swap3A_96 = vector.shape_cast %swap3A_95 : vector<1x50x128xf32> to vector<50x128xf32>
    %swap3A_97 = vector.shape_cast %dot_general3A_92 : vector<50x128xf32> to vector<1x50x128xf32>
    tpu.vector_store %arg4[%swap3A, %swap3A_93, %swap3A_94], %swap3A_97 {strides = array<i32>} : memref<10x50x128xf32, #tpu.memory_space<vmem>>, vector<1x50x128xf32>,
    %get3A_98 = arith.constant 1 : index
    %get3A_99 = arith.constant 0 : index
    %get3A_100 = arith.constant 0 : index
    %get3A_101 = vector.load %arg1[%get3A_98, %get3A_99, %get3A_100] : memref<10x50x128xf32, #tpu.memory_space<vmem>>, vector<1x50x128xf32>
    %get3A_102 = vector.shape_cast %get3A_101 : vector<1x50x128xf32> to vector<50x128xf32>
    %get3A_103 = arith.constant 1 : index
    %get3A_104 = arith.constant 0 : index
    %get3A_105 = arith.constant 0 : index
    %get3A_106 = vector.load %arg2[%get3A_103, %get3A_104, %get3A_105] : memref<10x50x50xi32, #tpu.memory_space<vmem>>, vector<1x50x50xi32>
    %get3A_107 = vector.shape_cast %get3A_106 : vector<1x50x50xi32> to vector<50x50xi32>
    %broadcast_in_dim3A_108 = arith.constant -9.000000e+15 : f32
    %broadcast_in_dim3A_109 = vector.broadcast %broadcast_in_dim3A_108 : f32 to vector<50x50xf32>
    %get3A_110 = arith.constant 0 : index
    %get3A_111 = arith.constant 0 : index
    %get3A_112 = vector.load %arg3[%get3A_110, %get3A_111] : memref<4x128xf32, #tpu.memory_space<vmem>>, vector<1x128xf32>
    %get3A_113 = vector.shape_cast %get3A_112 : vector<1x128xf32> to vector<128xf32>
    %broadcast_in_dim3A_114 = vector.shape_cast %get3A_113 : vector<128xf32> to vector<1x128xf32>
    %mul3A_115 = vector.broadcast %broadcast_in_dim3A_114 : vector<1x128xf32> to vector<50x128xf32>
    %mul3A_116 = arith.mulf %get3A_102, %mul3A_115 : vector<50x128xf32>
    %dot_general3A_117 = arith.constant dense<0.000000e+00> : vector<50x50xf32>
    %dot_general3A_118 = tpu.matmul %mul3A_116, %get3A_102, %dot_general3A_117 {dimension_numbers = #tpu.dot_dimension_numbers<[1], [1], [0], [0], [0, 0, 1, 0], [], []>, transpose_lhs_hint = false} : vector<50x128xf32>, vector<50x128xf32>, vector<50x50xf32> -> vector<50x50xf32>
    %gt3A_119 = arith.constant 0.000000e+00 : f32
    %gt3A_120 = vector.broadcast %gt3A_119 : f32 to vector<50x50xf32>
    %gt3A_121 = arith.cmpf ogt, %dot_general3A_118, %gt3A_120 : vector<50x50xf32>
    %mul3A_122 = arith.constant 2.000000e-01 : f32
    %mul3A_123 = vector.broadcast %mul3A_122 : f32 to vector<50x50xf32>
    %mul3A_124 = arith.mulf %mul3A_123, %dot_general3A_118 : vector<50x50xf32>
    %select_n3A_125 = arith.select %gt3A_121, %dot_general3A_118, %mul3A_124 : vector<50x50xi1>, vector<50x50xf32>
    %eq3A_126 = arith.constant 1 : i32
    %eq3A_127 = vector.broadcast %eq3A_126 : i32 to vector<50x50xi32>
    %eq3A_128 = arith.cmpi eq, %get3A_107, %eq3A_127 : vector<50x50xi32>
    %select_n3A_129 = arith.select %eq3A_128, %select_n3A_125, %broadcast_in_dim3A_109 : vector<50x50xi1>, vector<50x50xf32>
    %get3A_130 = arith.constant 1 : index
    %get3A_131 = arith.constant 0 : index
    %get3A_132 = vector.load %arg3[%get3A_130, %get3A_131] : memref<4x128xf32, #tpu.memory_space<vmem>>, vector<1x128xf32>
    %get3A_133 = vector.shape_cast %get3A_132 : vector<1x128xf32> to vector<128xf32>
    %broadcast_in_dim3A_134 = vector.shape_cast %get3A_133 : vector<128xf32> to vector<1x128xf32>
    %mul3A_135 = vector.broadcast %broadcast_in_dim3A_134 : vector<1x128xf32> to vector<50x128xf32>
    %mul3A_136 = arith.mulf %get3A_102, %mul3A_135 : vector<50x128xf32>
    %dot_general3A_137 = arith.constant dense<0.000000e+00> : vector<50x50xf32>
    %dot_general3A_138 = tpu.matmul %mul3A_136, %get3A_102, %dot_general3A_137 {dimension_numbers = #tpu.dot_dimension_numbers<[1], [1], [0], [0], [0, 0, 1, 0], [], []>, transpose_lhs_hint = false} : vector<50x128xf32>, vector<50x128xf32>, vector<50x50xf32> -> vector<50x50xf32>
    %gt3A_139 = arith.constant 0.000000e+00 : f32
    %gt3A_140 = vector.broadcast %gt3A_139 : f32 to vector<50x50xf32>
    %gt3A_141 = arith.cmpf ogt, %dot_general3A_138, %gt3A_140 : vector<50x50xf32>
    %mul3A_142 = arith.constant 2.000000e-01 : f32
    %mul3A_143 = vector.broadcast %mul3A_142 : f32 to vector<50x50xf32>
    %mul3A_144 = arith.mulf %mul3A_143, %dot_general3A_138 : vector<50x50xf32>
    %select_n3A_145 = arith.select %gt3A_141, %dot_general3A_138, %mul3A_144 : vector<50x50xi1>, vector<50x50xf32>
    %eq3A_146 = arith.constant 2 : i32
    %eq3A_147 = vector.broadcast %eq3A_146 : i32 to vector<50x50xi32>
    %eq3A_148 = arith.cmpi eq, %get3A_107, %eq3A_147 : vector<50x50xi32>
    %select_n3A_149 = arith.select %eq3A_148, %select_n3A_145, %select_n3A_129 : vector<50x50xi1>, vector<50x50xf32>
    %get3A_150 = arith.constant 2 : index
    %get3A_151 = arith.constant 0 : index
    %get3A_152 = vector.load %arg3[%get3A_150, %get3A_151] : memref<4x128xf32, #tpu.memory_space<vmem>>, vector<1x128xf32>
    %get3A_153 = vector.shape_cast %get3A_152 : vector<1x128xf32> to vector<128xf32>
    %broadcast_in_dim3A_154 = vector.shape_cast %get3A_153 : vector<128xf32> to vector<1x128xf32>
    %mul3A_155 = vector.broadcast %broadcast_in_dim3A_154 : vector<1x128xf32> to vector<50x128xf32>
    %mul3A_156 = arith.mulf %get3A_102, %mul3A_155 : vector<50x128xf32>
    %dot_general3A_157 = arith.constant dense<0.000000e+00> : vector<50x50xf32>
    %dot_general3A_158 = tpu.matmul %mul3A_156, %get3A_102, %dot_general3A_157 {dimension_numbers = #tpu.dot_dimension_numbers<[1], [1], [0], [0], [0, 0, 1, 0], [], []>, transpose_lhs_hint = false} : vector<50x128xf32>, vector<50x128xf32>, vector<50x50xf32> -> vector<50x50xf32>
    %gt3A_159 = arith.constant 0.000000e+00 : f32
    %gt3A_160 = vector.broadcast %gt3A_159 : f32 to vector<50x50xf32>
    %gt3A_161 = arith.cmpf ogt, %dot_general3A_158, %gt3A_160 : vector<50x50xf32>
    %mul3A_162 = arith.constant 2.000000e-01 : f32
    %mul3A_163 = vector.broadcast %mul3A_162 : f32 to vector<50x50xf32>
    %mul3A_164 = arith.mulf %mul3A_163, %dot_general3A_158 : vector<50x50xf32>
    %select_n3A_165 = arith.select %gt3A_161, %dot_general3A_158, %mul3A_164 : vector<50x50xi1>, vector<50x50xf32>
    %eq3A_166 = arith.constant 3 : i32
    %eq3A_167 = vector.broadcast %eq3A_166 : i32 to vector<50x50xi32>
    %eq3A_168 = arith.cmpi eq, %get3A_107, %eq3A_167 : vector<50x50xi32>
    %select_n3A_169 = arith.select %eq3A_168, %select_n3A_165, %select_n3A_149 : vector<50x50xi1>, vector<50x50xf32>
    %get3A_170 = arith.constant 3 : index
    %get3A_171 = arith.constant 0 : index
    %get3A_172 = vector.load %arg3[%get3A_170, %get3A_171] : memref<4x128xf32, #tpu.memory_space<vmem>>, vector<1x128xf32>
    %get3A_173 = vector.shape_cast %get3A_172 : vector<1x128xf32> to vector<128xf32>
    %broadcast_in_dim3A_174 = vector.shape_cast %get3A_173 : vector<128xf32> to vector<1x128xf32>
    %mul3A_175 = vector.broadcast %broadcast_in_dim3A_174 : vector<1x128xf32> to vector<50x128xf32>
    %mul3A_176 = arith.mulf %get3A_102, %mul3A_175 : vector<50x128xf32>
    %dot_general3A_177 = arith.constant dense<0.000000e+00> : vector<50x50xf32>
    %dot_general3A_178 = tpu.matmul %mul3A_176, %get3A_102, %dot_general3A_177 {dimension_numbers = #tpu.dot_dimension_numbers<[1], [1], [0], [0], [0, 0, 1, 0], [], []>, transpose_lhs_hint = false} : vector<50x128xf32>, vector<50x128xf32>, vector<50x50xf32> -> vector<50x50xf32>
    %gt3A_179 = arith.constant 0.000000e+00 : f32
    %gt3A_180 = vector.broadcast %gt3A_179 : f32 to vector<50x50xf32>
    %gt3A_181 = arith.cmpf ogt, %dot_general3A_178, %gt3A_180 : vector<50x50xf32>
    %mul3A_182 = arith.constant 2.000000e-01 : f32
    %mul3A_183 = vector.broadcast %mul3A_182 : f32 to vector<50x50xf32>
    %mul3A_184 = arith.mulf %mul3A_183, %dot_general3A_178 : vector<50x50xf32>
    %select_n3A_185 = arith.select %gt3A_181, %dot_general3A_178, %mul3A_184 : vector<50x50xi1>, vector<50x50xf32>
    %eq3A_186 = arith.constant 4 : i32
    %eq3A_187 = vector.broadcast %eq3A_186 : i32 to vector<50x50xi32>
    %eq3A_188 = arith.cmpi eq, %get3A_107, %eq3A_187 : vector<50x50xi32>
    %select_n3A_189 = arith.select %eq3A_188, %select_n3A_185, %select_n3A_169 : vector<50x50xi1>, vector<50x50xf32>
    %reduce_max3A_190 = arith.constant dense<0xFF800000> : vector<50xf32>
    %reduce_max3A_191 = vector.multi_reduction <maximumf>, %select_n3A_189, %reduce_max3A_190 [1] : vector<50x50xf32> to vector<50xf32>
    %broadcast_in_dim3A_192 = vector.shape_cast %reduce_max3A_191 : vector<50xf32> to vector<50x1xf32>
    %sub3A_193 = vector.broadcast %broadcast_in_dim3A_192 : vector<50x1xf32> to vector<50x50xf32>
    %sub3A_194 = arith.subf %select_n3A_189, %sub3A_193 : vector<50x50xf32>
    %exp3A_195 = math.exp %sub3A_194 : vector<50x50xf32>
    %reduce_sum3A_196 = arith.constant dense<0.000000e+00> : vector<50xf32>
    %reduce_sum3A_197 = vector.multi_reduction <add>, %exp3A_195, %reduce_sum3A_196 [1] : vector<50x50xf32> to vector<50xf32>
    %broadcast_in_dim3A_198 = vector.shape_cast %reduce_sum3A_197 : vector<50xf32> to vector<50x1xf32>
    %div3A_199 = vector.broadcast %broadcast_in_dim3A_198 : vector<50x1xf32> to vector<50x50xf32>
    %div3A_200 = arith.divf %exp3A_195, %div3A_199 : vector<50x50xf32>
    %dot_general3A_201 = arith.constant dense<0.000000e+00> : vector<50x128xf32>
    %dot_general3A_202 = tpu.matmul %div3A_200, %get3A_102, %dot_general3A_201 {dimension_numbers = #tpu.dot_dimension_numbers<[1], [0], [0], [1], [0, 0, 1, 1], [], []>, transpose_lhs_hint = false} : vector<50x50xf32>, vector<50x128xf32>, vector<50x128xf32> -> vector<50x128xf32>
    %swap3A_203 = arith.constant 1 : index
    %swap3A_204 = arith.constant 0 : index
    %swap3A_205 = arith.constant 0 : index
    %swap3A_206 = vector.load %arg4[%swap3A_203, %swap3A_204, %swap3A_205] : memref<10x50x128xf32, #tpu.memory_space<vmem>>, vector<1x50x128xf32>
    %swap3A_207 = vector.shape_cast %swap3A_206 : vector<1x50x128xf32> to vector<50x128xf32>
    %swap3A_208 = vector.shape_cast %dot_general3A_202 : vector<50x128xf32> to vector<1x50x128xf32>
    tpu.vector_store %arg4[%swap3A_203, %swap3A_204, %swap3A_205], %swap3A_208 {strides = array<i32>} : memref<10x50x128xf32, #tpu.memory_space<vmem>>, vector<1x50x128xf32>,
    %get3A_209 = arith.constant 2 : index
    %get3A_210 = arith.constant 0 : index
    %get3A_211 = arith.constant 0 : index
    %get3A_212 = vector.load %arg1[%get3A_209, %get3A_210, %get3A_211] : memref<10x50x128xf32, #tpu.memory_space<vmem>>, vector<1x50x128xf32>
    %get3A_213 = vector.shape_cast %get3A_212 : vector<1x50x128xf32> to vector<50x128xf32>
    %get3A_214 = arith.constant 2 : index
    %get3A_215 = arith.constant 0 : index
    %get3A_216 = arith.constant 0 : index
    %get3A_217 = vector.load %arg2[%get3A_214, %get3A_215, %get3A_216] : memref<10x50x50xi32, #tpu.memory_space<vmem>>, vector<1x50x50xi32>
    %get3A_218 = vector.shape_cast %get3A_217 : vector<1x50x50xi32> to vector<50x50xi32>
    %broadcast_in_dim3A_219 = arith.constant -9.000000e+15 : f32
    %broadcast_in_dim3A_220 = vector.broadcast %broadcast_in_dim3A_219 : f32 to vector<50x50xf32>
    %get3A_221 = arith.constant 0 : index
    %get3A_222 = arith.constant 0 : index
    %get3A_223 = vector.load %arg3[%get3A_221, %get3A_222] : memref<4x128xf32, #tpu.memory_space<vmem>>, vector<1x128xf32>
    %get3A_224 = vector.shape_cast %get3A_223 : vector<1x128xf32> to vector<128xf32>
    %broadcast_in_dim3A_225 = vector.shape_cast %get3A_224 : vector<128xf32> to vector<1x128xf32>
    %mul3A_226 = vector.broadcast %broadcast_in_dim3A_225 : vector<1x128xf32> to vector<50x128xf32>
    %mul3A_227 = arith.mulf %get3A_213, %mul3A_226 : vector<50x128xf32>
    %dot_general3A_228 = arith.constant dense<0.000000e+00> : vector<50x50xf32>
    %dot_general3A_229 = tpu.matmul %mul3A_227, %get3A_213, %dot_general3A_228 {dimension_numbers = #tpu.dot_dimension_numbers<[1], [1], [0], [0], [0, 0, 1, 0], [], []>, transpose_lhs_hint = false} : vector<50x128xf32>, vector<50x128xf32>, vector<50x50xf32> -> vector<50x50xf32>
    %gt3A_230 = arith.constant 0.000000e+00 : f32
    %gt3A_231 = vector.broadcast %gt3A_230 : f32 to vector<50x50xf32>
    %gt3A_232 = arith.cmpf ogt, %dot_general3A_229, %gt3A_231 : vector<50x50xf32>
    %mul3A_233 = arith.constant 2.000000e-01 : f32
    %mul3A_234 = vector.broadcast %mul3A_233 : f32 to vector<50x50xf32>
    %mul3A_235 = arith.mulf %mul3A_234, %dot_general3A_229 : vector<50x50xf32>
    %select_n3A_236 = arith.select %gt3A_232, %dot_general3A_229, %mul3A_235 : vector<50x50xi1>, vector<50x50xf32>
    %eq3A_237 = arith.constant 1 : i32
    %eq3A_238 = vector.broadcast %eq3A_237 : i32 to vector<50x50xi32>
    %eq3A_239 = arith.cmpi eq, %get3A_218, %eq3A_238 : vector<50x50xi32>
    %select_n3A_240 = arith.select %eq3A_239, %select_n3A_236, %broadcast_in_dim3A_220 : vector<50x50xi1>, vector<50x50xf32>
    %get3A_241 = arith.constant 1 : index
    %get3A_242 = arith.constant 0 : index
    %get3A_243 = vector.load %arg3[%get3A_241, %get3A_242] : memref<4x128xf32, #tpu.memory_space<vmem>>, vector<1x128xf32>
    %get3A_244 = vector.shape_cast %get3A_243 : vector<1x128xf32> to vector<128xf32>
    %broadcast_in_dim3A_245 = vector.shape_cast %get3A_244 : vector<128xf32> to vector<1x128xf32>
    %mul3A_246 = vector.broadcast %broadcast_in_dim3A_245 : vector<1x128xf32> to vector<50x128xf32>
    %mul3A_247 = arith.mulf %get3A_213, %mul3A_246 : vector<50x128xf32>
    %dot_general3A_248 = arith.constant dense<0.000000e+00> : vector<50x50xf32>
    %dot_general3A_249 = tpu.matmul %mul3A_247, %get3A_213, %dot_general3A_248 {dimension_numbers = #tpu.dot_dimension_numbers<[1], [1], [0], [0], [0, 0, 1, 0], [], []>, transpose_lhs_hint = false} : vector<50x128xf32>, vector<50x128xf32>, vector<50x50xf32> -> vector<50x50xf32>
    %gt3A_250 = arith.constant 0.000000e+00 : f32
    %gt3A_251 = vector.broadcast %gt3A_250 : f32 to vector<50x50xf32>
    %gt3A_252 = arith.cmpf ogt, %dot_general3A_249, %gt3A_251 : vector<50x50xf32>
    %mul3A_253 = arith.constant 2.000000e-01 : f32
    %mul3A_254 = vector.broadcast %mul3A_253 : f32 to vector<50x50xf32>
    %mul3A_255 = arith.mulf %mul3A_254, %dot_general3A_249 : vector<50x50xf32>
    %select_n3A_256 = arith.select %gt3A_252, %dot_general3A_249, %mul3A_255 : vector<50x50xi1>, vector<50x50xf32>
    %eq3A_257 = arith.constant 2 : i32
    %eq3A_258 = vector.broadcast %eq3A_257 : i32 to vector<50x50xi32>
    %eq3A_259 = arith.cmpi eq, %get3A_218, %eq3A_258 : vector<50x50xi32>
    %select_n3A_260 = arith.select %eq3A_259, %select_n3A_256, %select_n3A_240 : vector<50x50xi1>, vector<50x50xf32>
    %get3A_261 = arith.constant 2 : index
    %get3A_262 = arith.constant 0 : index
    %get3A_263 = vector.load %arg3[%get3A_261, %get3A_262] : memref<4x128xf32, #tpu.memory_space<vmem>>, vector<1x128xf32>
    %get3A_264 = vector.shape_cast %get3A_263 : vector<1x128xf32> to vector<128xf32>
    %broadcast_in_dim3A_265 = vector.shape_cast %get3A_264 : vector<128xf32> to vector<1x128xf32>
    %mul3A_266 = vector.broadcast %broadcast_in_dim3A_265 : vector<1x128xf32> to vector<50x128xf32>
    %mul3A_267 = arith.mulf %get3A_213, %mul3A_266 : vector<50x128xf32>
    %dot_general3A_268 = arith.constant dense<0.000000e+00> : vector<50x50xf32>
    %dot_general3A_269 = tpu.matmul %mul3A_267, %get3A_213, %dot_general3A_268 {dimension_numbers = #tpu.dot_dimension_numbers<[1], [1], [0], [0], [0, 0, 1, 0], [], []>, transpose_lhs_hint = false} : vector<50x128xf32>, vector<50x128xf32>, vector<50x50xf32> -> vector<50x50xf32>
    %gt3A_270 = arith.constant 0.000000e+00 : f32
    %gt3A_271 = vector.broadcast %gt3A_270 : f32 to vector<50x50xf32>
    %gt3A_272 = arith.cmpf ogt, %dot_general3A_269, %gt3A_271 : vector<50x50xf32>
    %mul3A_273 = arith.constant 2.000000e-01 : f32
    %mul3A_274 = vector.broadcast %mul3A_273 : f32 to vector<50x50xf32>
    %mul3A_275 = arith.mulf %mul3A_274, %dot_general3A_269 : vector<50x50xf32>
    %select_n3A_276 = arith.select %gt3A_272, %dot_general3A_269, %mul3A_275 : vector<50x50xi1>, vector<50x50xf32>
    %eq3A_277 = arith.constant 3 : i32
    %eq3A_278 = vector.broadcast %eq3A_277 : i32 to vector<50x50xi32>
    %eq3A_279 = arith.cmpi eq, %get3A_218, %eq3A_278 : vector<50x50xi32>
    %select_n3A_280 = arith.select %eq3A_279, %select_n3A_276, %select_n3A_260 : vector<50x50xi1>, vector<50x50xf32>
    %get3A_281 = arith.constant 3 : index
    %get3A_282 = arith.constant 0 : index
    %get3A_283 = vector.load %arg3[%get3A_281, %get3A_282] : memref<4x128xf32, #tpu.memory_space<vmem>>, vector<1x128xf32>
    %get3A_284 = vector.shape_cast %get3A_283 : vector<1x128xf32> to vector<128xf32>
    %broadcast_in_dim3A_285 = vector.shape_cast %get3A_284 : vector<128xf32> to vector<1x128xf32>
    %mul3A_286 = vector.broadcast %broadcast_in_dim3A_285 : vector<1x128xf32> to vector<50x128xf32>
    %mul3A_287 = arith.mulf %get3A_213, %mul3A_286 : vector<50x128xf32>
    %dot_general3A_288 = arith.constant dense<0.000000e+00> : vector<50x50xf32>
    %dot_general3A_289 = tpu.matmul %mul3A_287, %get3A_213, %dot_general3A_288 {dimension_numbers = #tpu.dot_dimension_numbers<[1], [1], [0], [0], [0, 0, 1, 0], [], []>, transpose_lhs_hint = false} : vector<50x128xf32>, vector<50x128xf32>, vector<50x50xf32> -> vector<50x50xf32>
    %gt3A_290 = arith.constant 0.000000e+00 : f32
    %gt3A_291 = vector.broadcast %gt3A_290 : f32 to vector<50x50xf32>
    %gt3A_292 = arith.cmpf ogt, %dot_general3A_289, %gt3A_291 : vector<50x50xf32>
    %mul3A_293 = arith.constant 2.000000e-01 : f32
    %mul3A_294 = vector.broadcast %mul3A_293 : f32 to vector<50x50xf32>
    %mul3A_295 = arith.mulf %mul3A_294, %dot_general3A_289 : vector<50x50xf32>
    %select_n3A_296 = arith.select %gt3A_292, %dot_general3A_289, %mul3A_295 : vector<50x50xi1>, vector<50x50xf32>
    %eq3A_297 = arith.constant 4 : i32
    %eq3A_298 = vector.broadcast %eq3A_297 : i32 to vector<50x50xi32>
    %eq3A_299 = arith.cmpi eq, %get3A_218, %eq3A_298 : vector<50x50xi32>
    %select_n3A_300 = arith.select %eq3A_299, %select_n3A_296, %select_n3A_280 : vector<50x50xi1>, vector<50x50xf32>
    %reduce_max3A_301 = arith.constant dense<0xFF800000> : vector<50xf32>
    %reduce_max3A_302 = vector.multi_reduction <maximumf>, %select_n3A_300, %reduce_max3A_301 [1] : vector<50x50xf32> to vector<50xf32>
    %broadcast_in_dim3A_303 = vector.shape_cast %reduce_max3A_302 : vector<50xf32> to vector<50x1xf32>
    %sub3A_304 = vector.broadcast %broadcast_in_dim3A_303 : vector<50x1xf32> to vector<50x50xf32>
    %sub3A_305 = arith.subf %select_n3A_300, %sub3A_304 : vector<50x50xf32>
    %exp3A_306 = math.exp %sub3A_305 : vector<50x50xf32>
    %reduce_sum3A_307 = arith.constant dense<0.000000e+00> : vector<50xf32>
    %reduce_sum3A_308 = vector.multi_reduction <add>, %exp3A_306, %reduce_sum3A_307 [1] : vector<50x50xf32> to vector<50xf32>
    %broadcast_in_dim3A_309 = vector.shape_cast %reduce_sum3A_308 : vector<50xf32> to vector<50x1xf32>
    %div3A_310 = vector.broadcast %broadcast_in_dim3A_309 : vector<50x1xf32> to vector<50x50xf32>
    %div3A_311 = arith.divf %exp3A_306, %div3A_310 : vector<50x50xf32>
    %dot_general3A_312 = arith.constant dense<0.000000e+00> : vector<50x128xf32>
    %dot_general3A_313 = tpu.matmul %div3A_311, %get3A_213, %dot_general3A_312 {dimension_numbers = #tpu.dot_dimension_numbers<[1], [0], [0], [1], [0, 0, 1, 1], [], []>, transpose_lhs_hint = false} : vector<50x50xf32>, vector<50x128xf32>, vector<50x128xf32> -> vector<50x128xf32>
    %swap3A_314 = arith.constant 2 : index
    %swap3A_315 = arith.constant 0 : index
    %swap3A_316 = arith.constant 0 : index
    %swap3A_317 = vector.load %arg4[%swap3A_314, %swap3A_315, %swap3A_316] : memref<10x50x128xf32, #tpu.memory_space<vmem>>, vector<1x50x128xf32>
    %swap3A_318 = vector.shape_cast %swap3A_317 : vector<1x50x128xf32> to vector<50x128xf32>
    %swap3A_319 = vector.shape_cast %dot_general3A_313 : vector<50x128xf32> to vector<1x50x128xf32>
    tpu.vector_store %arg4[%swap3A_314, %swap3A_315, %swap3A_316], %swap3A_319 {strides = array<i32>} : memref<10x50x128xf32, #tpu.memory_space<vmem>>, vector<1x50x128xf32>,
    %get3A_320 = arith.constant 3 : index
    %get3A_321 = arith.constant 0 : index
    %get3A_322 = arith.constant 0 : index
    %get3A_323 = vector.load %arg1[%get3A_320, %get3A_321, %get3A_322] : memref<10x50x128xf32, #tpu.memory_space<vmem>>, vector<1x50x128xf32>
    %get3A_324 = vector.shape_cast %get3A_323 : vector<1x50x128xf32> to vector<50x128xf32>
    %get3A_325 = arith.constant 3 : index
    %get3A_326 = arith.constant 0 : index
    %get3A_327 = arith.constant 0 : index
    %get3A_328 = vector.load %arg2[%get3A_325, %get3A_326, %get3A_327] : memref<10x50x50xi32, #tpu.memory_space<vmem>>, vector<1x50x50xi32>
    %get3A_329 = vector.shape_cast %get3A_328 : vector<1x50x50xi32> to vector<50x50xi32>
    %broadcast_in_dim3A_330 = arith.constant -9.000000e+15 : f32
    %broadcast_in_dim3A_331 = vector.broadcast %broadcast_in_dim3A_330 : f32 to vector<50x50xf32>
    %get3A_332 = arith.constant 0 : index
    %get3A_333 = arith.constant 0 : index
    %get3A_334 = vector.load %arg3[%get3A_332, %get3A_333] : memref<4x128xf32, #tpu.memory_space<vmem>>, vector<1x128xf32>
    %get3A_335 = vector.shape_cast %get3A_334 : vector<1x128xf32> to vector<128xf32>
    %broadcast_in_dim3A_336 = vector.shape_cast %get3A_335 : vector<128xf32> to vector<1x128xf32>
    %mul3A_337 = vector.broadcast %broadcast_in_dim3A_336 : vector<1x128xf32> to vector<50x128xf32>
    %mul3A_338 = arith.mulf %get3A_324, %mul3A_337 : vector<50x128xf32>
    %dot_general3A_339 = arith.constant dense<0.000000e+00> : vector<50x50xf32>
    %dot_general3A_340 = tpu.matmul %mul3A_338, %get3A_324, %dot_general3A_339 {dimension_numbers = #tpu.dot_dimension_numbers<[1], [1], [0], [0], [0, 0, 1, 0], [], []>, transpose_lhs_hint = false} : vector<50x128xf32>, vector<50x128xf32>, vector<50x50xf32> -> vector<50x50xf32>
    %gt3A_341 = arith.constant 0.000000e+00 : f32
    %gt3A_342 = vector.broadcast %gt3A_341 : f32 to vector<50x50xf32>
    %gt3A_343 = arith.cmpf ogt, %dot_general3A_340, %gt3A_342 : vector<50x50xf32>
    %mul3A_344 = arith.constant 2.000000e-01 : f32
    %mul3A_345 = vector.broadcast %mul3A_344 : f32 to vector<50x50xf32>
    %mul3A_346 = arith.mulf %mul3A_345, %dot_general3A_340 : vector<50x50xf32>
    %select_n3A_347 = arith.select %gt3A_343, %dot_general3A_340, %mul3A_346 : vector<50x50xi1>, vector<50x50xf32>
    %eq3A_348 = arith.constant 1 : i32
    %eq3A_349 = vector.broadcast %eq3A_348 : i32 to vector<50x50xi32>
    %eq3A_350 = arith.cmpi eq, %get3A_329, %eq3A_349 : vector<50x50xi32>
    %select_n3A_351 = arith.select %eq3A_350, %select_n3A_347, %broadcast_in_dim3A_331 : vector<50x50xi1>, vector<50x50xf32>
    %get3A_352 = arith.constant 1 : index
    %get3A_353 = arith.constant 0 : index
    %get3A_354 = vector.load %arg3[%get3A_352, %get3A_353] : memref<4x128xf32, #tpu.memory_space<vmem>>, vector<1x128xf32>
    %get3A_355 = vector.shape_cast %get3A_354 : vector<1x128xf32> to vector<128xf32>
    %broadcast_in_dim3A_356 = vector.shape_cast %get3A_355 : vector<128xf32> to vector<1x128xf32>
    %mul3A_357 = vector.broadcast %broadcast_in_dim3A_356 : vector<1x128xf32> to vector<50x128xf32>
    %mul3A_358 = arith.mulf %get3A_324, %mul3A_357 : vector<50x128xf32>
    %dot_general3A_359 = arith.constant dense<0.000000e+00> : vector<50x50xf32>
    %dot_general3A_360 = tpu.matmul %mul3A_358, %get3A_324, %dot_general3A_359 {dimension_numbers = #tpu.dot_dimension_numbers<[1], [1], [0], [0], [0, 0, 1, 0], [], []>, transpose_lhs_hint = false} : vector<50x128xf32>, vector<50x128xf32>, vector<50x50xf32> -> vector<50x50xf32>
    %gt3A_361 = arith.constant 0.000000e+00 : f32
    %gt3A_362 = vector.broadcast %gt3A_361 : f32 to vector<50x50xf32>
    %gt3A_363 = arith.cmpf ogt, %dot_general3A_360, %gt3A_362 : vector<50x50xf32>
    %mul3A_364 = arith.constant 2.000000e-01 : f32
    %mul3A_365 = vector.broadcast %mul3A_364 : f32 to vector<50x50xf32>
    %mul3A_366 = arith.mulf %mul3A_365, %dot_general3A_360 : vector<50x50xf32>
    %select_n3A_367 = arith.select %gt3A_363, %dot_general3A_360, %mul3A_366 : vector<50x50xi1>, vector<50x50xf32>
    %eq3A_368 = arith.constant 2 : i32
    %eq3A_369 = vector.broadcast %eq3A_368 : i32 to vector<50x50xi32>
    %eq3A_370 = arith.cmpi eq, %get3A_329, %eq3A_369 : vector<50x50xi32>
    %select_n3A_371 = arith.select %eq3A_370, %select_n3A_367, %select_n3A_351 : vector<50x50xi1>, vector<50x50xf32>
    %get3A_372 = arith.constant 2 : index
    %get3A_373 = arith.constant 0 : index
    %get3A_374 = vector.load %arg3[%get3A_372, %get3A_373] : memref<4x128xf32, #tpu.memory_space<vmem>>, vector<1x128xf32>
    %get3A_375 = vector.shape_cast %get3A_374 : vector<1x128xf32> to vector<128xf32>
    %broadcast_in_dim3A_376 = vector.shape_cast %get3A_375 : vector<128xf32> to vector<1x128xf32>
    %mul3A_377 = vector.broadcast %broadcast_in_dim3A_376 : vector<1x128xf32> to vector<50x128xf32>
    %mul3A_378 = arith.mulf %get3A_324, %mul3A_377 : vector<50x128xf32>
    %dot_general3A_379 = arith.constant dense<0.000000e+00> : vector<50x50xf32>
    %dot_general3A_380 = tpu.matmul %mul3A_378, %get3A_324, %dot_general3A_379 {dimension_numbers = #tpu.dot_dimension_numbers<[1], [1], [0], [0], [0, 0, 1, 0], [], []>, transpose_lhs_hint = false} : vector<50x128xf32>, vector<50x128xf32>, vector<50x50xf32> -> vector<50x50xf32>
    %gt3A_381 = arith.constant 0.000000e+00 : f32
    %gt3A_382 = vector.broadcast %gt3A_381 : f32 to vector<50x50xf32>
    %gt3A_383 = arith.cmpf ogt, %dot_general3A_380, %gt3A_382 : vector<50x50xf32>
    %mul3A_384 = arith.constant 2.000000e-01 : f32
    %mul3A_385 = vector.broadcast %mul3A_384 : f32 to vector<50x50xf32>
    %mul3A_386 = arith.mulf %mul3A_385, %dot_general3A_380 : vector<50x50xf32>
    %select_n3A_387 = arith.select %gt3A_383, %dot_general3A_380, %mul3A_386 : vector<50x50xi1>, vector<50x50xf32>
    %eq3A_388 = arith.constant 3 : i32
    %eq3A_389 = vector.broadcast %eq3A_388 : i32 to vector<50x50xi32>
    %eq3A_390 = arith.cmpi eq, %get3A_329, %eq3A_389 : vector<50x50xi32>
    %select_n3A_391 = arith.select %eq3A_390, %select_n3A_387, %select_n3A_371 : vector<50x50xi1>, vector<50x50xf32>
    %get3A_392 = arith.constant 3 : index
    %get3A_393 = arith.constant 0 : index
    %get3A_394 = vector.load %arg3[%get3A_392, %get3A_393] : memref<4x128xf32, #tpu.memory_space<vmem>>, vector<1x128xf32>
    %get3A_395 = vector.shape_cast %get3A_394 : vector<1x128xf32> to vector<128xf32>
    %broadcast_in_dim3A_396 = vector.shape_cast %get3A_395 : vector<128xf32> to vector<1x128xf32>
    %mul3A_397 = vector.broadcast %broadcast_in_dim3A_396 : vector<1x128xf32> to vector<50x128xf32>
    %mul3A_398 = arith.mulf %get3A_324, %mul3A_397 : vector<50x128xf32>
    %dot_general3A_399 = arith.constant dense<0.000000e+00> : vector<50x50xf32>
    %dot_general3A_400 = tpu.matmul %mul3A_398, %get3A_324, %dot_general3A_399 {dimension_numbers = #tpu.dot_dimension_numbers<[1], [1], [0], [0], [0, 0, 1, 0], [], []>, transpose_lhs_hint = false} : vector<50x128xf32>, vector<50x128xf32>, vector<50x50xf32> -> vector<50x50xf32>
    %gt3A_401 = arith.constant 0.000000e+00 : f32
    %gt3A_402 = vector.broadcast %gt3A_401 : f32 to vector<50x50xf32>
    %gt3A_403 = arith.cmpf ogt, %dot_general3A_400, %gt3A_402 : vector<50x50xf32>
    %mul3A_404 = arith.constant 2.000000e-01 : f32
    %mul3A_405 = vector.broadcast %mul3A_404 : f32 to vector<50x50xf32>
    %mul3A_406 = arith.mulf %mul3A_405, %dot_general3A_400 : vector<50x50xf32>
    %select_n3A_407 = arith.select %gt3A_403, %dot_general3A_400, %mul3A_406 : vector<50x50xi1>, vector<50x50xf32>
    %eq3A_408 = arith.constant 4 : i32
    %eq3A_409 = vector.broadcast %eq3A_408 : i32 to vector<50x50xi32>
    %eq3A_410 = arith.cmpi eq, %get3A_329, %eq3A_409 : vector<50x50xi32>
    %select_n3A_411 = arith.select %eq3A_410, %select_n3A_407, %select_n3A_391 : vector<50x50xi1>, vector<50x50xf32>
    %reduce_max3A_412 = arith.constant dense<0xFF800000> : vector<50xf32>
    %reduce_max3A_413 = vector.multi_reduction <maximumf>, %select_n3A_411, %reduce_max3A_412 [1] : vector<50x50xf32> to vector<50xf32>
    %broadcast_in_dim3A_414 = vector.shape_cast %reduce_max3A_413 : vector<50xf32> to vector<50x1xf32>
    %sub3A_415 = vector.broadcast %broadcast_in_dim3A_414 : vector<50x1xf32> to vector<50x50xf32>
    %sub3A_416 = arith.subf %select_n3A_411, %sub3A_415 : vector<50x50xf32>
    %exp3A_417 = math.exp %sub3A_416 : vector<50x50xf32>
    %reduce_sum3A_418 = arith.constant dense<0.000000e+00> : vector<50xf32>
    %reduce_sum3A_419 = vector.multi_reduction <add>, %exp3A_417, %reduce_sum3A_418 [1] : vector<50x50xf32> to vector<50xf32>
    %broadcast_in_dim3A_420 = vector.shape_cast %reduce_sum3A_419 : vector<50xf32> to vector<50x1xf32>
    %div3A_421 = vector.broadcast %broadcast_in_dim3A_420 : vector<50x1xf32> to vector<50x50xf32>
    %div3A_422 = arith.divf %exp3A_417, %div3A_421 : vector<50x50xf32>
    %dot_general3A_423 = arith.constant dense<0.000000e+00> : vector<50x128xf32>
    %dot_general3A_424 = tpu.matmul %div3A_422, %get3A_324, %dot_general3A_423 {dimension_numbers = #tpu.dot_dimension_numbers<[1], [0], [0], [1], [0, 0, 1, 1], [], []>, transpose_lhs_hint = false} : vector<50x50xf32>, vector<50x128xf32>, vector<50x128xf32> -> vector<50x128xf32>
    %swap3A_425 = arith.constant 3 : index
    %swap3A_426 = arith.constant 0 : index
    %swap3A_427 = arith.constant 0 : index
    %swap3A_428 = vector.load %arg4[%swap3A_425, %swap3A_426, %swap3A_427] : memref<10x50x128xf32, #tpu.memory_space<vmem>>, vector<1x50x128xf32>
    %swap3A_429 = vector.shape_cast %swap3A_428 : vector<1x50x128xf32> to vector<50x128xf32>
    %swap3A_430 = vector.shape_cast %dot_general3A_424 : vector<50x128xf32> to vector<1x50x128xf32>
    tpu.vector_store %arg4[%swap3A_425, %swap3A_426, %swap3A_427], %swap3A_430 {strides = array<i32>} : memref<10x50x128xf32, #tpu.memory_space<vmem>>, vector<1x50x128xf32>,
    %get3A_431 = arith.constant 4 : index
    %get3A_432 = arith.constant 0 : index
    %get3A_433 = arith.constant 0 : index
    %get3A_434 = vector.load %arg1[%get3A_431, %get3A_432, %get3A_433] : memref<10x50x128xf32, #tpu.memory_space<vmem>>, vector<1x50x128xf32>
    %get3A_435 = vector.shape_cast %get3A_434 : vector<1x50x128xf32> to vector<50x128xf32>
    %get3A_436 = arith.constant 4 : index
    %get3A_437 = arith.constant 0 : index
    %get3A_438 = arith.constant 0 : index
    %get3A_439 = vector.load %arg2[%get3A_436, %get3A_437, %get3A_438] : memref<10x50x50xi32, #tpu.memory_space<vmem>>, vector<1x50x50xi32>
    %get3A_440 = vector.shape_cast %get3A_439 : vector<1x50x50xi32> to vector<50x50xi32>
    %broadcast_in_dim3A_441 = arith.constant -9.000000e+15 : f32
    %broadcast_in_dim3A_442 = vector.broadcast %broadcast_in_dim3A_441 : f32 to vector<50x50xf32>
    %get3A_443 = arith.constant 0 : index
    %get3A_444 = arith.constant 0 : index
    %get3A_445 = vector.load %arg3[%get3A_443, %get3A_444] : memref<4x128xf32, #tpu.memory_space<vmem>>, vector<1x128xf32>
    %get3A_446 = vector.shape_cast %get3A_445 : vector<1x128xf32> to vector<128xf32>
    %broadcast_in_dim3A_447 = vector.shape_cast %get3A_446 : vector<128xf32> to vector<1x128xf32>
    %mul3A_448 = vector.broadcast %broadcast_in_dim3A_447 : vector<1x128xf32> to vector<50x128xf32>
    %mul3A_449 = arith.mulf %get3A_435, %mul3A_448 : vector<50x128xf32>
    %dot_general3A_450 = arith.constant dense<0.000000e+00> : vector<50x50xf32>
    %dot_general3A_451 = tpu.matmul %mul3A_449, %get3A_435, %dot_general3A_450 {dimension_numbers = #tpu.dot_dimension_numbers<[1], [1], [0], [0], [0, 0, 1, 0], [], []>, transpose_lhs_hint = false} : vector<50x128xf32>, vector<50x128xf32>, vector<50x50xf32> -> vector<50x50xf32>
    %gt3A_452 = arith.constant 0.000000e+00 : f32
    %gt3A_453 = vector.broadcast %gt3A_452 : f32 to vector<50x50xf32>
    %gt3A_454 = arith.cmpf ogt, %dot_general3A_451, %gt3A_453 : vector<50x50xf32>
    %mul3A_455 = arith.constant 2.000000e-01 : f32
    %mul3A_456 = vector.broadcast %mul3A_455 : f32 to vector<50x50xf32>
    %mul3A_457 = arith.mulf %mul3A_456, %dot_general3A_451 : vector<50x50xf32>
    %select_n3A_458 = arith.select %gt3A_454, %dot_general3A_451, %mul3A_457 : vector<50x50xi1>, vector<50x50xf32>
    %eq3A_459 = arith.constant 1 : i32
    %eq3A_460 = vector.broadcast %eq3A_459 : i32 to vector<50x50xi32>
    %eq3A_461 = arith.cmpi eq, %get3A_440, %eq3A_460 : vector<50x50xi32>
    %select_n3A_462 = arith.select %eq3A_461, %select_n3A_458, %broadcast_in_dim3A_442 : vector<50x50xi1>, vector<50x50xf32>
    %get3A_463 = arith.constant 1 : index
    %get3A_464 = arith.constant 0 : index
    %get3A_465 = vector.load %arg3[%get3A_463, %get3A_464] : memref<4x128xf32, #tpu.memory_space<vmem>>, vector<1x128xf32>
    %get3A_466 = vector.shape_cast %get3A_465 : vector<1x128xf32> to vector<128xf32>
    %broadcast_in_dim3A_467 = vector.shape_cast %get3A_466 : vector<128xf32> to vector<1x128xf32>
    %mul3A_468 = vector.broadcast %broadcast_in_dim3A_467 : vector<1x128xf32> to vector<50x128xf32>
    %mul3A_469 = arith.mulf %get3A_435, %mul3A_468 : vector<50x128xf32>
    %dot_general3A_470 = arith.constant dense<0.000000e+00> : vector<50x50xf32>
    %dot_general3A_471 = tpu.matmul %mul3A_469, %get3A_435, %dot_general3A_470 {dimension_numbers = #tpu.dot_dimension_numbers<[1], [1], [0], [0], [0, 0, 1, 0], [], []>, transpose_lhs_hint = false} : vector<50x128xf32>, vector<50x128xf32>, vector<50x50xf32> -> vector<50x50xf32>
    %gt3A_472 = arith.constant 0.000000e+00 : f32
    %gt3A_473 = vector.broadcast %gt3A_472 : f32 to vector<50x50xf32>
    %gt3A_474 = arith.cmpf ogt, %dot_general3A_471, %gt3A_473 : vector<50x50xf32>
    %mul3A_475 = arith.constant 2.000000e-01 : f32
    %mul3A_476 = vector.broadcast %mul3A_475 : f32 to vector<50x50xf32>
    %mul3A_477 = arith.mulf %mul3A_476, %dot_general3A_471 : vector<50x50xf32>
    %select_n3A_478 = arith.select %gt3A_474, %dot_general3A_471, %mul3A_477 : vector<50x50xi1>, vector<50x50xf32>
    %eq3A_479 = arith.constant 2 : i32
    %eq3A_480 = vector.broadcast %eq3A_479 : i32 to vector<50x50xi32>
    %eq3A_481 = arith.cmpi eq, %get3A_440, %eq3A_480 : vector<50x50xi32>
    %select_n3A_482 = arith.select %eq3A_481, %select_n3A_478, %select_n3A_462 : vector<50x50xi1>, vector<50x50xf32>
    %get3A_483 = arith.constant 2 : index
    %get3A_484 = arith.constant 0 : index
    %get3A_485 = vector.load %arg3[%get3A_483, %get3A_484] : memref<4x128xf32, #tpu.memory_space<vmem>>, vector<1x128xf32>
    %get3A_486 = vector.shape_cast %get3A_485 : vector<1x128xf32> to vector<128xf32>
    %broadcast_in_dim3A_487 = vector.shape_cast %get3A_486 : vector<128xf32> to vector<1x128xf32>
    %mul3A_488 = vector.broadcast %broadcast_in_dim3A_487 : vector<1x128xf32> to vector<50x128xf32>
    %mul3A_489 = arith.mulf %get3A_435, %mul3A_488 : vector<50x128xf32>
    %dot_general3A_490 = arith.constant dense<0.000000e+00> : vector<50x50xf32>
    %dot_general3A_491 = tpu.matmul %mul3A_489, %get3A_435, %dot_general3A_490 {dimension_numbers = #tpu.dot_dimension_numbers<[1], [1], [0], [0], [0, 0, 1, 0], [], []>, transpose_lhs_hint = false} : vector<50x128xf32>, vector<50x128xf32>, vector<50x50xf32> -> vector<50x50xf32>
    %gt3A_492 = arith.constant 0.000000e+00 : f32
    %gt3A_493 = vector.broadcast %gt3A_492 : f32 to vector<50x50xf32>
    %gt3A_494 = arith.cmpf ogt, %dot_general3A_491, %gt3A_493 : vector<50x50xf32>
    %mul3A_495 = arith.constant 2.000000e-01 : f32
    %mul3A_496 = vector.broadcast %mul3A_495 : f32 to vector<50x50xf32>
    %mul3A_497 = arith.mulf %mul3A_496, %dot_general3A_491 : vector<50x50xf32>
    %select_n3A_498 = arith.select %gt3A_494, %dot_general3A_491, %mul3A_497 : vector<50x50xi1>, vector<50x50xf32>
    %eq3A_499 = arith.constant 3 : i32
    %eq3A_500 = vector.broadcast %eq3A_499 : i32 to vector<50x50xi32>
    %eq3A_501 = arith.cmpi eq, %get3A_440, %eq3A_500 : vector<50x50xi32>
    %select_n3A_502 = arith.select %eq3A_501, %select_n3A_498, %select_n3A_482 : vector<50x50xi1>, vector<50x50xf32>
    %get3A_503 = arith.constant 3 : index
    %get3A_504 = arith.constant 0 : index
    %get3A_505 = vector.load %arg3[%get3A_503, %get3A_504] : memref<4x128xf32, #tpu.memory_space<vmem>>, vector<1x128xf32>
    %get3A_506 = vector.shape_cast %get3A_505 : vector<1x128xf32> to vector<128xf32>
    %broadcast_in_dim3A_507 = vector.shape_cast %get3A_506 : vector<128xf32> to vector<1x128xf32>
    %mul3A_508 = vector.broadcast %broadcast_in_dim3A_507 : vector<1x128xf32> to vector<50x128xf32>
    %mul3A_509 = arith.mulf %get3A_435, %mul3A_508 : vector<50x128xf32>
    %dot_general3A_510 = arith.constant dense<0.000000e+00> : vector<50x50xf32>
    %dot_general3A_511 = tpu.matmul %mul3A_509, %get3A_435, %dot_general3A_510 {dimension_numbers = #tpu.dot_dimension_numbers<[1], [1], [0], [0], [0, 0, 1, 0], [], []>, transpose_lhs_hint = false} : vector<50x128xf32>, vector<50x128xf32>, vector<50x50xf32> -> vector<50x50xf32>
    %gt3A_512 = arith.constant 0.000000e+00 : f32
    %gt3A_513 = vector.broadcast %gt3A_512 : f32 to vector<50x50xf32>
    %gt3A_514 = arith.cmpf ogt, %dot_general3A_511, %gt3A_513 : vector<50x50xf32>
    %mul3A_515 = arith.constant 2.000000e-01 : f32
    %mul3A_516 = vector.broadcast %mul3A_515 : f32 to vector<50x50xf32>
    %mul3A_517 = arith.mulf %mul3A_516, %dot_general3A_511 : vector<50x50xf32>
    %select_n3A_518 = arith.select %gt3A_514, %dot_general3A_511, %mul3A_517 : vector<50x50xi1>, vector<50x50xf32>
    %eq3A_519 = arith.constant 4 : i32
    %eq3A_520 = vector.broadcast %eq3A_519 : i32 to vector<50x50xi32>
    %eq3A_521 = arith.cmpi eq, %get3A_440, %eq3A_520 : vector<50x50xi32>
    %select_n3A_522 = arith.select %eq3A_521, %select_n3A_518, %select_n3A_502 : vector<50x50xi1>, vector<50x50xf32>
    %reduce_max3A_523 = arith.constant dense<0xFF800000> : vector<50xf32>
    %reduce_max3A_524 = vector.multi_reduction <maximumf>, %select_n3A_522, %reduce_max3A_523 [1] : vector<50x50xf32> to vector<50xf32>
    %broadcast_in_dim3A_525 = vector.shape_cast %reduce_max3A_524 : vector<50xf32> to vector<50x1xf32>
    %sub3A_526 = vector.broadcast %broadcast_in_dim3A_525 : vector<50x1xf32> to vector<50x50xf32>
    %sub3A_527 = arith.subf %select_n3A_522, %sub3A_526 : vector<50x50xf32>
    %exp3A_528 = math.exp %sub3A_527 : vector<50x50xf32>
    %reduce_sum3A_529 = arith.constant dense<0.000000e+00> : vector<50xf32>
    %reduce_sum3A_530 = vector.multi_reduction <add>, %exp3A_528, %reduce_sum3A_529 [1] : vector<50x50xf32> to vector<50xf32>
    %broadcast_in_dim3A_531 = vector.shape_cast %reduce_sum3A_530 : vector<50xf32> to vector<50x1xf32>
    %div3A_532 = vector.broadcast %broadcast_in_dim3A_531 : vector<50x1xf32> to vector<50x50xf32>
    %div3A_533 = arith.divf %exp3A_528, %div3A_532 : vector<50x50xf32>
    %dot_general3A_534 = arith.constant dense<0.000000e+00> : vector<50x128xf32>
    %dot_general3A_535 = tpu.matmul %div3A_533, %get3A_435, %dot_general3A_534 {dimension_numbers = #tpu.dot_dimension_numbers<[1], [0], [0], [1], [0, 0, 1, 1], [], []>, transpose_lhs_hint = false} : vector<50x50xf32>, vector<50x128xf32>, vector<50x128xf32> -> vector<50x128xf32>
    %swap3A_536 = arith.constant 4 : index
    %swap3A_537 = arith.constant 0 : index
    %swap3A_538 = arith.constant 0 : index
    %swap3A_539 = vector.load %arg4[%swap3A_536, %swap3A_537, %swap3A_538] : memref<10x50x128xf32, #tpu.memory_space<vmem>>, vector<1x50x128xf32>
    %swap3A_540 = vector.shape_cast %swap3A_539 : vector<1x50x128xf32> to vector<50x128xf32>
    %swap3A_541 = vector.shape_cast %dot_general3A_535 : vector<50x128xf32> to vector<1x50x128xf32>
    tpu.vector_store %arg4[%swap3A_536, %swap3A_537, %swap3A_538], %swap3A_541 {strides = array<i32>} : memref<10x50x128xf32, #tpu.memory_space<vmem>>, vector<1x50x128xf32>,
    %get3A_542 = arith.constant 5 : index
    %get3A_543 = arith.constant 0 : index
    %get3A_544 = arith.constant 0 : index
    %get3A_545 = vector.load %arg1[%get3A_542, %get3A_543, %get3A_544] : memref<10x50x128xf32, #tpu.memory_space<vmem>>, vector<1x50x128xf32>
    %get3A_546 = vector.shape_cast %get3A_545 : vector<1x50x128xf32> to vector<50x128xf32>
    %get3A_547 = arith.constant 5 : index
    %get3A_548 = arith.constant 0 : index
    %get3A_549 = arith.constant 0 : index
    %get3A_550 = vector.load %arg2[%get3A_547, %get3A_548, %get3A_549] : memref<10x50x50xi32, #tpu.memory_space<vmem>>, vector<1x50x50xi32>
    %get3A_551 = vector.shape_cast %get3A_550 : vector<1x50x50xi32> to vector<50x50xi32>
    %broadcast_in_dim3A_552 = arith.constant -9.000000e+15 : f32
    %broadcast_in_dim3A_553 = vector.broadcast %broadcast_in_dim3A_552 : f32 to vector<50x50xf32>
    %get3A_554 = arith.constant 0 : index
    %get3A_555 = arith.constant 0 : index
    %get3A_556 = vector.load %arg3[%get3A_554, %get3A_555] : memref<4x128xf32, #tpu.memory_space<vmem>>, vector<1x128xf32>
    %get3A_557 = vector.shape_cast %get3A_556 : vector<1x128xf32> to vector<128xf32>
    %broadcast_in_dim3A_558 = vector.shape_cast %get3A_557 : vector<128xf32> to vector<1x128xf32>
    %mul3A_559 = vector.broadcast %broadcast_in_dim3A_558 : vector<1x128xf32> to vector<50x128xf32>
    %mul3A_560 = arith.mulf %get3A_546, %mul3A_559 : vector<50x128xf32>
    %dot_general3A_561 = arith.constant dense<0.000000e+00> : vector<50x50xf32>
    %dot_general3A_562 = tpu.matmul %mul3A_560, %get3A_546, %dot_general3A_561 {dimension_numbers = #tpu.dot_dimension_numbers<[1], [1], [0], [0], [0, 0, 1, 0], [], []>, transpose_lhs_hint = false} : vector<50x128xf32>, vector<50x128xf32>, vector<50x50xf32> -> vector<50x50xf32>
    %gt3A_563 = arith.constant 0.000000e+00 : f32
    %gt3A_564 = vector.broadcast %gt3A_563 : f32 to vector<50x50xf32>
    %gt3A_565 = arith.cmpf ogt, %dot_general3A_562, %gt3A_564 : vector<50x50xf32>
    %mul3A_566 = arith.constant 2.000000e-01 : f32
    %mul3A_567 = vector.broadcast %mul3A_566 : f32 to vector<50x50xf32>
    %mul3A_568 = arith.mulf %mul3A_567, %dot_general3A_562 : vector<50x50xf32>
    %select_n3A_569 = arith.select %gt3A_565, %dot_general3A_562, %mul3A_568 : vector<50x50xi1>, vector<50x50xf32>
    %eq3A_570 = arith.constant 1 : i32
    %eq3A_571 = vector.broadcast %eq3A_570 : i32 to vector<50x50xi32>
    %eq3A_572 = arith.cmpi eq, %get3A_551, %eq3A_571 : vector<50x50xi32>
    %select_n3A_573 = arith.select %eq3A_572, %select_n3A_569, %broadcast_in_dim3A_553 : vector<50x50xi1>, vector<50x50xf32>
    %get3A_574 = arith.constant 1 : index
    %get3A_575 = arith.constant 0 : index
    %get3A_576 = vector.load %arg3[%get3A_574, %get3A_575] : memref<4x128xf32, #tpu.memory_space<vmem>>, vector<1x128xf32>
    %get3A_577 = vector.shape_cast %get3A_576 : vector<1x128xf32> to vector<128xf32>
    %broadcast_in_dim3A_578 = vector.shape_cast %get3A_577 : vector<128xf32> to vector<1x128xf32>
    %mul3A_579 = vector.broadcast %broadcast_in_dim3A_578 : vector<1x128xf32> to vector<50x128xf32>
    %mul3A_580 = arith.mulf %get3A_546, %mul3A_579 : vector<50x128xf32>
    %dot_general3A_581 = arith.constant dense<0.000000e+00> : vector<50x50xf32>
    %dot_general3A_582 = tpu.matmul %mul3A_580, %get3A_546, %dot_general3A_581 {dimension_numbers = #tpu.dot_dimension_numbers<[1], [1], [0], [0], [0, 0, 1, 0], [], []>, transpose_lhs_hint = false} : vector<50x128xf32>, vector<50x128xf32>, vector<50x50xf32> -> vector<50x50xf32>
    %gt3A_583 = arith.constant 0.000000e+00 : f32
    %gt3A_584 = vector.broadcast %gt3A_583 : f32 to vector<50x50xf32>
    %gt3A_585 = arith.cmpf ogt, %dot_general3A_582, %gt3A_584 : vector<50x50xf32>
    %mul3A_586 = arith.constant 2.000000e-01 : f32
    %mul3A_587 = vector.broadcast %mul3A_586 : f32 to vector<50x50xf32>
    %mul3A_588 = arith.mulf %mul3A_587, %dot_general3A_582 : vector<50x50xf32>
    %select_n3A_589 = arith.select %gt3A_585, %dot_general3A_582, %mul3A_588 : vector<50x50xi1>, vector<50x50xf32>
    %eq3A_590 = arith.constant 2 : i32
    %eq3A_591 = vector.broadcast %eq3A_590 : i32 to vector<50x50xi32>
    %eq3A_592 = arith.cmpi eq, %get3A_551, %eq3A_591 : vector<50x50xi32>
    %select_n3A_593 = arith.select %eq3A_592, %select_n3A_589, %select_n3A_573 : vector<50x50xi1>, vector<50x50xf32>
    %get3A_594 = arith.constant 2 : index
    %get3A_595 = arith.constant 0 : index
    %get3A_596 = vector.load %arg3[%get3A_594, %get3A_595] : memref<4x128xf32, #tpu.memory_space<vmem>>, vector<1x128xf32>
    %get3A_597 = vector.shape_cast %get3A_596 : vector<1x128xf32> to vector<128xf32>
    %broadcast_in_dim3A_598 = vector.shape_cast %get3A_597 : vector<128xf32> to vector<1x128xf32>
    %mul3A_599 = vector.broadcast %broadcast_in_dim3A_598 : vector<1x128xf32> to vector<50x128xf32>
    %mul3A_600 = arith.mulf %get3A_546, %mul3A_599 : vector<50x128xf32>
    %dot_general3A_601 = arith.constant dense<0.000000e+00> : vector<50x50xf32>
    %dot_general3A_602 = tpu.matmul %mul3A_600, %get3A_546, %dot_general3A_601 {dimension_numbers = #tpu.dot_dimension_numbers<[1], [1], [0], [0], [0, 0, 1, 0], [], []>, transpose_lhs_hint = false} : vector<50x128xf32>, vector<50x128xf32>, vector<50x50xf32> -> vector<50x50xf32>
    %gt3A_603 = arith.constant 0.000000e+00 : f32
    %gt3A_604 = vector.broadcast %gt3A_603 : f32 to vector<50x50xf32>
    %gt3A_605 = arith.cmpf ogt, %dot_general3A_602, %gt3A_604 : vector<50x50xf32>
    %mul3A_606 = arith.constant 2.000000e-01 : f32
    %mul3A_607 = vector.broadcast %mul3A_606 : f32 to vector<50x50xf32>
    %mul3A_608 = arith.mulf %mul3A_607, %dot_general3A_602 : vector<50x50xf32>
    %select_n3A_609 = arith.select %gt3A_605, %dot_general3A_602, %mul3A_608 : vector<50x50xi1>, vector<50x50xf32>
    %eq3A_610 = arith.constant 3 : i32
    %eq3A_611 = vector.broadcast %eq3A_610 : i32 to vector<50x50xi32>
    %eq3A_612 = arith.cmpi eq, %get3A_551, %eq3A_611 : vector<50x50xi32>
    %select_n3A_613 = arith.select %eq3A_612, %select_n3A_609, %select_n3A_593 : vector<50x50xi1>, vector<50x50xf32>
    %get3A_614 = arith.constant 3 : index
    %get3A_615 = arith.constant 0 : index
    %get3A_616 = vector.load %arg3[%get3A_614, %get3A_615] : memref<4x128xf32, #tpu.memory_space<vmem>>, vector<1x128xf32>
    %get3A_617 = vector.shape_cast %get3A_616 : vector<1x128xf32> to vector<128xf32>
    %broadcast_in_dim3A_618 = vector.shape_cast %get3A_617 : vector<128xf32> to vector<1x128xf32>
    %mul3A_619 = vector.broadcast %broadcast_in_dim3A_618 : vector<1x128xf32> to vector<50x128xf32>
    %mul3A_620 = arith.mulf %get3A_546, %mul3A_619 : vector<50x128xf32>
    %dot_general3A_621 = arith.constant dense<0.000000e+00> : vector<50x50xf32>
    %dot_general3A_622 = tpu.matmul %mul3A_620, %get3A_546, %dot_general3A_621 {dimension_numbers = #tpu.dot_dimension_numbers<[1], [1], [0], [0], [0, 0, 1, 0], [], []>, transpose_lhs_hint = false} : vector<50x128xf32>, vector<50x128xf32>, vector<50x50xf32> -> vector<50x50xf32>
    %gt3A_623 = arith.constant 0.000000e+00 : f32
    %gt3A_624 = vector.broadcast %gt3A_623 : f32 to vector<50x50xf32>
    %gt3A_625 = arith.cmpf ogt, %dot_general3A_622, %gt3A_624 : vector<50x50xf32>
    %mul3A_626 = arith.constant 2.000000e-01 : f32
    %mul3A_627 = vector.broadcast %mul3A_626 : f32 to vector<50x50xf32>
    %mul3A_628 = arith.mulf %mul3A_627, %dot_general3A_622 : vector<50x50xf32>
    %select_n3A_629 = arith.select %gt3A_625, %dot_general3A_622, %mul3A_628 : vector<50x50xi1>, vector<50x50xf32>
    %eq3A_630 = arith.constant 4 : i32
    %eq3A_631 = vector.broadcast %eq3A_630 : i32 to vector<50x50xi32>
    %eq3A_632 = arith.cmpi eq, %get3A_551, %eq3A_631 : vector<50x50xi32>
    %select_n3A_633 = arith.select %eq3A_632, %select_n3A_629, %select_n3A_613 : vector<50x50xi1>, vector<50x50xf32>
    %reduce_max3A_634 = arith.constant dense<0xFF800000> : vector<50xf32>
    %reduce_max3A_635 = vector.multi_reduction <maximumf>, %select_n3A_633, %reduce_max3A_634 [1] : vector<50x50xf32> to vector<50xf32>
    %broadcast_in_dim3A_636 = vector.shape_cast %reduce_max3A_635 : vector<50xf32> to vector<50x1xf32>
    %sub3A_637 = vector.broadcast %broadcast_in_dim3A_636 : vector<50x1xf32> to vector<50x50xf32>
    %sub3A_638 = arith.subf %select_n3A_633, %sub3A_637 : vector<50x50xf32>
    %exp3A_639 = math.exp %sub3A_638 : vector<50x50xf32>
    %reduce_sum3A_640 = arith.constant dense<0.000000e+00> : vector<50xf32>
    %reduce_sum3A_641 = vector.multi_reduction <add>, %exp3A_639, %reduce_sum3A_640 [1] : vector<50x50xf32> to vector<50xf32>
    %broadcast_in_dim3A_642 = vector.shape_cast %reduce_sum3A_641 : vector<50xf32> to vector<50x1xf32>
    %div3A_643 = vector.broadcast %broadcast_in_dim3A_642 : vector<50x1xf32> to vector<50x50xf32>
    %div3A_644 = arith.divf %exp3A_639, %div3A_643 : vector<50x50xf32>
    %dot_general3A_645 = arith.constant dense<0.000000e+00> : vector<50x128xf32>
    %dot_general3A_646 = tpu.matmul %div3A_644, %get3A_546, %dot_general3A_645 {dimension_numbers = #tpu.dot_dimension_numbers<[1], [0], [0], [1], [0, 0, 1, 1], [], []>, transpose_lhs_hint = false} : vector<50x50xf32>, vector<50x128xf32>, vector<50x128xf32> -> vector<50x128xf32>
    %swap3A_647 = arith.constant 5 : index
    %swap3A_648 = arith.constant 0 : index
    %swap3A_649 = arith.constant 0 : index
    %swap3A_650 = vector.load %arg4[%swap3A_647, %swap3A_648, %swap3A_649] : memref<10x50x128xf32, #tpu.memory_space<vmem>>, vector<1x50x128xf32>
    %swap3A_651 = vector.shape_cast %swap3A_650 : vector<1x50x128xf32> to vector<50x128xf32>
    %swap3A_652 = vector.shape_cast %dot_general3A_646 : vector<50x128xf32> to vector<1x50x128xf32>
    tpu.vector_store %arg4[%swap3A_647, %swap3A_648, %swap3A_649], %swap3A_652 {strides = array<i32>} : memref<10x50x128xf32, #tpu.memory_space<vmem>>, vector<1x50x128xf32>,
    %get3A_653 = arith.constant 6 : index
    %get3A_654 = arith.constant 0 : index
    %get3A_655 = arith.constant 0 : index
    %get3A_656 = vector.load %arg1[%get3A_653, %get3A_654, %get3A_655] : memref<10x50x128xf32, #tpu.memory_space<vmem>>, vector<1x50x128xf32>
    %get3A_657 = vector.shape_cast %get3A_656 : vector<1x50x128xf32> to vector<50x128xf32>
    %get3A_658 = arith.constant 6 : index
    %get3A_659 = arith.constant 0 : index
    %get3A_660 = arith.constant 0 : index
    %get3A_661 = vector.load %arg2[%get3A_658, %get3A_659, %get3A_660] : memref<10x50x50xi32, #tpu.memory_space<vmem>>, vector<1x50x50xi32>
    %get3A_662 = vector.shape_cast %get3A_661 : vector<1x50x50xi32> to vector<50x50xi32>
    %broadcast_in_dim3A_663 = arith.constant -9.000000e+15 : f32
    %broadcast_in_dim3A_664 = vector.broadcast %broadcast_in_dim3A_663 : f32 to vector<50x50xf32>
    %get3A_665 = arith.constant 0 : index
    %get3A_666 = arith.constant 0 : index
    %get3A_667 = vector.load %arg3[%get3A_665, %get3A_666] : memref<4x128xf32, #tpu.memory_space<vmem>>, vector<1x128xf32>
    %get3A_668 = vector.shape_cast %get3A_667 : vector<1x128xf32> to vector<128xf32>
    %broadcast_in_dim3A_669 = vector.shape_cast %get3A_668 : vector<128xf32> to vector<1x128xf32>
    %mul3A_670 = vector.broadcast %broadcast_in_dim3A_669 : vector<1x128xf32> to vector<50x128xf32>
    %mul3A_671 = arith.mulf %get3A_657, %mul3A_670 : vector<50x128xf32>
    %dot_general3A_672 = arith.constant dense<0.000000e+00> : vector<50x50xf32>
    %dot_general3A_673 = tpu.matmul %mul3A_671, %get3A_657, %dot_general3A_672 {dimension_numbers = #tpu.dot_dimension_numbers<[1], [1], [0], [0], [0, 0, 1, 0], [], []>, transpose_lhs_hint = false} : vector<50x128xf32>, vector<50x128xf32>, vector<50x50xf32> -> vector<50x50xf32>
    %gt3A_674 = arith.constant 0.000000e+00 : f32
    %gt3A_675 = vector.broadcast %gt3A_674 : f32 to vector<50x50xf32>
    %gt3A_676 = arith.cmpf ogt, %dot_general3A_673, %gt3A_675 : vector<50x50xf32>
    %mul3A_677 = arith.constant 2.000000e-01 : f32
    %mul3A_678 = vector.broadcast %mul3A_677 : f32 to vector<50x50xf32>
    %mul3A_679 = arith.mulf %mul3A_678, %dot_general3A_673 : vector<50x50xf32>
    %select_n3A_680 = arith.select %gt3A_676, %dot_general3A_673, %mul3A_679 : vector<50x50xi1>, vector<50x50xf32>
    %eq3A_681 = arith.constant 1 : i32
    %eq3A_682 = vector.broadcast %eq3A_681 : i32 to vector<50x50xi32>
    %eq3A_683 = arith.cmpi eq, %get3A_662, %eq3A_682 : vector<50x50xi32>
    %select_n3A_684 = arith.select %eq3A_683, %select_n3A_680, %broadcast_in_dim3A_664 : vector<50x50xi1>, vector<50x50xf32>
    %get3A_685 = arith.constant 1 : index
    %get3A_686 = arith.constant 0 : index
    %get3A_687 = vector.load %arg3[%get3A_685, %get3A_686] : memref<4x128xf32, #tpu.memory_space<vmem>>, vector<1x128xf32>
    %get3A_688 = vector.shape_cast %get3A_687 : vector<1x128xf32> to vector<128xf32>
    %broadcast_in_dim3A_689 = vector.shape_cast %get3A_688 : vector<128xf32> to vector<1x128xf32>
    %mul3A_690 = vector.broadcast %broadcast_in_dim3A_689 : vector<1x128xf32> to vector<50x128xf32>
    %mul3A_691 = arith.mulf %get3A_657, %mul3A_690 : vector<50x128xf32>
    %dot_general3A_692 = arith.constant dense<0.000000e+00> : vector<50x50xf32>
    %dot_general3A_693 = tpu.matmul %mul3A_691, %get3A_657, %dot_general3A_692 {dimension_numbers = #tpu.dot_dimension_numbers<[1], [1], [0], [0], [0, 0, 1, 0], [], []>, transpose_lhs_hint = false} : vector<50x128xf32>, vector<50x128xf32>, vector<50x50xf32> -> vector<50x50xf32>
    %gt3A_694 = arith.constant 0.000000e+00 : f32
    %gt3A_695 = vector.broadcast %gt3A_694 : f32 to vector<50x50xf32>
    %gt3A_696 = arith.cmpf ogt, %dot_general3A_693, %gt3A_695 : vector<50x50xf32>
    %mul3A_697 = arith.constant 2.000000e-01 : f32
    %mul3A_698 = vector.broadcast %mul3A_697 : f32 to vector<50x50xf32>
    %mul3A_699 = arith.mulf %mul3A_698, %dot_general3A_693 : vector<50x50xf32>
    %select_n3A_700 = arith.select %gt3A_696, %dot_general3A_693, %mul3A_699 : vector<50x50xi1>, vector<50x50xf32>
    %eq3A_701 = arith.constant 2 : i32
    %eq3A_702 = vector.broadcast %eq3A_701 : i32 to vector<50x50xi32>
    %eq3A_703 = arith.cmpi eq, %get3A_662, %eq3A_702 : vector<50x50xi32>
    %select_n3A_704 = arith.select %eq3A_703, %select_n3A_700, %select_n3A_684 : vector<50x50xi1>, vector<50x50xf32>
    %get3A_705 = arith.constant 2 : index
    %get3A_706 = arith.constant 0 : index
    %get3A_707 = vector.load %arg3[%get3A_705, %get3A_706] : memref<4x128xf32, #tpu.memory_space<vmem>>, vector<1x128xf32>
    %get3A_708 = vector.shape_cast %get3A_707 : vector<1x128xf32> to vector<128xf32>
    %broadcast_in_dim3A_709 = vector.shape_cast %get3A_708 : vector<128xf32> to vector<1x128xf32>
    %mul3A_710 = vector.broadcast %broadcast_in_dim3A_709 : vector<1x128xf32> to vector<50x128xf32>
    %mul3A_711 = arith.mulf %get3A_657, %mul3A_710 : vector<50x128xf32>
    %dot_general3A_712 = arith.constant dense<0.000000e+00> : vector<50x50xf32>
    %dot_general3A_713 = tpu.matmul %mul3A_711, %get3A_657, %dot_general3A_712 {dimension_numbers = #tpu.dot_dimension_numbers<[1], [1], [0], [0], [0, 0, 1, 0], [], []>, transpose_lhs_hint = false} : vector<50x128xf32>, vector<50x128xf32>, vector<50x50xf32> -> vector<50x50xf32>
    %gt3A_714 = arith.constant 0.000000e+00 : f32
    %gt3A_715 = vector.broadcast %gt3A_714 : f32 to vector<50x50xf32>
    %gt3A_716 = arith.cmpf ogt, %dot_general3A_713, %gt3A_715 : vector<50x50xf32>
    %mul3A_717 = arith.constant 2.000000e-01 : f32
    %mul3A_718 = vector.broadcast %mul3A_717 : f32 to vector<50x50xf32>
    %mul3A_719 = arith.mulf %mul3A_718, %dot_general3A_713 : vector<50x50xf32>
    %select_n3A_720 = arith.select %gt3A_716, %dot_general3A_713, %mul3A_719 : vector<50x50xi1>, vector<50x50xf32>
    %eq3A_721 = arith.constant 3 : i32
    %eq3A_722 = vector.broadcast %eq3A_721 : i32 to vector<50x50xi32>
    %eq3A_723 = arith.cmpi eq, %get3A_662, %eq3A_722 : vector<50x50xi32>
    %select_n3A_724 = arith.select %eq3A_723, %select_n3A_720, %select_n3A_704 : vector<50x50xi1>, vector<50x50xf32>
    %get3A_725 = arith.constant 3 : index
    %get3A_726 = arith.constant 0 : index
    %get3A_727 = vector.load %arg3[%get3A_725, %get3A_726] : memref<4x128xf32, #tpu.memory_space<vmem>>, vector<1x128xf32>
    %get3A_728 = vector.shape_cast %get3A_727 : vector<1x128xf32> to vector<128xf32>
    %broadcast_in_dim3A_729 = vector.shape_cast %get3A_728 : vector<128xf32> to vector<1x128xf32>
    %mul3A_730 = vector.broadcast %broadcast_in_dim3A_729 : vector<1x128xf32> to vector<50x128xf32>
    %mul3A_731 = arith.mulf %get3A_657, %mul3A_730 : vector<50x128xf32>
    %dot_general3A_732 = arith.constant dense<0.000000e+00> : vector<50x50xf32>
    %dot_general3A_733 = tpu.matmul %mul3A_731, %get3A_657, %dot_general3A_732 {dimension_numbers = #tpu.dot_dimension_numbers<[1], [1], [0], [0], [0, 0, 1, 0], [], []>, transpose_lhs_hint = false} : vector<50x128xf32>, vector<50x128xf32>, vector<50x50xf32> -> vector<50x50xf32>
    %gt3A_734 = arith.constant 0.000000e+00 : f32
    %gt3A_735 = vector.broadcast %gt3A_734 : f32 to vector<50x50xf32>
    %gt3A_736 = arith.cmpf ogt, %dot_general3A_733, %gt3A_735 : vector<50x50xf32>
    %mul3A_737 = arith.constant 2.000000e-01 : f32
    %mul3A_738 = vector.broadcast %mul3A_737 : f32 to vector<50x50xf32>
    %mul3A_739 = arith.mulf %mul3A_738, %dot_general3A_733 : vector<50x50xf32>
    %select_n3A_740 = arith.select %gt3A_736, %dot_general3A_733, %mul3A_739 : vector<50x50xi1>, vector<50x50xf32>
    %eq3A_741 = arith.constant 4 : i32
    %eq3A_742 = vector.broadcast %eq3A_741 : i32 to vector<50x50xi32>
    %eq3A_743 = arith.cmpi eq, %get3A_662, %eq3A_742 : vector<50x50xi32>
    %select_n3A_744 = arith.select %eq3A_743, %select_n3A_740, %select_n3A_724 : vector<50x50xi1>, vector<50x50xf32>
    %reduce_max3A_745 = arith.constant dense<0xFF800000> : vector<50xf32>
    %reduce_max3A_746 = vector.multi_reduction <maximumf>, %select_n3A_744, %reduce_max3A_745 [1] : vector<50x50xf32> to vector<50xf32>
    %broadcast_in_dim3A_747 = vector.shape_cast %reduce_max3A_746 : vector<50xf32> to vector<50x1xf32>
    %sub3A_748 = vector.broadcast %broadcast_in_dim3A_747 : vector<50x1xf32> to vector<50x50xf32>
    %sub3A_749 = arith.subf %select_n3A_744, %sub3A_748 : vector<50x50xf32>
    %exp3A_750 = math.exp %sub3A_749 : vector<50x50xf32>
    %reduce_sum3A_751 = arith.constant dense<0.000000e+00> : vector<50xf32>
    %reduce_sum3A_752 = vector.multi_reduction <add>, %exp3A_750, %reduce_sum3A_751 [1] : vector<50x50xf32> to vector<50xf32>
    %broadcast_in_dim3A_753 = vector.shape_cast %reduce_sum3A_752 : vector<50xf32> to vector<50x1xf32>
    %div3A_754 = vector.broadcast %broadcast_in_dim3A_753 : vector<50x1xf32> to vector<50x50xf32>
    %div3A_755 = arith.divf %exp3A_750, %div3A_754 : vector<50x50xf32>
    %dot_general3A_756 = arith.constant dense<0.000000e+00> : vector<50x128xf32>
    %dot_general3A_757 = tpu.matmul %div3A_755, %get3A_657, %dot_general3A_756 {dimension_numbers = #tpu.dot_dimension_numbers<[1], [0], [0], [1], [0, 0, 1, 1], [], []>, transpose_lhs_hint = false} : vector<50x50xf32>, vector<50x128xf32>, vector<50x128xf32> -> vector<50x128xf32>
    %swap3A_758 = arith.constant 6 : index
    %swap3A_759 = arith.constant 0 : index
    %swap3A_760 = arith.constant 0 : index
    %swap3A_761 = vector.load %arg4[%swap3A_758, %swap3A_759, %swap3A_760] : memref<10x50x128xf32, #tpu.memory_space<vmem>>, vector<1x50x128xf32>
    %swap3A_762 = vector.shape_cast %swap3A_761 : vector<1x50x128xf32> to vector<50x128xf32>
    %swap3A_763 = vector.shape_cast %dot_general3A_757 : vector<50x128xf32> to vector<1x50x128xf32>
    tpu.vector_store %arg4[%swap3A_758, %swap3A_759, %swap3A_760], %swap3A_763 {strides = array<i32>} : memref<10x50x128xf32, #tpu.memory_space<vmem>>, vector<1x50x128xf32>,
    %get3A_764 = arith.constant 7 : index
    %get3A_765 = arith.constant 0 : index
    %get3A_766 = arith.constant 0 : index
    %get3A_767 = vector.load %arg1[%get3A_764, %get3A_765, %get3A_766] : memref<10x50x128xf32, #tpu.memory_space<vmem>>, vector<1x50x128xf32>
    %get3A_768 = vector.shape_cast %get3A_767 : vector<1x50x128xf32> to vector<50x128xf32>
    %get3A_769 = arith.constant 7 : index
    %get3A_770 = arith.constant 0 : index
    %get3A_771 = arith.constant 0 : index
    %get3A_772 = vector.load %arg2[%get3A_769, %get3A_770, %get3A_771] : memref<10x50x50xi32, #tpu.memory_space<vmem>>, vector<1x50x50xi32>
    %get3A_773 = vector.shape_cast %get3A_772 : vector<1x50x50xi32> to vector<50x50xi32>
    %broadcast_in_dim3A_774 = arith.constant -9.000000e+15 : f32
    %broadcast_in_dim3A_775 = vector.broadcast %broadcast_in_dim3A_774 : f32 to vector<50x50xf32>
    %get3A_776 = arith.constant 0 : index
    %get3A_777 = arith.constant 0 : index
    %get3A_778 = vector.load %arg3[%get3A_776, %get3A_777] : memref<4x128xf32, #tpu.memory_space<vmem>>, vector<1x128xf32>
    %get3A_779 = vector.shape_cast %get3A_778 : vector<1x128xf32> to vector<128xf32>
    %broadcast_in_dim3A_780 = vector.shape_cast %get3A_779 : vector<128xf32> to vector<1x128xf32>
    %mul3A_781 = vector.broadcast %broadcast_in_dim3A_780 : vector<1x128xf32> to vector<50x128xf32>
    %mul3A_782 = arith.mulf %get3A_768, %mul3A_781 : vector<50x128xf32>
    %dot_general3A_783 = arith.constant dense<0.000000e+00> : vector<50x50xf32>
    %dot_general3A_784 = tpu.matmul %mul3A_782, %get3A_768, %dot_general3A_783 {dimension_numbers = #tpu.dot_dimension_numbers<[1], [1], [0], [0], [0, 0, 1, 0], [], []>, transpose_lhs_hint = false} : vector<50x128xf32>, vector<50x128xf32>, vector<50x50xf32> -> vector<50x50xf32>
    %gt3A_785 = arith.constant 0.000000e+00 : f32
    %gt3A_786 = vector.broadcast %gt3A_785 : f32 to vector<50x50xf32>
    %gt3A_787 = arith.cmpf ogt, %dot_general3A_784, %gt3A_786 : vector<50x50xf32>
    %mul3A_788 = arith.constant 2.000000e-01 : f32
    %mul3A_789 = vector.broadcast %mul3A_788 : f32 to vector<50x50xf32>
    %mul3A_790 = arith.mulf %mul3A_789, %dot_general3A_784 : vector<50x50xf32>
    %select_n3A_791 = arith.select %gt3A_787, %dot_general3A_784, %mul3A_790 : vector<50x50xi1>, vector<50x50xf32>
    %eq3A_792 = arith.constant 1 : i32
    %eq3A_793 = vector.broadcast %eq3A_792 : i32 to vector<50x50xi32>
    %eq3A_794 = arith.cmpi eq, %get3A_773, %eq3A_793 : vector<50x50xi32>
    %select_n3A_795 = arith.select %eq3A_794, %select_n3A_791, %broadcast_in_dim3A_775 : vector<50x50xi1>, vector<50x50xf32>
    %get3A_796 = arith.constant 1 : index
    %get3A_797 = arith.constant 0 : index
    %get3A_798 = vector.load %arg3[%get3A_796, %get3A_797] : memref<4x128xf32, #tpu.memory_space<vmem>>, vector<1x128xf32>
    %get3A_799 = vector.shape_cast %get3A_798 : vector<1x128xf32> to vector<128xf32>
    %broadcast_in_dim3A_800 = vector.shape_cast %get3A_799 : vector<128xf32> to vector<1x128xf32>
    %mul3A_801 = vector.broadcast %broadcast_in_dim3A_800 : vector<1x128xf32> to vector<50x128xf32>
    %mul3A_802 = arith.mulf %get3A_768, %mul3A_801 : vector<50x128xf32>
    %dot_general3A_803 = arith.constant dense<0.000000e+00> : vector<50x50xf32>
    %dot_general3A_804 = tpu.matmul %mul3A_802, %get3A_768, %dot_general3A_803 {dimension_numbers = #tpu.dot_dimension_numbers<[1], [1], [0], [0], [0, 0, 1, 0], [], []>, transpose_lhs_hint = false} : vector<50x128xf32>, vector<50x128xf32>, vector<50x50xf32> -> vector<50x50xf32>
    %gt3A_805 = arith.constant 0.000000e+00 : f32
    %gt3A_806 = vector.broadcast %gt3A_805 : f32 to vector<50x50xf32>
    %gt3A_807 = arith.cmpf ogt, %dot_general3A_804, %gt3A_806 : vector<50x50xf32>
    %mul3A_808 = arith.constant 2.000000e-01 : f32
    %mul3A_809 = vector.broadcast %mul3A_808 : f32 to vector<50x50xf32>
    %mul3A_810 = arith.mulf %mul3A_809, %dot_general3A_804 : vector<50x50xf32>
    %select_n3A_811 = arith.select %gt3A_807, %dot_general3A_804, %mul3A_810 : vector<50x50xi1>, vector<50x50xf32>
    %eq3A_812 = arith.constant 2 : i32
    %eq3A_813 = vector.broadcast %eq3A_812 : i32 to vector<50x50xi32>
    %eq3A_814 = arith.cmpi eq, %get3A_773, %eq3A_813 : vector<50x50xi32>
    %select_n3A_815 = arith.select %eq3A_814, %select_n3A_811, %select_n3A_795 : vector<50x50xi1>, vector<50x50xf32>
    %get3A_816 = arith.constant 2 : index
    %get3A_817 = arith.constant 0 : index
    %get3A_818 = vector.load %arg3[%get3A_816, %get3A_817] : memref<4x128xf32, #tpu.memory_space<vmem>>, vector<1x128xf32>
    %get3A_819 = vector.shape_cast %get3A_818 : vector<1x128xf32> to vector<128xf32>
    %broadcast_in_dim3A_820 = vector.shape_cast %get3A_819 : vector<128xf32> to vector<1x128xf32>
    %mul3A_821 = vector.broadcast %broadcast_in_dim3A_820 : vector<1x128xf32> to vector<50x128xf32>
    %mul3A_822 = arith.mulf %get3A_768, %mul3A_821 : vector<50x128xf32>
    %dot_general3A_823 = arith.constant dense<0.000000e+00> : vector<50x50xf32>
    %dot_general3A_824 = tpu.matmul %mul3A_822, %get3A_768, %dot_general3A_823 {dimension_numbers = #tpu.dot_dimension_numbers<[1], [1], [0], [0], [0, 0, 1, 0], [], []>, transpose_lhs_hint = false} : vector<50x128xf32>, vector<50x128xf32>, vector<50x50xf32> -> vector<50x50xf32>
    %gt3A_825 = arith.constant 0.000000e+00 : f32
    %gt3A_826 = vector.broadcast %gt3A_825 : f32 to vector<50x50xf32>
    %gt3A_827 = arith.cmpf ogt, %dot_general3A_824, %gt3A_826 : vector<50x50xf32>
    %mul3A_828 = arith.constant 2.000000e-01 : f32
    %mul3A_829 = vector.broadcast %mul3A_828 : f32 to vector<50x50xf32>
    %mul3A_830 = arith.mulf %mul3A_829, %dot_general3A_824 : vector<50x50xf32>
    %select_n3A_831 = arith.select %gt3A_827, %dot_general3A_824, %mul3A_830 : vector<50x50xi1>, vector<50x50xf32>
    %eq3A_832 = arith.constant 3 : i32
    %eq3A_833 = vector.broadcast %eq3A_832 : i32 to vector<50x50xi32>
    %eq3A_834 = arith.cmpi eq, %get3A_773, %eq3A_833 : vector<50x50xi32>
    %select_n3A_835 = arith.select %eq3A_834, %select_n3A_831, %select_n3A_815 : vector<50x50xi1>, vector<50x50xf32>
    %get3A_836 = arith.constant 3 : index
    %get3A_837 = arith.constant 0 : index
    %get3A_838 = vector.load %arg3[%get3A_836, %get3A_837] : memref<4x128xf32, #tpu.memory_space<vmem>>, vector<1x128xf32>
    %get3A_839 = vector.shape_cast %get3A_838 : vector<1x128xf32> to vector<128xf32>
    %broadcast_in_dim3A_840 = vector.shape_cast %get3A_839 : vector<128xf32> to vector<1x128xf32>
    %mul3A_841 = vector.broadcast %broadcast_in_dim3A_840 : vector<1x128xf32> to vector<50x128xf32>
    %mul3A_842 = arith.mulf %get3A_768, %mul3A_841 : vector<50x128xf32>
    %dot_general3A_843 = arith.constant dense<0.000000e+00> : vector<50x50xf32>
    %dot_general3A_844 = tpu.matmul %mul3A_842, %get3A_768, %dot_general3A_843 {dimension_numbers = #tpu.dot_dimension_numbers<[1], [1], [0], [0], [0, 0, 1, 0], [], []>, transpose_lhs_hint = false} : vector<50x128xf32>, vector<50x128xf32>, vector<50x50xf32> -> vector<50x50xf32>
    %gt3A_845 = arith.constant 0.000000e+00 : f32
    %gt3A_846 = vector.broadcast %gt3A_845 : f32 to vector<50x50xf32>
    %gt3A_847 = arith.cmpf ogt, %dot_general3A_844, %gt3A_846 : vector<50x50xf32>
    %mul3A_848 = arith.constant 2.000000e-01 : f32
    %mul3A_849 = vector.broadcast %mul3A_848 : f32 to vector<50x50xf32>
    %mul3A_850 = arith.mulf %mul3A_849, %dot_general3A_844 : vector<50x50xf32>
    %select_n3A_851 = arith.select %gt3A_847, %dot_general3A_844, %mul3A_850 : vector<50x50xi1>, vector<50x50xf32>
    %eq3A_852 = arith.constant 4 : i32
    %eq3A_853 = vector.broadcast %eq3A_852 : i32 to vector<50x50xi32>
    %eq3A_854 = arith.cmpi eq, %get3A_773, %eq3A_853 : vector<50x50xi32>
    %select_n3A_855 = arith.select %eq3A_854, %select_n3A_851, %select_n3A_835 : vector<50x50xi1>, vector<50x50xf32>
    %reduce_max3A_856 = arith.constant dense<0xFF800000> : vector<50xf32>
    %reduce_max3A_857 = vector.multi_reduction <maximumf>, %select_n3A_855, %reduce_max3A_856 [1] : vector<50x50xf32> to vector<50xf32>
    %broadcast_in_dim3A_858 = vector.shape_cast %reduce_max3A_857 : vector<50xf32> to vector<50x1xf32>
    %sub3A_859 = vector.broadcast %broadcast_in_dim3A_858 : vector<50x1xf32> to vector<50x50xf32>
    %sub3A_860 = arith.subf %select_n3A_855, %sub3A_859 : vector<50x50xf32>
    %exp3A_861 = math.exp %sub3A_860 : vector<50x50xf32>
    %reduce_sum3A_862 = arith.constant dense<0.000000e+00> : vector<50xf32>
    %reduce_sum3A_863 = vector.multi_reduction <add>, %exp3A_861, %reduce_sum3A_862 [1] : vector<50x50xf32> to vector<50xf32>
    %broadcast_in_dim3A_864 = vector.shape_cast %reduce_sum3A_863 : vector<50xf32> to vector<50x1xf32>
    %div3A_865 = vector.broadcast %broadcast_in_dim3A_864 : vector<50x1xf32> to vector<50x50xf32>
    %div3A_866 = arith.divf %exp3A_861, %div3A_865 : vector<50x50xf32>
    %dot_general3A_867 = arith.constant dense<0.000000e+00> : vector<50x128xf32>
    %dot_general3A_868 = tpu.matmul %div3A_866, %get3A_768, %dot_general3A_867 {dimension_numbers = #tpu.dot_dimension_numbers<[1], [0], [0], [1], [0, 0, 1, 1], [], []>, transpose_lhs_hint = false} : vector<50x50xf32>, vector<50x128xf32>, vector<50x128xf32> -> vector<50x128xf32>
    %swap3A_869 = arith.constant 7 : index
    %swap3A_870 = arith.constant 0 : index
    %swap3A_871 = arith.constant 0 : index
    %swap3A_872 = vector.load %arg4[%swap3A_869, %swap3A_870, %swap3A_871] : memref<10x50x128xf32, #tpu.memory_space<vmem>>, vector<1x50x128xf32>
    %swap3A_873 = vector.shape_cast %swap3A_872 : vector<1x50x128xf32> to vector<50x128xf32>
    %swap3A_874 = vector.shape_cast %dot_general3A_868 : vector<50x128xf32> to vector<1x50x128xf32>
    tpu.vector_store %arg4[%swap3A_869, %swap3A_870, %swap3A_871], %swap3A_874 {strides = array<i32>} : memref<10x50x128xf32, #tpu.memory_space<vmem>>, vector<1x50x128xf32>,
    %get3A_875 = arith.constant 8 : index
    %get3A_876 = arith.constant 0 : index
    %get3A_877 = arith.constant 0 : index
    %get3A_878 = vector.load %arg1[%get3A_875, %get3A_876, %get3A_877] : memref<10x50x128xf32, #tpu.memory_space<vmem>>, vector<1x50x128xf32>
    %get3A_879 = vector.shape_cast %get3A_878 : vector<1x50x128xf32> to vector<50x128xf32>
    %get3A_880 = arith.constant 8 : index
    %get3A_881 = arith.constant 0 : index
    %get3A_882 = arith.constant 0 : index
    %get3A_883 = vector.load %arg2[%get3A_880, %get3A_881, %get3A_882] : memref<10x50x50xi32, #tpu.memory_space<vmem>>, vector<1x50x50xi32>
    %get3A_884 = vector.shape_cast %get3A_883 : vector<1x50x50xi32> to vector<50x50xi32>
    %broadcast_in_dim3A_885 = arith.constant -9.000000e+15 : f32
    %broadcast_in_dim3A_886 = vector.broadcast %broadcast_in_dim3A_885 : f32 to vector<50x50xf32>
    %get3A_887 = arith.constant 0 : index
    %get3A_888 = arith.constant 0 : index
    %get3A_889 = vector.load %arg3[%get3A_887, %get3A_888] : memref<4x128xf32, #tpu.memory_space<vmem>>, vector<1x128xf32>
    %get3A_890 = vector.shape_cast %get3A_889 : vector<1x128xf32> to vector<128xf32>
    %broadcast_in_dim3A_891 = vector.shape_cast %get3A_890 : vector<128xf32> to vector<1x128xf32>
    %mul3A_892 = vector.broadcast %broadcast_in_dim3A_891 : vector<1x128xf32> to vector<50x128xf32>
    %mul3A_893 = arith.mulf %get3A_879, %mul3A_892 : vector<50x128xf32>
    %dot_general3A_894 = arith.constant dense<0.000000e+00> : vector<50x50xf32>
    %dot_general3A_895 = tpu.matmul %mul3A_893, %get3A_879, %dot_general3A_894 {dimension_numbers = #tpu.dot_dimension_numbers<[1], [1], [0], [0], [0, 0, 1, 0], [], []>, transpose_lhs_hint = false} : vector<50x128xf32>, vector<50x128xf32>, vector<50x50xf32> -> vector<50x50xf32>
    %gt3A_896 = arith.constant 0.000000e+00 : f32
    %gt3A_897 = vector.broadcast %gt3A_896 : f32 to vector<50x50xf32>
    %gt3A_898 = arith.cmpf ogt, %dot_general3A_895, %gt3A_897 : vector<50x50xf32>
    %mul3A_899 = arith.constant 2.000000e-01 : f32
    %mul3A_900 = vector.broadcast %mul3A_899 : f32 to vector<50x50xf32>
    %mul3A_901 = arith.mulf %mul3A_900, %dot_general3A_895 : vector<50x50xf32>
    %select_n3A_902 = arith.select %gt3A_898, %dot_general3A_895, %mul3A_901 : vector<50x50xi1>, vector<50x50xf32>
    %eq3A_903 = arith.constant 1 : i32
    %eq3A_904 = vector.broadcast %eq3A_903 : i32 to vector<50x50xi32>
    %eq3A_905 = arith.cmpi eq, %get3A_884, %eq3A_904 : vector<50x50xi32>
    %select_n3A_906 = arith.select %eq3A_905, %select_n3A_902, %broadcast_in_dim3A_886 : vector<50x50xi1>, vector<50x50xf32>
    %get3A_907 = arith.constant 1 : index
    %get3A_908 = arith.constant 0 : index
    %get3A_909 = vector.load %arg3[%get3A_907, %get3A_908] : memref<4x128xf32, #tpu.memory_space<vmem>>, vector<1x128xf32>
    %get3A_910 = vector.shape_cast %get3A_909 : vector<1x128xf32> to vector<128xf32>
    %broadcast_in_dim3A_911 = vector.shape_cast %get3A_910 : vector<128xf32> to vector<1x128xf32>
    %mul3A_912 = vector.broadcast %broadcast_in_dim3A_911 : vector<1x128xf32> to vector<50x128xf32>
    %mul3A_913 = arith.mulf %get3A_879, %mul3A_912 : vector<50x128xf32>
    %dot_general3A_914 = arith.constant dense<0.000000e+00> : vector<50x50xf32>
    %dot_general3A_915 = tpu.matmul %mul3A_913, %get3A_879, %dot_general3A_914 {dimension_numbers = #tpu.dot_dimension_numbers<[1], [1], [0], [0], [0, 0, 1, 0], [], []>, transpose_lhs_hint = false} : vector<50x128xf32>, vector<50x128xf32>, vector<50x50xf32> -> vector<50x50xf32>
    %gt3A_916 = arith.constant 0.000000e+00 : f32
    %gt3A_917 = vector.broadcast %gt3A_916 : f32 to vector<50x50xf32>
    %gt3A_918 = arith.cmpf ogt, %dot_general3A_915, %gt3A_917 : vector<50x50xf32>
    %mul3A_919 = arith.constant 2.000000e-01 : f32
    %mul3A_920 = vector.broadcast %mul3A_919 : f32 to vector<50x50xf32>
    %mul3A_921 = arith.mulf %mul3A_920, %dot_general3A_915 : vector<50x50xf32>
    %select_n3A_922 = arith.select %gt3A_918, %dot_general3A_915, %mul3A_921 : vector<50x50xi1>, vector<50x50xf32>
    %eq3A_923 = arith.constant 2 : i32
    %eq3A_924 = vector.broadcast %eq3A_923 : i32 to vector<50x50xi32>
    %eq3A_925 = arith.cmpi eq, %get3A_884, %eq3A_924 : vector<50x50xi32>
    %select_n3A_926 = arith.select %eq3A_925, %select_n3A_922, %select_n3A_906 : vector<50x50xi1>, vector<50x50xf32>
    %get3A_927 = arith.constant 2 : index
    %get3A_928 = arith.constant 0 : index
    %get3A_929 = vector.load %arg3[%get3A_927, %get3A_928] : memref<4x128xf32, #tpu.memory_space<vmem>>, vector<1x128xf32>
    %get3A_930 = vector.shape_cast %get3A_929 : vector<1x128xf32> to vector<128xf32>
    %broadcast_in_dim3A_931 = vector.shape_cast %get3A_930 : vector<128xf32> to vector<1x128xf32>
    %mul3A_932 = vector.broadcast %broadcast_in_dim3A_931 : vector<1x128xf32> to vector<50x128xf32>
    %mul3A_933 = arith.mulf %get3A_879, %mul3A_932 : vector<50x128xf32>
    %dot_general3A_934 = arith.constant dense<0.000000e+00> : vector<50x50xf32>
    %dot_general3A_935 = tpu.matmul %mul3A_933, %get3A_879, %dot_general3A_934 {dimension_numbers = #tpu.dot_dimension_numbers<[1], [1], [0], [0], [0, 0, 1, 0], [], []>, transpose_lhs_hint = false} : vector<50x128xf32>, vector<50x128xf32>, vector<50x50xf32> -> vector<50x50xf32>
    %gt3A_936 = arith.constant 0.000000e+00 : f32
    %gt3A_937 = vector.broadcast %gt3A_936 : f32 to vector<50x50xf32>
    %gt3A_938 = arith.cmpf ogt, %dot_general3A_935, %gt3A_937 : vector<50x50xf32>
    %mul3A_939 = arith.constant 2.000000e-01 : f32
    %mul3A_940 = vector.broadcast %mul3A_939 : f32 to vector<50x50xf32>
    %mul3A_941 = arith.mulf %mul3A_940, %dot_general3A_935 : vector<50x50xf32>
    %select_n3A_942 = arith.select %gt3A_938, %dot_general3A_935, %mul3A_941 : vector<50x50xi1>, vector<50x50xf32>
    %eq3A_943 = arith.constant 3 : i32
    %eq3A_944 = vector.broadcast %eq3A_943 : i32 to vector<50x50xi32>
    %eq3A_945 = arith.cmpi eq, %get3A_884, %eq3A_944 : vector<50x50xi32>
    %select_n3A_946 = arith.select %eq3A_945, %select_n3A_942, %select_n3A_926 : vector<50x50xi1>, vector<50x50xf32>
    %get3A_947 = arith.constant 3 : index
    %get3A_948 = arith.constant 0 : index
    %get3A_949 = vector.load %arg3[%get3A_947, %get3A_948] : memref<4x128xf32, #tpu.memory_space<vmem>>, vector<1x128xf32>
    %get3A_950 = vector.shape_cast %get3A_949 : vector<1x128xf32> to vector<128xf32>
    %broadcast_in_dim3A_951 = vector.shape_cast %get3A_950 : vector<128xf32> to vector<1x128xf32>
    %mul3A_952 = vector.broadcast %broadcast_in_dim3A_951 : vector<1x128xf32> to vector<50x128xf32>
    %mul3A_953 = arith.mulf %get3A_879, %mul3A_952 : vector<50x128xf32>
    %dot_general3A_954 = arith.constant dense<0.000000e+00> : vector<50x50xf32>
    %dot_general3A_955 = tpu.matmul %mul3A_953, %get3A_879, %dot_general3A_954 {dimension_numbers = #tpu.dot_dimension_numbers<[1], [1], [0], [0], [0, 0, 1, 0], [], []>, transpose_lhs_hint = false} : vector<50x128xf32>, vector<50x128xf32>, vector<50x50xf32> -> vector<50x50xf32>
    %gt3A_956 = arith.constant 0.000000e+00 : f32
    %gt3A_957 = vector.broadcast %gt3A_956 : f32 to vector<50x50xf32>
    %gt3A_958 = arith.cmpf ogt, %dot_general3A_955, %gt3A_957 : vector<50x50xf32>
    %mul3A_959 = arith.constant 2.000000e-01 : f32
    %mul3A_960 = vector.broadcast %mul3A_959 : f32 to vector<50x50xf32>
    %mul3A_961 = arith.mulf %mul3A_960, %dot_general3A_955 : vector<50x50xf32>
    %select_n3A_962 = arith.select %gt3A_958, %dot_general3A_955, %mul3A_961 : vector<50x50xi1>, vector<50x50xf32>
    %eq3A_963 = arith.constant 4 : i32
    %eq3A_964 = vector.broadcast %eq3A_963 : i32 to vector<50x50xi32>
    %eq3A_965 = arith.cmpi eq, %get3A_884, %eq3A_964 : vector<50x50xi32>
    %select_n3A_966 = arith.select %eq3A_965, %select_n3A_962, %select_n3A_946 : vector<50x50xi1>, vector<50x50xf32>
    %reduce_max3A_967 = arith.constant dense<0xFF800000> : vector<50xf32>
    %reduce_max3A_968 = vector.multi_reduction <maximumf>, %select_n3A_966, %reduce_max3A_967 [1] : vector<50x50xf32> to vector<50xf32>
    %broadcast_in_dim3A_969 = vector.shape_cast %reduce_max3A_968 : vector<50xf32> to vector<50x1xf32>
    %sub3A_970 = vector.broadcast %broadcast_in_dim3A_969 : vector<50x1xf32> to vector<50x50xf32>
    %sub3A_971 = arith.subf %select_n3A_966, %sub3A_970 : vector<50x50xf32>
    %exp3A_972 = math.exp %sub3A_971 : vector<50x50xf32>
    %reduce_sum3A_973 = arith.constant dense<0.000000e+00> : vector<50xf32>
    %reduce_sum3A_974 = vector.multi_reduction <add>, %exp3A_972, %reduce_sum3A_973 [1] : vector<50x50xf32> to vector<50xf32>
    %broadcast_in_dim3A_975 = vector.shape_cast %reduce_sum3A_974 : vector<50xf32> to vector<50x1xf32>
    %div3A_976 = vector.broadcast %broadcast_in_dim3A_975 : vector<50x1xf32> to vector<50x50xf32>
    %div3A_977 = arith.divf %exp3A_972, %div3A_976 : vector<50x50xf32>
    %dot_general3A_978 = arith.constant dense<0.000000e+00> : vector<50x128xf32>
    %dot_general3A_979 = tpu.matmul %div3A_977, %get3A_879, %dot_general3A_978 {dimension_numbers = #tpu.dot_dimension_numbers<[1], [0], [0], [1], [0, 0, 1, 1], [], []>, transpose_lhs_hint = false} : vector<50x50xf32>, vector<50x128xf32>, vector<50x128xf32> -> vector<50x128xf32>
    %swap3A_980 = arith.constant 8 : index
    %swap3A_981 = arith.constant 0 : index
    %swap3A_982 = arith.constant 0 : index
    %swap3A_983 = vector.load %arg4[%swap3A_980, %swap3A_981, %swap3A_982] : memref<10x50x128xf32, #tpu.memory_space<vmem>>, vector<1x50x128xf32>
    %swap3A_984 = vector.shape_cast %swap3A_983 : vector<1x50x128xf32> to vector<50x128xf32>
    %swap3A_985 = vector.shape_cast %dot_general3A_979 : vector<50x128xf32> to vector<1x50x128xf32>
    tpu.vector_store %arg4[%swap3A_980, %swap3A_981, %swap3A_982], %swap3A_985 {strides = array<i32>} : memref<10x50x128xf32, #tpu.memory_space<vmem>>, vector<1x50x128xf32>,
    %get3A_986 = arith.constant 9 : index
    %get3A_987 = arith.constant 0 : index
    %get3A_988 = arith.constant 0 : index
    %get3A_989 = vector.load %arg1[%get3A_986, %get3A_987, %get3A_988] : memref<10x50x128xf32, #tpu.memory_space<vmem>>, vector<1x50x128xf32>
    %get3A_990 = vector.shape_cast %get3A_989 : vector<1x50x128xf32> to vector<50x128xf32>
    %get3A_991 = arith.constant 9 : index
    %get3A_992 = arith.constant 0 : index
    %get3A_993 = arith.constant 0 : index
    %get3A_994 = vector.load %arg2[%get3A_991, %get3A_992, %get3A_993] : memref<10x50x50xi32, #tpu.memory_space<vmem>>, vector<1x50x50xi32>
    %get3A_995 = vector.shape_cast %get3A_994 : vector<1x50x50xi32> to vector<50x50xi32>
    %broadcast_in_dim3A_996 = arith.constant -9.000000e+15 : f32
    %broadcast_in_dim3A_997 = vector.broadcast %broadcast_in_dim3A_996 : f32 to vector<50x50xf32>
    %get3A_998 = arith.constant 0 : index
    %get3A_999 = arith.constant 0 : index
    %get3A_1000 = vector.load %arg3[%get3A_998, %get3A_999] : memref<4x128xf32, #tpu.memory_space<vmem>>, vector<1x128xf32>
    %get3A_1001 = vector.shape_cast %get3A_1000 : vector<1x128xf32> to vector<128xf32>
    %broadcast_in_dim3A_1002 = vector.shape_cast %get3A_1001 : vector<128xf32> to vector<1x128xf32>
    %mul3A_1003 = vector.broadcast %broadcast_in_dim3A_1002 : vector<1x128xf32> to vector<50x128xf32>
    %mul3A_1004 = arith.mulf %get3A_990, %mul3A_1003 : vector<50x128xf32>
    %dot_general3A_1005 = arith.constant dense<0.000000e+00> : vector<50x50xf32>
    %dot_general3A_1006 = tpu.matmul %mul3A_1004, %get3A_990, %dot_general3A_1005 {dimension_numbers = #tpu.dot_dimension_numbers<[1], [1], [0], [0], [0, 0, 1, 0], [], []>, transpose_lhs_hint = false} : vector<50x128xf32>, vector<50x128xf32>, vector<50x50xf32> -> vector<50x50xf32>
    %gt3A_1007 = arith.constant 0.000000e+00 : f32
    %gt3A_1008 = vector.broadcast %gt3A_1007 : f32 to vector<50x50xf32>
    %gt3A_1009 = arith.cmpf ogt, %dot_general3A_1006, %gt3A_1008 : vector<50x50xf32>
    %mul3A_1010 = arith.constant 2.000000e-01 : f32
    %mul3A_1011 = vector.broadcast %mul3A_1010 : f32 to vector<50x50xf32>
    %mul3A_1012 = arith.mulf %mul3A_1011, %dot_general3A_1006 : vector<50x50xf32>
    %select_n3A_1013 = arith.select %gt3A_1009, %dot_general3A_1006, %mul3A_1012 : vector<50x50xi1>, vector<50x50xf32>
    %eq3A_1014 = arith.constant 1 : i32
    %eq3A_1015 = vector.broadcast %eq3A_1014 : i32 to vector<50x50xi32>
    %eq3A_1016 = arith.cmpi eq, %get3A_995, %eq3A_1015 : vector<50x50xi32>
    %select_n3A_1017 = arith.select %eq3A_1016, %select_n3A_1013, %broadcast_in_dim3A_997 : vector<50x50xi1>, vector<50x50xf32>
    %get3A_1018 = arith.constant 1 : index
    %get3A_1019 = arith.constant 0 : index
    %get3A_1020 = vector.load %arg3[%get3A_1018, %get3A_1019] : memref<4x128xf32, #tpu.memory_space<vmem>>, vector<1x128xf32>
    %get3A_1021 = vector.shape_cast %get3A_1020 : vector<1x128xf32> to vector<128xf32>
    %broadcast_in_dim3A_1022 = vector.shape_cast %get3A_1021 : vector<128xf32> to vector<1x128xf32>
    %mul3A_1023 = vector.broadcast %broadcast_in_dim3A_1022 : vector<1x128xf32> to vector<50x128xf32>
    %mul3A_1024 = arith.mulf %get3A_990, %mul3A_1023 : vector<50x128xf32>
    %dot_general3A_1025 = arith.constant dense<0.000000e+00> : vector<50x50xf32>
    %dot_general3A_1026 = tpu.matmul %mul3A_1024, %get3A_990, %dot_general3A_1025 {dimension_numbers = #tpu.dot_dimension_numbers<[1], [1], [0], [0], [0, 0, 1, 0], [], []>, transpose_lhs_hint = false} : vector<50x128xf32>, vector<50x128xf32>, vector<50x50xf32> -> vector<50x50xf32>
    %gt3A_1027 = arith.constant 0.000000e+00 : f32
    %gt3A_1028 = vector.broadcast %gt3A_1027 : f32 to vector<50x50xf32>
    %gt3A_1029 = arith.cmpf ogt, %dot_general3A_1026, %gt3A_1028 : vector<50x50xf32>
    %mul3A_1030 = arith.constant 2.000000e-01 : f32
    %mul3A_1031 = vector.broadcast %mul3A_1030 : f32 to vector<50x50xf32>
    %mul3A_1032 = arith.mulf %mul3A_1031, %dot_general3A_1026 : vector<50x50xf32>
    %select_n3A_1033 = arith.select %gt3A_1029, %dot_general3A_1026, %mul3A_1032 : vector<50x50xi1>, vector<50x50xf32>
    %eq3A_1034 = arith.constant 2 : i32
    %eq3A_1035 = vector.broadcast %eq3A_1034 : i32 to vector<50x50xi32>
    %eq3A_1036 = arith.cmpi eq, %get3A_995, %eq3A_1035 : vector<50x50xi32>
    %select_n3A_1037 = arith.select %eq3A_1036, %select_n3A_1033, %select_n3A_1017 : vector<50x50xi1>, vector<50x50xf32>
    %get3A_1038 = arith.constant 2 : index
    %get3A_1039 = arith.constant 0 : index
    %get3A_1040 = vector.load %arg3[%get3A_1038, %get3A_1039] : memref<4x128xf32, #tpu.memory_space<vmem>>, vector<1x128xf32>
    %get3A_1041 = vector.shape_cast %get3A_1040 : vector<1x128xf32> to vector<128xf32>
    %broadcast_in_dim3A_1042 = vector.shape_cast %get3A_1041 : vector<128xf32> to vector<1x128xf32>
    %mul3A_1043 = vector.broadcast %broadcast_in_dim3A_1042 : vector<1x128xf32> to vector<50x128xf32>
    %mul3A_1044 = arith.mulf %get3A_990, %mul3A_1043 : vector<50x128xf32>
    %dot_general3A_1045 = arith.constant dense<0.000000e+00> : vector<50x50xf32>
    %dot_general3A_1046 = tpu.matmul %mul3A_1044, %get3A_990, %dot_general3A_1045 {dimension_numbers = #tpu.dot_dimension_numbers<[1], [1], [0], [0], [0, 0, 1, 0], [], []>, transpose_lhs_hint = false} : vector<50x128xf32>, vector<50x128xf32>, vector<50x50xf32> -> vector<50x50xf32>
    %gt3A_1047 = arith.constant 0.000000e+00 : f32
    %gt3A_1048 = vector.broadcast %gt3A_1047 : f32 to vector<50x50xf32>
    %gt3A_1049 = arith.cmpf ogt, %dot_general3A_1046, %gt3A_1048 : vector<50x50xf32>
    %mul3A_1050 = arith.constant 2.000000e-01 : f32
    %mul3A_1051 = vector.broadcast %mul3A_1050 : f32 to vector<50x50xf32>
    %mul3A_1052 = arith.mulf %mul3A_1051, %dot_general3A_1046 : vector<50x50xf32>
    %select_n3A_1053 = arith.select %gt3A_1049, %dot_general3A_1046, %mul3A_1052 : vector<50x50xi1>, vector<50x50xf32>
    %eq3A_1054 = arith.constant 3 : i32
    %eq3A_1055 = vector.broadcast %eq3A_1054 : i32 to vector<50x50xi32>
    %eq3A_1056 = arith.cmpi eq, %get3A_995, %eq3A_1055 : vector<50x50xi32>
    %select_n3A_1057 = arith.select %eq3A_1056, %select_n3A_1053, %select_n3A_1037 : vector<50x50xi1>, vector<50x50xf32>
    %get3A_1058 = arith.constant 3 : index
    %get3A_1059 = arith.constant 0 : index
    %get3A_1060 = vector.load %arg3[%get3A_1058, %get3A_1059] : memref<4x128xf32, #tpu.memory_space<vmem>>, vector<1x128xf32>
    %get3A_1061 = vector.shape_cast %get3A_1060 : vector<1x128xf32> to vector<128xf32>
    %broadcast_in_dim3A_1062 = vector.shape_cast %get3A_1061 : vector<128xf32> to vector<1x128xf32>
    %mul3A_1063 = vector.broadcast %broadcast_in_dim3A_1062 : vector<1x128xf32> to vector<50x128xf32>
    %mul3A_1064 = arith.mulf %get3A_990, %mul3A_1063 : vector<50x128xf32>
    %dot_general3A_1065 = arith.constant dense<0.000000e+00> : vector<50x50xf32>
    %dot_general3A_1066 = tpu.matmul %mul3A_1064, %get3A_990, %dot_general3A_1065 {dimension_numbers = #tpu.dot_dimension_numbers<[1], [1], [0], [0], [0, 0, 1, 0], [], []>, transpose_lhs_hint = false} : vector<50x128xf32>, vector<50x128xf32>, vector<50x50xf32> -> vector<50x50xf32>
    %gt3A_1067 = arith.constant 0.000000e+00 : f32
    %gt3A_1068 = vector.broadcast %gt3A_1067 : f32 to vector<50x50xf32>
    %gt3A_1069 = arith.cmpf ogt, %dot_general3A_1066, %gt3A_1068 : vector<50x50xf32>
    %mul3A_1070 = arith.constant 2.000000e-01 : f32
    %mul3A_1071 = vector.broadcast %mul3A_1070 : f32 to vector<50x50xf32>
    %mul3A_1072 = arith.mulf %mul3A_1071, %dot_general3A_1066 : vector<50x50xf32>
    %select_n3A_1073 = arith.select %gt3A_1069, %dot_general3A_1066, %mul3A_1072 : vector<50x50xi1>, vector<50x50xf32>
    %eq3A_1074 = arith.constant 4 : i32
    %eq3A_1075 = vector.broadcast %eq3A_1074 : i32 to vector<50x50xi32>
    %eq3A_1076 = arith.cmpi eq, %get3A_995, %eq3A_1075 : vector<50x50xi32>
    %select_n3A_1077 = arith.select %eq3A_1076, %select_n3A_1073, %select_n3A_1057 : vector<50x50xi1>, vector<50x50xf32>
    %reduce_max3A_1078 = arith.constant dense<0xFF800000> : vector<50xf32>
    %reduce_max3A_1079 = vector.multi_reduction <maximumf>, %select_n3A_1077, %reduce_max3A_1078 [1] : vector<50x50xf32> to vector<50xf32>
    %broadcast_in_dim3A_1080 = vector.shape_cast %reduce_max3A_1079 : vector<50xf32> to vector<50x1xf32>
    %sub3A_1081 = vector.broadcast %broadcast_in_dim3A_1080 : vector<50x1xf32> to vector<50x50xf32>
    %sub3A_1082 = arith.subf %select_n3A_1077, %sub3A_1081 : vector<50x50xf32>
    %exp3A_1083 = math.exp %sub3A_1082 : vector<50x50xf32>
    %reduce_sum3A_1084 = arith.constant dense<0.000000e+00> : vector<50xf32>
    %reduce_sum3A_1085 = vector.multi_reduction <add>, %exp3A_1083, %reduce_sum3A_1084 [1] : vector<50x50xf32> to vector<50xf32>
    %broadcast_in_dim3A_1086 = vector.shape_cast %reduce_sum3A_1085 : vector<50xf32> to vector<50x1xf32>
    %div3A_1087 = vector.broadcast %broadcast_in_dim3A_1086 : vector<50x1xf32> to vector<50x50xf32>
    %div3A_1088 = arith.divf %exp3A_1083, %div3A_1087 : vector<50x50xf32>
    %dot_general3A_1089 = arith.constant dense<0.000000e+00> : vector<50x128xf32>
    %dot_general3A_1090 = tpu.matmul %div3A_1088, %get3A_990, %dot_general3A_1089 {dimension_numbers = #tpu.dot_dimension_numbers<[1], [0], [0], [1], [0, 0, 1, 1], [], []>, transpose_lhs_hint = false} : vector<50x50xf32>, vector<50x128xf32>, vector<50x128xf32> -> vector<50x128xf32>
    %swap3A_1091 = arith.constant 9 : index
    %swap3A_1092 = arith.constant 0 : index
    %swap3A_1093 = arith.constant 0 : index
    %swap3A_1094 = vector.load %arg4[%swap3A_1091, %swap3A_1092, %swap3A_1093] : memref<10x50x128xf32, #tpu.memory_space<vmem>>, vector<1x50x128xf32>
    %swap3A_1095 = vector.shape_cast %swap3A_1094 : vector<1x50x128xf32> to vector<50x128xf32>
    %swap3A_1096 = vector.shape_cast %dot_general3A_1090 : vector<50x128xf32> to vector<1x50x128xf32>
    tpu.vector_store %arg4[%swap3A_1091, %swap3A_1092, %swap3A_1093], %swap3A_1096 {strides = array<i32>} : memref<10x50x128xf32, #tpu.memory_space<vmem>>, vector<1x50x128xf32>,
    return
  }
  func.func @transform_0(%arg0: i32) -> (i32, i32, i32) {
    %c0_i32 = arith.constant 0 : i32
    %c0_i32_0 = arith.constant 0 : i32
    %c0_i32_1 = arith.constant 0 : i32
    return %arg0, %c0_i32, %c0_i32_0 : i32, i32, i32
  }
  func.func @transform_1(%arg0: i32) -> (i32, i32, i32) {
    %c0_i32 = arith.constant 0 : i32
    %c0_i32_0 = arith.constant 0 : i32
    %c0_i32_1 = arith.constant 0 : i32
    return %arg0, %c0_i32, %c0_i32_0 : i32, i32, i32
  }
  func.func @transform_2(%arg0: i32) -> (i32, i32) {
    %c0_i32 = arith.constant 0 : i32
    %c0_i32_0 = arith.constant 0 : i32
    %c0_i32_1 = arith.constant 0 : i32
    return %c0_i32, %c0_i32_0 : i32, i32
  }
  func.func @transform_3(%arg0: i32) -> (i32, i32, i32) {
    %c0_i32 = arith.constant 0 : i32
    %c0_i32_0 = arith.constant 0 : i32
    %c0_i32_1 = arith.constant 0 : i32
    return %arg0, %c0_i32, %c0_i32_0 : i32, i32, i32
  }
}

module attributes {stable_mosaic.version = 14 : i64} {
  func.func @_t2_global(%arg0: i32, %arg1: memref<3x2400x128xf32, #tpu.memory_space<vmem>>, %arg2: memref<3x4x600x1xf32, #tpu.memory_space<vmem>>, %arg3: memref<3x4x600x1xi32, #tpu.memory_space<vmem>>, %arg4: memref<4x50x128xf32, #tpu.memory_space<vmem>>, %arg5: memref<4x50x128xf32, #tpu.memory_space<vmem>>, %arg6: memref<128x128xf32, #tpu.memory_space<vmem>>, %arg7: memref<1x128xf32, #tpu.memory_space<vmem>>, %arg8: memref<16x128xf32, #tpu.memory_space<vmem>>, %arg9: memref<128x1xf32, #tpu.memory_space<vmem>>, %arg10: memref<10x16xf32, #tpu.memory_space<vmem>>, %arg11: memref<10x16xf32, #tpu.memory_space<vmem>>, %arg12: memref<2x16xf32, #tpu.memory_space<vmem>>, %arg13: memref<128x128xf32, #tpu.memory_space<vmem>>, %arg14: memref<128x128xf32, #tpu.memory_space<vmem>>, %arg15: memref<4x50x128xf32, #tpu.memory_space<vmem>>) attributes {dimension_semantics = [#tpu.dimension_semantics<arbitrary>], iteration_bounds = array<i64: 25>, scalar_prefetch = 0 : i64, scratch_operands = 0 : i64, tpu.core_type = #tpu.core_type<tc>, window_params = [{transform_indices = @transform_0, window_bounds = array<i64: 3, 2400, 128>}, {transform_indices = @transform_1, window_bounds = array<i64: 3, 4, 600, 1>}, {transform_indices = @transform_2, window_bounds = array<i64: 3, 4, 600, 1>}, {transform_indices = @transform_3, window_bounds = array<i64: 4, 50, 128>}, {transform_indices = @transform_4, window_bounds = array<i64: 4, 50, 128>}, {pipeline_mode = #tpu.pipeline_mode<synchronous>, transform_indices = @transform_5, window_bounds = array<i64: 128, 128>}, {pipeline_mode = #tpu.pipeline_mode<synchronous>, transform_indices = @transform_6, window_bounds = array<i64: 1, 128>}, {pipeline_mode = #tpu.pipeline_mode<synchronous>, transform_indices = @transform_7, window_bounds = array<i64: 16, 128>}, {pipeline_mode = #tpu.pipeline_mode<synchronous>, transform_indices = @transform_8, window_bounds = array<i64: 128, 1>}, {pipeline_mode = #tpu.pipeline_mode<synchronous>, transform_indices = @transform_9, window_bounds = array<i64: 10, 16>}, {pipeline_mode = #tpu.pipeline_mode<synchronous>, transform_indices = @transform_10, window_bounds = array<i64: 10, 16>}, {pipeline_mode = #tpu.pipeline_mode<synchronous>, transform_indices = @transform_11, window_bounds = array<i64: 2, 16>}, {pipeline_mode = #tpu.pipeline_mode<synchronous>, transform_indices = @transform_12, window_bounds = array<i64: 128, 128>}, {pipeline_mode = #tpu.pipeline_mode<synchronous>, transform_indices = @transform_13, window_bounds = array<i64: 128, 128>}, {transform_indices = @transform_14, window_bounds = array<i64: 4, 50, 128>}]} {
    %get3A = arith.constant 0 : index
    %get3A_0 = arith.constant 0 : index
    %get3A_1 = arith.constant 0 : index
    %get3A_2 = vector.load %arg4[%get3A, %get3A_0, %get3A_1] : memref<4x50x128xf32, #tpu.memory_space<vmem>>, vector<4x50x128xf32>
    %reshape3A = vector.shape_cast %get3A_2 : vector<4x50x128xf32> to vector<200x128xf32>
    %get3A_3 = arith.constant 0 : index
    %get3A_4 = arith.constant 0 : index
    %get3A_5 = arith.constant 0 : index
    %get3A_6 = vector.load %arg5[%get3A_3, %get3A_4, %get3A_5] : memref<4x50x128xf32, #tpu.memory_space<vmem>>, vector<4x50x128xf32>
    %reduce_sum3A = arith.constant dense<0.000000e+00> : vector<4x128xf32>
    %reduce_sum3A_7 = vector.multi_reduction <add>, %get3A_6, %reduce_sum3A [1] : vector<4x50x128xf32> to vector<4x128xf32>
    %div3A = arith.constant 5.000000e+01 : f32
    %div3A_8 = vector.broadcast %div3A : f32 to vector<4x128xf32>
    %div3A_9 = arith.divf %reduce_sum3A_7, %div3A_8 : vector<4x128xf32>
    %get3A_10 = arith.constant 0 : index
    %get3A_11 = arith.constant 0 : index
    %get3A_12 = vector.load %arg6[%get3A_10, %get3A_11] : memref<128x128xf32, #tpu.memory_space<vmem>>, vector<128x128xf32>
    %get3A_13 = arith.constant 0 : index
    %get3A_14 = arith.constant 0 : index
    %get3A_15 = vector.load %arg7[%get3A_13, %get3A_14] : memref<1x128xf32, #tpu.memory_space<vmem>>, vector<1x128xf32>
    %get3A_16 = arith.constant 0 : index
    %get3A_17 = arith.constant 0 : index
    %get3A_18 = vector.load %arg8[%get3A_16, %get3A_17] : memref<16x128xf32, #tpu.memory_space<vmem>>, vector<16x128xf32>
    %get3A_19 = arith.constant 0 : index
    %get3A_20 = arith.constant 0 : index
    %get3A_21 = vector.load %arg9[%get3A_19, %get3A_20] : memref<128x1xf32, #tpu.memory_space<vmem>>, vector<128x1xf32>
    %iota3A = tpu.iota {dimensions = array<i32: 1>} : vector<50x600xi32>
    %jit3A = arith.constant 12 : i32
    %div3A_22 = vector.broadcast %jit3A : i32 to vector<50x600xi32>
    %div3A_23 = arith.divsi %iota3A, %div3A_22 : vector<50x600xi32>
    %sign3A = arith.constant 0 : i32
    %sign3A_24 = vector.broadcast %sign3A : i32 to vector<50x600xi32>
    %sign3A_25 = arith.cmpi sgt, %iota3A, %sign3A_24 : vector<50x600xi32>
    %sign3A_26 = arith.extui %sign3A_25 : vector<50x600xi1> to vector<50x600xi32>
    %sign3A_27 = arith.constant 0 : i32
    %sign3A_28 = vector.broadcast %sign3A_27 : i32 to vector<50x600xi32>
    %sign3A_29 = arith.cmpi slt, %iota3A, %sign3A_28 : vector<50x600xi32>
    %sign3A_30 = arith.extui %sign3A_29 : vector<50x600xi1> to vector<50x600xi32>
    %sign3A_31 = arith.subi %sign3A_26, %sign3A_30 : vector<50x600xi32>
    %sign3A_32 = arith.constant 0 : i32
    %sign3A_33 = arith.cmpi sgt, %jit3A, %sign3A_32 : i32
    %sign3A_34 = arith.extui %sign3A_33 : i1 to i32
    %sign3A_35 = arith.constant 0 : i32
    %sign3A_36 = arith.cmpi slt, %jit3A, %sign3A_35 : i32
    %sign3A_37 = arith.extui %sign3A_36 : i1 to i32
    %sign3A_38 = arith.subi %sign3A_34, %sign3A_37 : i32
    %ne3A = vector.broadcast %sign3A_38 : i32 to vector<50x600xi32>
    %ne3A_39 = arith.cmpi ne, %sign3A_31, %ne3A : vector<50x600xi32>
    %rem3A = vector.broadcast %jit3A : i32 to vector<50x600xi32>
    %rem3A_40 = arith.remsi %iota3A, %rem3A : vector<50x600xi32>
    %ne3A_41 = arith.constant 0 : i32
    %ne3A_42 = vector.broadcast %ne3A_41 : i32 to vector<50x600xi32>
    %ne3A_43 = arith.cmpi ne, %rem3A_40, %ne3A_42 : vector<50x600xi32>
    %and3A = arith.andi %ne3A_39, %ne3A_43 : vector<50x600xi1>
    %sub3A = arith.constant 1 : i32
    %sub3A_44 = vector.broadcast %sub3A : i32 to vector<50x600xi32>
    %sub3A_45 = arith.subi %div3A_23, %sub3A_44 : vector<50x600xi32>
    %select_n3A = arith.select %and3A, %sub3A_45, %div3A_23 : vector<50x600xi1>, vector<50x600xi32>
    %iota3A_46 = tpu.iota {dimensions = array<i32: 0>} : vector<50x600xi32>
    %eq3A = arith.cmpi eq, %select_n3A, %iota3A_46 : vector<50x600xi32>
    %convert_element_type3A = arith.extui %eq3A : vector<50x600xi1> to vector<50x600xi32>
    %convert_element_type3A_47 = arith.sitofp %convert_element_type3A : vector<50x600xi32> to vector<50x600xf32>
    %iota3A_48 = tpu.iota {dimensions = array<i32: 1>} : vector<2400x10xi32>
    %broadcast_in_dim3A = arith.constant 0.000000e+00 : f32
    %broadcast_in_dim3A_49 = vector.broadcast %broadcast_in_dim3A : f32 to vector<200x128xf32>
    %get3A_50 = arith.constant 0 : index
    %get3A_51 = arith.constant 0 : index
    %get3A_52 = arith.constant 0 : index
    %get3A_53 = vector.load %arg1[%get3A_50, %get3A_51, %get3A_52] : memref<3x2400x128xf32, #tpu.memory_space<vmem>>, vector<1x2400x128xf32>
    %get3A_54 = vector.shape_cast %get3A_53 : vector<1x2400x128xf32> to vector<2400x128xf32>
    %get3A_55 = arith.constant 0 : index
    %get3A_56 = arith.constant 0 : index
    %get3A_57 = arith.constant 0 : index
    %get3A_58 = arith.constant 0 : index
    %get3A_59 = vector.load %arg2[%get3A_55, %get3A_56, %get3A_57, %get3A_58] : memref<3x4x600x1xf32, #tpu.memory_space<vmem>>, vector<1x4x600x1xf32>
    %get3A_60 = vector.shape_cast %get3A_59 : vector<1x4x600x1xf32> to vector<4x600x1xf32>
    %reshape3A_61 = vector.shape_cast %get3A_60 : vector<4x600x1xf32> to vector<2400x1xf32>
    %reshape3A_62 = vector.shape_cast %get3A_54 : vector<2400x128xf32> to vector<4x600x128xf32>
    %broadcast_in_dim3A_63 = vector.shape_cast %div3A_9 : vector<4x128xf32> to vector<4x1x128xf32>
    %mul3A = vector.broadcast %broadcast_in_dim3A_63 : vector<4x1x128xf32> to vector<4x600x128xf32>
    %mul3A_64 = arith.mulf %reshape3A_62, %mul3A : vector<4x600x128xf32>
    %reshape3A_65 = vector.shape_cast %mul3A_64 : vector<4x600x128xf32> to vector<2400x128xf32>
    %dot_general3A = arith.constant dense<0.000000e+00> : vector<2400x128xf32>
    %dot_general3A_66 = tpu.matmul %reshape3A_65, %get3A_12, %dot_general3A {dimension_numbers = #tpu.dot_dimension_numbers<[1], [0], [0], [1], [0, 0, 1, 1], [], []>, transpose_lhs_hint = false} : vector<2400x128xf32>, vector<128x128xf32>, vector<2400x128xf32> -> vector<2400x128xf32>
    %mul3A_67 = vector.broadcast %reshape3A_61 : vector<2400x1xf32> to vector<2400x128xf32>
    %mul3A_68 = vector.broadcast %get3A_15 : vector<1x128xf32> to vector<2400x128xf32>
    %mul3A_69 = arith.mulf %mul3A_67, %mul3A_68 : vector<2400x128xf32>
    %add3A = arith.addf %dot_general3A_66, %mul3A_69 : vector<2400x128xf32>
    %get3A_70 = arith.constant 0 : index
    %get3A_71 = arith.constant 0 : index
    %get3A_72 = vector.load %arg10[%get3A_70, %get3A_71] : memref<10x16xf32, #tpu.memory_space<vmem>>, vector<10x16xf32>
    %dot_general3A_73 = arith.constant dense<0.000000e+00> : vector<10x128xf32>
    %dot_general3A_74 = tpu.matmul %get3A_72, %get3A_18, %dot_general3A_73 {dimension_numbers = #tpu.dot_dimension_numbers<[1], [0], [0], [1], [0, 0, 1, 1], [], []>, transpose_lhs_hint = false} : vector<10x16xf32>, vector<16x128xf32>, vector<10x128xf32> -> vector<10x128xf32>
    %get3A_75 = arith.constant 0 : index
    %get3A_76 = arith.constant 0 : index
    %get3A_77 = arith.constant 0 : index
    %get3A_78 = arith.constant 0 : index
    %get3A_79 = vector.load %arg3[%get3A_75, %get3A_76, %get3A_77, %get3A_78] : memref<3x4x600x1xi32, #tpu.memory_space<vmem>>, vector<1x4x600x1xi32>
    %get3A_80 = vector.shape_cast %get3A_79 : vector<1x4x600x1xi32> to vector<4x600x1xi32>
    %reshape3A_81 = vector.shape_cast %get3A_80 : vector<4x600x1xi32> to vector<2400x1xi32>
    %eq3A_82 = vector.broadcast %reshape3A_81 : vector<2400x1xi32> to vector<2400x10xi32>
    %eq3A_83 = arith.cmpi eq, %eq3A_82, %iota3A_48 : vector<2400x10xi32>
    %convert_element_type3A_84 = arith.extui %eq3A_83 : vector<2400x10xi1> to vector<2400x10xi32>
    %convert_element_type3A_85 = arith.sitofp %convert_element_type3A_84 : vector<2400x10xi32> to vector<2400x10xf32>
    %dot_general3A_86 = arith.constant dense<0.000000e+00> : vector<2400x128xf32>
    %dot_general3A_87 = tpu.matmul %convert_element_type3A_85, %dot_general3A_74, %dot_general3A_86 {dimension_numbers = #tpu.dot_dimension_numbers<[1], [0], [0], [1], [0, 0, 1, 1], [], []>, transpose_lhs_hint = false} : vector<2400x10xf32>, vector<10x128xf32>, vector<2400x128xf32> -> vector<2400x128xf32>
    %add3A_88 = arith.addf %add3A, %dot_general3A_87 : vector<2400x128xf32>
    %gt3A = arith.constant 0.000000e+00 : f32
    %gt3A_89 = vector.broadcast %gt3A : f32 to vector<2400x128xf32>
    %gt3A_90 = arith.cmpf ogt, %add3A_88, %gt3A_89 : vector<2400x128xf32>
    %mul3A_91 = arith.constant 2.000000e-01 : f32
    %mul3A_92 = vector.broadcast %mul3A_91 : f32 to vector<2400x128xf32>
    %mul3A_93 = arith.mulf %mul3A_92, %add3A_88 : vector<2400x128xf32>
    %select_n3A_94 = arith.select %gt3A_90, %add3A_88, %mul3A_93 : vector<2400x128xi1>, vector<2400x128xf32>
    %dot_general3A_95 = arith.constant dense<0.000000e+00> : vector<2400x1xf32>
    %dot_general3A_96 = tpu.matmul %select_n3A_94, %get3A_21, %dot_general3A_95 {dimension_numbers = #tpu.dot_dimension_numbers<[1], [0], [0], [1], [0, 0, 1, 1], [], []>, transpose_lhs_hint = false} : vector<2400x128xf32>, vector<128x1xf32>, vector<2400x1xf32> -> vector<2400x1xf32>
    %exp3A = math.exp %dot_general3A_96 : vector<2400x1xf32>
    %slice3A = vector.extract_strided_slice %exp3A {offsets = [0, 0], sizes = [600, 1], strides = [1, 1]} : vector<2400x1xf32> to vector<600x1xf32>
    %dot_general3A_97 = arith.constant dense<0.000000e+00> : vector<50x1xf32>
    %dot_general3A_98 = tpu.matmul %convert_element_type3A_47, %slice3A, %dot_general3A_97 {dimension_numbers = #tpu.dot_dimension_numbers<[1], [0], [0], [1], [0, 0, 1, 1], [], []>, transpose_lhs_hint = false} : vector<50x600xf32>, vector<600x1xf32>, vector<50x1xf32> -> vector<50x1xf32>
    %dot_general3A_99 = arith.constant dense<0.000000e+00> : vector<600x1xf32>
    %dot_general3A_100 = tpu.matmul %convert_element_type3A_47, %dot_general3A_98, %dot_general3A_99 {dimension_numbers = #tpu.dot_dimension_numbers<[0], [0], [1], [1], [0, 1, 1, 1], [], []>, transpose_lhs_hint = false} : vector<50x600xf32>, vector<50x1xf32>, vector<600x1xf32> -> vector<600x1xf32>
    %slice3A_101 = vector.extract_strided_slice %get3A_54 {offsets = [0, 0], sizes = [600, 128], strides = [1, 1]} : vector<2400x128xf32> to vector<600x128xf32>
    %div3A_102 = arith.divf %slice3A, %dot_general3A_100 : vector<600x1xf32>
    %mul3A_103 = vector.broadcast %div3A_102 : vector<600x1xf32> to vector<600x128xf32>
    %mul3A_104 = arith.mulf %mul3A_103, %slice3A_101 : vector<600x128xf32>
    %dot_general3A_105 = arith.constant dense<0.000000e+00> : vector<50x128xf32>
    %dot_general3A_106 = tpu.matmul %convert_element_type3A_47, %mul3A_104, %dot_general3A_105 {dimension_numbers = #tpu.dot_dimension_numbers<[1], [0], [0], [1], [0, 0, 1, 1], [], []>, transpose_lhs_hint = false} : vector<50x600xf32>, vector<600x128xf32>, vector<50x128xf32> -> vector<50x128xf32>
    %slice3A_107 = vector.extract_strided_slice %exp3A {offsets = [600, 0], sizes = [600, 1], strides = [1, 1]} : vector<2400x1xf32> to vector<600x1xf32>
    %dot_general3A_108 = arith.constant dense<0.000000e+00> : vector<50x1xf32>
    %dot_general3A_109 = tpu.matmul %convert_element_type3A_47, %slice3A_107, %dot_general3A_108 {dimension_numbers = #tpu.dot_dimension_numbers<[1], [0], [0], [1], [0, 0, 1, 1], [], []>, transpose_lhs_hint = false} : vector<50x600xf32>, vector<600x1xf32>, vector<50x1xf32> -> vector<50x1xf32>
    %dot_general3A_110 = arith.constant dense<0.000000e+00> : vector<600x1xf32>
    %dot_general3A_111 = tpu.matmul %convert_element_type3A_47, %dot_general3A_109, %dot_general3A_110 {dimension_numbers = #tpu.dot_dimension_numbers<[0], [0], [1], [1], [0, 1, 1, 1], [], []>, transpose_lhs_hint = false} : vector<50x600xf32>, vector<50x1xf32>, vector<600x1xf32> -> vector<600x1xf32>
    %slice3A_112 = vector.extract_strided_slice %get3A_54 {offsets = [600, 0], sizes = [600, 128], strides = [1, 1]} : vector<2400x128xf32> to vector<600x128xf32>
    %div3A_113 = arith.divf %slice3A_107, %dot_general3A_111 : vector<600x1xf32>
    %mul3A_114 = vector.broadcast %div3A_113 : vector<600x1xf32> to vector<600x128xf32>
    %mul3A_115 = arith.mulf %mul3A_114, %slice3A_112 : vector<600x128xf32>
    %dot_general3A_116 = arith.constant dense<0.000000e+00> : vector<50x128xf32>
    %dot_general3A_117 = tpu.matmul %convert_element_type3A_47, %mul3A_115, %dot_general3A_116 {dimension_numbers = #tpu.dot_dimension_numbers<[1], [0], [0], [1], [0, 0, 1, 1], [], []>, transpose_lhs_hint = false} : vector<50x600xf32>, vector<600x128xf32>, vector<50x128xf32> -> vector<50x128xf32>
    %slice3A_118 = vector.extract_strided_slice %exp3A {offsets = [1200, 0], sizes = [600, 1], strides = [1, 1]} : vector<2400x1xf32> to vector<600x1xf32>
    %dot_general3A_119 = arith.constant dense<0.000000e+00> : vector<50x1xf32>
    %dot_general3A_120 = tpu.matmul %convert_element_type3A_47, %slice3A_118, %dot_general3A_119 {dimension_numbers = #tpu.dot_dimension_numbers<[1], [0], [0], [1], [0, 0, 1, 1], [], []>, transpose_lhs_hint = false} : vector<50x600xf32>, vector<600x1xf32>, vector<50x1xf32> -> vector<50x1xf32>
    %dot_general3A_121 = arith.constant dense<0.000000e+00> : vector<600x1xf32>
    %dot_general3A_122 = tpu.matmul %convert_element_type3A_47, %dot_general3A_120, %dot_general3A_121 {dimension_numbers = #tpu.dot_dimension_numbers<[0], [0], [1], [1], [0, 1, 1, 1], [], []>, transpose_lhs_hint = false} : vector<50x600xf32>, vector<50x1xf32>, vector<600x1xf32> -> vector<600x1xf32>
    %slice3A_123 = vector.extract_strided_slice %get3A_54 {offsets = [1200, 0], sizes = [600, 128], strides = [1, 1]} : vector<2400x128xf32> to vector<600x128xf32>
    %div3A_124 = arith.divf %slice3A_118, %dot_general3A_122 : vector<600x1xf32>
    %mul3A_125 = vector.broadcast %div3A_124 : vector<600x1xf32> to vector<600x128xf32>
    %mul3A_126 = arith.mulf %mul3A_125, %slice3A_123 : vector<600x128xf32>
    %dot_general3A_127 = arith.constant dense<0.000000e+00> : vector<50x128xf32>
    %dot_general3A_128 = tpu.matmul %convert_element_type3A_47, %mul3A_126, %dot_general3A_127 {dimension_numbers = #tpu.dot_dimension_numbers<[1], [0], [0], [1], [0, 0, 1, 1], [], []>, transpose_lhs_hint = false} : vector<50x600xf32>, vector<600x128xf32>, vector<50x128xf32> -> vector<50x128xf32>
    %slice3A_129 = vector.extract_strided_slice %exp3A {offsets = [1800, 0], sizes = [600, 1], strides = [1, 1]} : vector<2400x1xf32> to vector<600x1xf32>
    %dot_general3A_130 = arith.constant dense<0.000000e+00> : vector<50x1xf32>
    %dot_general3A_131 = tpu.matmul %convert_element_type3A_47, %slice3A_129, %dot_general3A_130 {dimension_numbers = #tpu.dot_dimension_numbers<[1], [0], [0], [1], [0, 0, 1, 1], [], []>, transpose_lhs_hint = false} : vector<50x600xf32>, vector<600x1xf32>, vector<50x1xf32> -> vector<50x1xf32>
    %dot_general3A_132 = arith.constant dense<0.000000e+00> : vector<600x1xf32>
    %dot_general3A_133 = tpu.matmul %convert_element_type3A_47, %dot_general3A_131, %dot_general3A_132 {dimension_numbers = #tpu.dot_dimension_numbers<[0], [0], [1], [1], [0, 1, 1, 1], [], []>, transpose_lhs_hint = false} : vector<50x600xf32>, vector<50x1xf32>, vector<600x1xf32> -> vector<600x1xf32>
    %slice3A_134 = vector.extract_strided_slice %get3A_54 {offsets = [1800, 0], sizes = [600, 128], strides = [1, 1]} : vector<2400x128xf32> to vector<600x128xf32>
    %div3A_135 = arith.divf %slice3A_129, %dot_general3A_133 : vector<600x1xf32>
    %mul3A_136 = vector.broadcast %div3A_135 : vector<600x1xf32> to vector<600x128xf32>
    %mul3A_137 = arith.mulf %mul3A_136, %slice3A_134 : vector<600x128xf32>
    %dot_general3A_138 = arith.constant dense<0.000000e+00> : vector<50x128xf32>
    %dot_general3A_139 = tpu.matmul %convert_element_type3A_47, %mul3A_137, %dot_general3A_138 {dimension_numbers = #tpu.dot_dimension_numbers<[1], [0], [0], [1], [0, 0, 1, 1], [], []>, transpose_lhs_hint = false} : vector<50x600xf32>, vector<600x128xf32>, vector<50x128xf32> -> vector<50x128xf32>
    %concatenate3A = tpu.concatenate %dot_general3A_106, %dot_general3A_117, %dot_general3A_128, %dot_general3A_139 in 0 : vector<50x128xf32>, vector<50x128xf32>, vector<50x128xf32>, vector<50x128xf32> -> vector<200x128xf32>
    %get3A_140 = arith.constant 0 : index
    %get3A_141 = arith.constant 0 : index
    %get3A_142 = vector.load %arg13[%get3A_140, %get3A_141] : memref<128x128xf32, #tpu.memory_space<vmem>>, vector<128x128xf32>
    %dot_general3A_143 = arith.constant dense<0.000000e+00> : vector<200x128xf32>
    %dot_general3A_144 = tpu.matmul %reshape3A, %get3A_142, %dot_general3A_143 {dimension_numbers = #tpu.dot_dimension_numbers<[1], [0], [0], [1], [0, 0, 1, 1], [], []>, transpose_lhs_hint = false} : vector<200x128xf32>, vector<128x128xf32>, vector<200x128xf32> -> vector<200x128xf32>
    %get3A_145 = arith.constant 0 : index
    %get3A_146 = arith.constant 0 : index
    %get3A_147 = vector.load %arg14[%get3A_145, %get3A_146] : memref<128x128xf32, #tpu.memory_space<vmem>>, vector<128x128xf32>
    %dot_general3A_148 = arith.constant dense<0.000000e+00> : vector<200x128xf32>
    %dot_general3A_149 = tpu.matmul %concatenate3A, %get3A_147, %dot_general3A_148 {dimension_numbers = #tpu.dot_dimension_numbers<[1], [0], [0], [1], [0, 0, 1, 1], [], []>, transpose_lhs_hint = false} : vector<200x128xf32>, vector<128x128xf32>, vector<200x128xf32> -> vector<200x128xf32>
    %add3A_150 = arith.addf %dot_general3A_144, %dot_general3A_149 : vector<200x128xf32>
    %max3A = arith.constant 0.000000e+00 : f32
    %max3A_151 = vector.broadcast %max3A : f32 to vector<200x128xf32>
    %max3A_152 = arith.maximumf %add3A_150, %max3A_151 : vector<200x128xf32>
    %add3A_153 = arith.addf %broadcast_in_dim3A_49, %max3A_152 : vector<200x128xf32>
    %get3A_154 = arith.constant 1 : index
    %get3A_155 = arith.constant 0 : index
    %get3A_156 = arith.constant 0 : index
    %get3A_157 = vector.load %arg1[%get3A_154, %get3A_155, %get3A_156] : memref<3x2400x128xf32, #tpu.memory_space<vmem>>, vector<1x2400x128xf32>
    %get3A_158 = vector.shape_cast %get3A_157 : vector<1x2400x128xf32> to vector<2400x128xf32>
    %get3A_159 = arith.constant 1 : index
    %get3A_160 = arith.constant 0 : index
    %get3A_161 = arith.constant 0 : index
    %get3A_162 = arith.constant 0 : index
    %get3A_163 = vector.load %arg2[%get3A_159, %get3A_160, %get3A_161, %get3A_162] : memref<3x4x600x1xf32, #tpu.memory_space<vmem>>, vector<1x4x600x1xf32>
    %get3A_164 = vector.shape_cast %get3A_163 : vector<1x4x600x1xf32> to vector<4x600x1xf32>
    %reshape3A_165 = vector.shape_cast %get3A_164 : vector<4x600x1xf32> to vector<2400x1xf32>
    %reshape3A_166 = vector.shape_cast %get3A_158 : vector<2400x128xf32> to vector<4x600x128xf32>
    %broadcast_in_dim3A_167 = vector.shape_cast %div3A_9 : vector<4x128xf32> to vector<4x1x128xf32>
    %mul3A_168 = vector.broadcast %broadcast_in_dim3A_167 : vector<4x1x128xf32> to vector<4x600x128xf32>
    %mul3A_169 = arith.mulf %reshape3A_166, %mul3A_168 : vector<4x600x128xf32>
    %reshape3A_170 = vector.shape_cast %mul3A_169 : vector<4x600x128xf32> to vector<2400x128xf32>
    %dot_general3A_171 = arith.constant dense<0.000000e+00> : vector<2400x128xf32>
    %dot_general3A_172 = tpu.matmul %reshape3A_170, %get3A_12, %dot_general3A_171 {dimension_numbers = #tpu.dot_dimension_numbers<[1], [0], [0], [1], [0, 0, 1, 1], [], []>, transpose_lhs_hint = false} : vector<2400x128xf32>, vector<128x128xf32>, vector<2400x128xf32> -> vector<2400x128xf32>
    %mul3A_173 = vector.broadcast %reshape3A_165 : vector<2400x1xf32> to vector<2400x128xf32>
    %mul3A_174 = vector.broadcast %get3A_15 : vector<1x128xf32> to vector<2400x128xf32>
    %mul3A_175 = arith.mulf %mul3A_173, %mul3A_174 : vector<2400x128xf32>
    %add3A_176 = arith.addf %dot_general3A_172, %mul3A_175 : vector<2400x128xf32>
    %get3A_177 = arith.constant 0 : index
    %get3A_178 = arith.constant 0 : index
    %get3A_179 = vector.load %arg11[%get3A_177, %get3A_178] : memref<10x16xf32, #tpu.memory_space<vmem>>, vector<10x16xf32>
    %dot_general3A_180 = arith.constant dense<0.000000e+00> : vector<10x128xf32>
    %dot_general3A_181 = tpu.matmul %get3A_179, %get3A_18, %dot_general3A_180 {dimension_numbers = #tpu.dot_dimension_numbers<[1], [0], [0], [1], [0, 0, 1, 1], [], []>, transpose_lhs_hint = false} : vector<10x16xf32>, vector<16x128xf32>, vector<10x128xf32> -> vector<10x128xf32>
    %get3A_182 = arith.constant 1 : index
    %get3A_183 = arith.constant 0 : index
    %get3A_184 = arith.constant 0 : index
    %get3A_185 = arith.constant 0 : index
    %get3A_186 = vector.load %arg3[%get3A_182, %get3A_183, %get3A_184, %get3A_185] : memref<3x4x600x1xi32, #tpu.memory_space<vmem>>, vector<1x4x600x1xi32>
    %get3A_187 = vector.shape_cast %get3A_186 : vector<1x4x600x1xi32> to vector<4x600x1xi32>
    %reshape3A_188 = vector.shape_cast %get3A_187 : vector<4x600x1xi32> to vector<2400x1xi32>
    %eq3A_189 = vector.broadcast %reshape3A_188 : vector<2400x1xi32> to vector<2400x10xi32>
    %eq3A_190 = arith.cmpi eq, %eq3A_189, %iota3A_48 : vector<2400x10xi32>
    %convert_element_type3A_191 = arith.extui %eq3A_190 : vector<2400x10xi1> to vector<2400x10xi32>
    %convert_element_type3A_192 = arith.sitofp %convert_element_type3A_191 : vector<2400x10xi32> to vector<2400x10xf32>
    %dot_general3A_193 = arith.constant dense<0.000000e+00> : vector<2400x128xf32>
    %dot_general3A_194 = tpu.matmul %convert_element_type3A_192, %dot_general3A_181, %dot_general3A_193 {dimension_numbers = #tpu.dot_dimension_numbers<[1], [0], [0], [1], [0, 0, 1, 1], [], []>, transpose_lhs_hint = false} : vector<2400x10xf32>, vector<10x128xf32>, vector<2400x128xf32> -> vector<2400x128xf32>
    %add3A_195 = arith.addf %add3A_176, %dot_general3A_194 : vector<2400x128xf32>
    %gt3A_196 = arith.constant 0.000000e+00 : f32
    %gt3A_197 = vector.broadcast %gt3A_196 : f32 to vector<2400x128xf32>
    %gt3A_198 = arith.cmpf ogt, %add3A_195, %gt3A_197 : vector<2400x128xf32>
    %mul3A_199 = arith.constant 2.000000e-01 : f32
    %mul3A_200 = vector.broadcast %mul3A_199 : f32 to vector<2400x128xf32>
    %mul3A_201 = arith.mulf %mul3A_200, %add3A_195 : vector<2400x128xf32>
    %select_n3A_202 = arith.select %gt3A_198, %add3A_195, %mul3A_201 : vector<2400x128xi1>, vector<2400x128xf32>
    %dot_general3A_203 = arith.constant dense<0.000000e+00> : vector<2400x1xf32>
    %dot_general3A_204 = tpu.matmul %select_n3A_202, %get3A_21, %dot_general3A_203 {dimension_numbers = #tpu.dot_dimension_numbers<[1], [0], [0], [1], [0, 0, 1, 1], [], []>, transpose_lhs_hint = false} : vector<2400x128xf32>, vector<128x1xf32>, vector<2400x1xf32> -> vector<2400x1xf32>
    %exp3A_205 = math.exp %dot_general3A_204 : vector<2400x1xf32>
    %slice3A_206 = vector.extract_strided_slice %exp3A_205 {offsets = [0, 0], sizes = [600, 1], strides = [1, 1]} : vector<2400x1xf32> to vector<600x1xf32>
    %dot_general3A_207 = arith.constant dense<0.000000e+00> : vector<50x1xf32>
    %dot_general3A_208 = tpu.matmul %convert_element_type3A_47, %slice3A_206, %dot_general3A_207 {dimension_numbers = #tpu.dot_dimension_numbers<[1], [0], [0], [1], [0, 0, 1, 1], [], []>, transpose_lhs_hint = false} : vector<50x600xf32>, vector<600x1xf32>, vector<50x1xf32> -> vector<50x1xf32>
    %dot_general3A_209 = arith.constant dense<0.000000e+00> : vector<600x1xf32>
    %dot_general3A_210 = tpu.matmul %convert_element_type3A_47, %dot_general3A_208, %dot_general3A_209 {dimension_numbers = #tpu.dot_dimension_numbers<[0], [0], [1], [1], [0, 1, 1, 1], [], []>, transpose_lhs_hint = false} : vector<50x600xf32>, vector<50x1xf32>, vector<600x1xf32> -> vector<600x1xf32>
    %slice3A_211 = vector.extract_strided_slice %get3A_158 {offsets = [0, 0], sizes = [600, 128], strides = [1, 1]} : vector<2400x128xf32> to vector<600x128xf32>
    %div3A_212 = arith.divf %slice3A_206, %dot_general3A_210 : vector<600x1xf32>
    %mul3A_213 = vector.broadcast %div3A_212 : vector<600x1xf32> to vector<600x128xf32>
    %mul3A_214 = arith.mulf %mul3A_213, %slice3A_211 : vector<600x128xf32>
    %dot_general3A_215 = arith.constant dense<0.000000e+00> : vector<50x128xf32>
    %dot_general3A_216 = tpu.matmul %convert_element_type3A_47, %mul3A_214, %dot_general3A_215 {dimension_numbers = #tpu.dot_dimension_numbers<[1], [0], [0], [1], [0, 0, 1, 1], [], []>, transpose_lhs_hint = false} : vector<50x600xf32>, vector<600x128xf32>, vector<50x128xf32> -> vector<50x128xf32>
    %slice3A_217 = vector.extract_strided_slice %exp3A_205 {offsets = [600, 0], sizes = [600, 1], strides = [1, 1]} : vector<2400x1xf32> to vector<600x1xf32>
    %dot_general3A_218 = arith.constant dense<0.000000e+00> : vector<50x1xf32>
    %dot_general3A_219 = tpu.matmul %convert_element_type3A_47, %slice3A_217, %dot_general3A_218 {dimension_numbers = #tpu.dot_dimension_numbers<[1], [0], [0], [1], [0, 0, 1, 1], [], []>, transpose_lhs_hint = false} : vector<50x600xf32>, vector<600x1xf32>, vector<50x1xf32> -> vector<50x1xf32>
    %dot_general3A_220 = arith.constant dense<0.000000e+00> : vector<600x1xf32>
    %dot_general3A_221 = tpu.matmul %convert_element_type3A_47, %dot_general3A_219, %dot_general3A_220 {dimension_numbers = #tpu.dot_dimension_numbers<[0], [0], [1], [1], [0, 1, 1, 1], [], []>, transpose_lhs_hint = false} : vector<50x600xf32>, vector<50x1xf32>, vector<600x1xf32> -> vector<600x1xf32>
    %slice3A_222 = vector.extract_strided_slice %get3A_158 {offsets = [600, 0], sizes = [600, 128], strides = [1, 1]} : vector<2400x128xf32> to vector<600x128xf32>
    %div3A_223 = arith.divf %slice3A_217, %dot_general3A_221 : vector<600x1xf32>
    %mul3A_224 = vector.broadcast %div3A_223 : vector<600x1xf32> to vector<600x128xf32>
    %mul3A_225 = arith.mulf %mul3A_224, %slice3A_222 : vector<600x128xf32>
    %dot_general3A_226 = arith.constant dense<0.000000e+00> : vector<50x128xf32>
    %dot_general3A_227 = tpu.matmul %convert_element_type3A_47, %mul3A_225, %dot_general3A_226 {dimension_numbers = #tpu.dot_dimension_numbers<[1], [0], [0], [1], [0, 0, 1, 1], [], []>, transpose_lhs_hint = false} : vector<50x600xf32>, vector<600x128xf32>, vector<50x128xf32> -> vector<50x128xf32>
    %slice3A_228 = vector.extract_strided_slice %exp3A_205 {offsets = [1200, 0], sizes = [600, 1], strides = [1, 1]} : vector<2400x1xf32> to vector<600x1xf32>
    %dot_general3A_229 = arith.constant dense<0.000000e+00> : vector<50x1xf32>
    %dot_general3A_230 = tpu.matmul %convert_element_type3A_47, %slice3A_228, %dot_general3A_229 {dimension_numbers = #tpu.dot_dimension_numbers<[1], [0], [0], [1], [0, 0, 1, 1], [], []>, transpose_lhs_hint = false} : vector<50x600xf32>, vector<600x1xf32>, vector<50x1xf32> -> vector<50x1xf32>
    %dot_general3A_231 = arith.constant dense<0.000000e+00> : vector<600x1xf32>
    %dot_general3A_232 = tpu.matmul %convert_element_type3A_47, %dot_general3A_230, %dot_general3A_231 {dimension_numbers = #tpu.dot_dimension_numbers<[0], [0], [1], [1], [0, 1, 1, 1], [], []>, transpose_lhs_hint = false} : vector<50x600xf32>, vector<50x1xf32>, vector<600x1xf32> -> vector<600x1xf32>
    %slice3A_233 = vector.extract_strided_slice %get3A_158 {offsets = [1200, 0], sizes = [600, 128], strides = [1, 1]} : vector<2400x128xf32> to vector<600x128xf32>
    %div3A_234 = arith.divf %slice3A_228, %dot_general3A_232 : vector<600x1xf32>
    %mul3A_235 = vector.broadcast %div3A_234 : vector<600x1xf32> to vector<600x128xf32>
    %mul3A_236 = arith.mulf %mul3A_235, %slice3A_233 : vector<600x128xf32>
    %dot_general3A_237 = arith.constant dense<0.000000e+00> : vector<50x128xf32>
    %dot_general3A_238 = tpu.matmul %convert_element_type3A_47, %mul3A_236, %dot_general3A_237 {dimension_numbers = #tpu.dot_dimension_numbers<[1], [0], [0], [1], [0, 0, 1, 1], [], []>, transpose_lhs_hint = false} : vector<50x600xf32>, vector<600x128xf32>, vector<50x128xf32> -> vector<50x128xf32>
    %slice3A_239 = vector.extract_strided_slice %exp3A_205 {offsets = [1800, 0], sizes = [600, 1], strides = [1, 1]} : vector<2400x1xf32> to vector<600x1xf32>
    %dot_general3A_240 = arith.constant dense<0.000000e+00> : vector<50x1xf32>
    %dot_general3A_241 = tpu.matmul %convert_element_type3A_47, %slice3A_239, %dot_general3A_240 {dimension_numbers = #tpu.dot_dimension_numbers<[1], [0], [0], [1], [0, 0, 1, 1], [], []>, transpose_lhs_hint = false} : vector<50x600xf32>, vector<600x1xf32>, vector<50x1xf32> -> vector<50x1xf32>
    %dot_general3A_242 = arith.constant dense<0.000000e+00> : vector<600x1xf32>
    %dot_general3A_243 = tpu.matmul %convert_element_type3A_47, %dot_general3A_241, %dot_general3A_242 {dimension_numbers = #tpu.dot_dimension_numbers<[0], [0], [1], [1], [0, 1, 1, 1], [], []>, transpose_lhs_hint = false} : vector<50x600xf32>, vector<50x1xf32>, vector<600x1xf32> -> vector<600x1xf32>
    %slice3A_244 = vector.extract_strided_slice %get3A_158 {offsets = [1800, 0], sizes = [600, 128], strides = [1, 1]} : vector<2400x128xf32> to vector<600x128xf32>
    %div3A_245 = arith.divf %slice3A_239, %dot_general3A_243 : vector<600x1xf32>
    %mul3A_246 = vector.broadcast %div3A_245 : vector<600x1xf32> to vector<600x128xf32>
    %mul3A_247 = arith.mulf %mul3A_246, %slice3A_244 : vector<600x128xf32>
    %dot_general3A_248 = arith.constant dense<0.000000e+00> : vector<50x128xf32>
    %dot_general3A_249 = tpu.matmul %convert_element_type3A_47, %mul3A_247, %dot_general3A_248 {dimension_numbers = #tpu.dot_dimension_numbers<[1], [0], [0], [1], [0, 0, 1, 1], [], []>, transpose_lhs_hint = false} : vector<50x600xf32>, vector<600x128xf32>, vector<50x128xf32> -> vector<50x128xf32>
    %concatenate3A_250 = tpu.concatenate %dot_general3A_216, %dot_general3A_227, %dot_general3A_238, %dot_general3A_249 in 0 : vector<50x128xf32>, vector<50x128xf32>, vector<50x128xf32>, vector<50x128xf32> -> vector<200x128xf32>
    %get3A_251 = arith.constant 0 : index
    %get3A_252 = arith.constant 0 : index
    %get3A_253 = vector.load %arg13[%get3A_251, %get3A_252] : memref<128x128xf32, #tpu.memory_space<vmem>>, vector<128x128xf32>
    %dot_general3A_254 = arith.constant dense<0.000000e+00> : vector<200x128xf32>
    %dot_general3A_255 = tpu.matmul %reshape3A, %get3A_253, %dot_general3A_254 {dimension_numbers = #tpu.dot_dimension_numbers<[1], [0], [0], [1], [0, 0, 1, 1], [], []>, transpose_lhs_hint = false} : vector<200x128xf32>, vector<128x128xf32>, vector<200x128xf32> -> vector<200x128xf32>
    %get3A_256 = arith.constant 0 : index
    %get3A_257 = arith.constant 0 : index
    %get3A_258 = vector.load %arg14[%get3A_256, %get3A_257] : memref<128x128xf32, #tpu.memory_space<vmem>>, vector<128x128xf32>
    %dot_general3A_259 = arith.constant dense<0.000000e+00> : vector<200x128xf32>
    %dot_general3A_260 = tpu.matmul %concatenate3A_250, %get3A_258, %dot_general3A_259 {dimension_numbers = #tpu.dot_dimension_numbers<[1], [0], [0], [1], [0, 0, 1, 1], [], []>, transpose_lhs_hint = false} : vector<200x128xf32>, vector<128x128xf32>, vector<200x128xf32> -> vector<200x128xf32>
    %add3A_261 = arith.addf %dot_general3A_255, %dot_general3A_260 : vector<200x128xf32>
    %max3A_262 = arith.constant 0.000000e+00 : f32
    %max3A_263 = vector.broadcast %max3A_262 : f32 to vector<200x128xf32>
    %max3A_264 = arith.maximumf %add3A_261, %max3A_263 : vector<200x128xf32>
    %add3A_265 = arith.addf %add3A_153, %max3A_264 : vector<200x128xf32>
    %get3A_266 = arith.constant 2 : index
    %get3A_267 = arith.constant 0 : index
    %get3A_268 = arith.constant 0 : index
    %get3A_269 = vector.load %arg1[%get3A_266, %get3A_267, %get3A_268] : memref<3x2400x128xf32, #tpu.memory_space<vmem>>, vector<1x2400x128xf32>
    %get3A_270 = vector.shape_cast %get3A_269 : vector<1x2400x128xf32> to vector<2400x128xf32>
    %get3A_271 = arith.constant 2 : index
    %get3A_272 = arith.constant 0 : index
    %get3A_273 = arith.constant 0 : index
    %get3A_274 = arith.constant 0 : index
    %get3A_275 = vector.load %arg2[%get3A_271, %get3A_272, %get3A_273, %get3A_274] : memref<3x4x600x1xf32, #tpu.memory_space<vmem>>, vector<1x4x600x1xf32>
    %get3A_276 = vector.shape_cast %get3A_275 : vector<1x4x600x1xf32> to vector<4x600x1xf32>
    %reshape3A_277 = vector.shape_cast %get3A_276 : vector<4x600x1xf32> to vector<2400x1xf32>
    %reshape3A_278 = vector.shape_cast %get3A_270 : vector<2400x128xf32> to vector<4x600x128xf32>
    %broadcast_in_dim3A_279 = vector.shape_cast %div3A_9 : vector<4x128xf32> to vector<4x1x128xf32>
    %mul3A_280 = vector.broadcast %broadcast_in_dim3A_279 : vector<4x1x128xf32> to vector<4x600x128xf32>
    %mul3A_281 = arith.mulf %reshape3A_278, %mul3A_280 : vector<4x600x128xf32>
    %reshape3A_282 = vector.shape_cast %mul3A_281 : vector<4x600x128xf32> to vector<2400x128xf32>
    %dot_general3A_283 = arith.constant dense<0.000000e+00> : vector<2400x128xf32>
    %dot_general3A_284 = tpu.matmul %reshape3A_282, %get3A_12, %dot_general3A_283 {dimension_numbers = #tpu.dot_dimension_numbers<[1], [0], [0], [1], [0, 0, 1, 1], [], []>, transpose_lhs_hint = false} : vector<2400x128xf32>, vector<128x128xf32>, vector<2400x128xf32> -> vector<2400x128xf32>
    %mul3A_285 = vector.broadcast %reshape3A_277 : vector<2400x1xf32> to vector<2400x128xf32>
    %mul3A_286 = vector.broadcast %get3A_15 : vector<1x128xf32> to vector<2400x128xf32>
    %mul3A_287 = arith.mulf %mul3A_285, %mul3A_286 : vector<2400x128xf32>
    %add3A_288 = arith.addf %dot_general3A_284, %mul3A_287 : vector<2400x128xf32>
    %get3A_289 = arith.constant 1 : index
    %get3A_290 = arith.constant 0 : index
    %get3A_291 = vector.load %arg12[%get3A_289, %get3A_290] : memref<2x16xf32, #tpu.memory_space<vmem>>, vector<1x16xf32>
    %get3A_292 = vector.shape_cast %get3A_291 : vector<1x16xf32> to vector<16xf32>
    %broadcast_in_dim3A_293 = vector.shape_cast %get3A_292 : vector<16xf32> to vector<1x16xf32>
    %dot_general3A_294 = arith.constant dense<0.000000e+00> : vector<1x128xf32>
    %dot_general3A_295 = tpu.matmul %broadcast_in_dim3A_293, %get3A_18, %dot_general3A_294 {dimension_numbers = #tpu.dot_dimension_numbers<[1], [0], [0], [1], [0, 0, 1, 1], [], []>, transpose_lhs_hint = false} : vector<1x16xf32>, vector<16x128xf32>, vector<1x128xf32> -> vector<1x128xf32>
    %add3A_296 = vector.broadcast %dot_general3A_295 : vector<1x128xf32> to vector<2400x128xf32>
    %add3A_297 = arith.addf %add3A_288, %add3A_296 : vector<2400x128xf32>
    %gt3A_298 = arith.constant 0.000000e+00 : f32
    %gt3A_299 = vector.broadcast %gt3A_298 : f32 to vector<2400x128xf32>
    %gt3A_300 = arith.cmpf ogt, %add3A_297, %gt3A_299 : vector<2400x128xf32>
    %mul3A_301 = arith.constant 2.000000e-01 : f32
    %mul3A_302 = vector.broadcast %mul3A_301 : f32 to vector<2400x128xf32>
    %mul3A_303 = arith.mulf %mul3A_302, %add3A_297 : vector<2400x128xf32>
    %select_n3A_304 = arith.select %gt3A_300, %add3A_297, %mul3A_303 : vector<2400x128xi1>, vector<2400x128xf32>
    %dot_general3A_305 = arith.constant dense<0.000000e+00> : vector<2400x1xf32>
    %dot_general3A_306 = tpu.matmul %select_n3A_304, %get3A_21, %dot_general3A_305 {dimension_numbers = #tpu.dot_dimension_numbers<[1], [0], [0], [1], [0, 0, 1, 1], [], []>, transpose_lhs_hint = false} : vector<2400x128xf32>, vector<128x1xf32>, vector<2400x1xf32> -> vector<2400x1xf32>
    %exp3A_307 = math.exp %dot_general3A_306 : vector<2400x1xf32>
    %slice3A_308 = vector.extract_strided_slice %exp3A_307 {offsets = [0, 0], sizes = [600, 1], strides = [1, 1]} : vector<2400x1xf32> to vector<600x1xf32>
    %dot_general3A_309 = arith.constant dense<0.000000e+00> : vector<50x1xf32>
    %dot_general3A_310 = tpu.matmul %convert_element_type3A_47, %slice3A_308, %dot_general3A_309 {dimension_numbers = #tpu.dot_dimension_numbers<[1], [0], [0], [1], [0, 0, 1, 1], [], []>, transpose_lhs_hint = false} : vector<50x600xf32>, vector<600x1xf32>, vector<50x1xf32> -> vector<50x1xf32>
    %dot_general3A_311 = arith.constant dense<0.000000e+00> : vector<600x1xf32>
    %dot_general3A_312 = tpu.matmul %convert_element_type3A_47, %dot_general3A_310, %dot_general3A_311 {dimension_numbers = #tpu.dot_dimension_numbers<[0], [0], [1], [1], [0, 1, 1, 1], [], []>, transpose_lhs_hint = false} : vector<50x600xf32>, vector<50x1xf32>, vector<600x1xf32> -> vector<600x1xf32>
    %slice3A_313 = vector.extract_strided_slice %get3A_270 {offsets = [0, 0], sizes = [600, 128], strides = [1, 1]} : vector<2400x128xf32> to vector<600x128xf32>
    %div3A_314 = arith.divf %slice3A_308, %dot_general3A_312 : vector<600x1xf32>
    %mul3A_315 = vector.broadcast %div3A_314 : vector<600x1xf32> to vector<600x128xf32>
    %mul3A_316 = arith.mulf %mul3A_315, %slice3A_313 : vector<600x128xf32>
    %dot_general3A_317 = arith.constant dense<0.000000e+00> : vector<50x128xf32>
    %dot_general3A_318 = tpu.matmul %convert_element_type3A_47, %mul3A_316, %dot_general3A_317 {dimension_numbers = #tpu.dot_dimension_numbers<[1], [0], [0], [1], [0, 0, 1, 1], [], []>, transpose_lhs_hint = false} : vector<50x600xf32>, vector<600x128xf32>, vector<50x128xf32> -> vector<50x128xf32>
    %slice3A_319 = vector.extract_strided_slice %exp3A_307 {offsets = [600, 0], sizes = [600, 1], strides = [1, 1]} : vector<2400x1xf32> to vector<600x1xf32>
    %dot_general3A_320 = arith.constant dense<0.000000e+00> : vector<50x1xf32>
    %dot_general3A_321 = tpu.matmul %convert_element_type3A_47, %slice3A_319, %dot_general3A_320 {dimension_numbers = #tpu.dot_dimension_numbers<[1], [0], [0], [1], [0, 0, 1, 1], [], []>, transpose_lhs_hint = false} : vector<50x600xf32>, vector<600x1xf32>, vector<50x1xf32> -> vector<50x1xf32>
    %dot_general3A_322 = arith.constant dense<0.000000e+00> : vector<600x1xf32>
    %dot_general3A_323 = tpu.matmul %convert_element_type3A_47, %dot_general3A_321, %dot_general3A_322 {dimension_numbers = #tpu.dot_dimension_numbers<[0], [0], [1], [1], [0, 1, 1, 1], [], []>, transpose_lhs_hint = false} : vector<50x600xf32>, vector<50x1xf32>, vector<600x1xf32> -> vector<600x1xf32>
    %slice3A_324 = vector.extract_strided_slice %get3A_270 {offsets = [600, 0], sizes = [600, 128], strides = [1, 1]} : vector<2400x128xf32> to vector<600x128xf32>
    %div3A_325 = arith.divf %slice3A_319, %dot_general3A_323 : vector<600x1xf32>
    %mul3A_326 = vector.broadcast %div3A_325 : vector<600x1xf32> to vector<600x128xf32>
    %mul3A_327 = arith.mulf %mul3A_326, %slice3A_324 : vector<600x128xf32>
    %dot_general3A_328 = arith.constant dense<0.000000e+00> : vector<50x128xf32>
    %dot_general3A_329 = tpu.matmul %convert_element_type3A_47, %mul3A_327, %dot_general3A_328 {dimension_numbers = #tpu.dot_dimension_numbers<[1], [0], [0], [1], [0, 0, 1, 1], [], []>, transpose_lhs_hint = false} : vector<50x600xf32>, vector<600x128xf32>, vector<50x128xf32> -> vector<50x128xf32>
    %slice3A_330 = vector.extract_strided_slice %exp3A_307 {offsets = [1200, 0], sizes = [600, 1], strides = [1, 1]} : vector<2400x1xf32> to vector<600x1xf32>
    %dot_general3A_331 = arith.constant dense<0.000000e+00> : vector<50x1xf32>
    %dot_general3A_332 = tpu.matmul %convert_element_type3A_47, %slice3A_330, %dot_general3A_331 {dimension_numbers = #tpu.dot_dimension_numbers<[1], [0], [0], [1], [0, 0, 1, 1], [], []>, transpose_lhs_hint = false} : vector<50x600xf32>, vector<600x1xf32>, vector<50x1xf32> -> vector<50x1xf32>
    %dot_general3A_333 = arith.constant dense<0.000000e+00> : vector<600x1xf32>
    %dot_general3A_334 = tpu.matmul %convert_element_type3A_47, %dot_general3A_332, %dot_general3A_333 {dimension_numbers = #tpu.dot_dimension_numbers<[0], [0], [1], [1], [0, 1, 1, 1], [], []>, transpose_lhs_hint = false} : vector<50x600xf32>, vector<50x1xf32>, vector<600x1xf32> -> vector<600x1xf32>
    %slice3A_335 = vector.extract_strided_slice %get3A_270 {offsets = [1200, 0], sizes = [600, 128], strides = [1, 1]} : vector<2400x128xf32> to vector<600x128xf32>
    %div3A_336 = arith.divf %slice3A_330, %dot_general3A_334 : vector<600x1xf32>
    %mul3A_337 = vector.broadcast %div3A_336 : vector<600x1xf32> to vector<600x128xf32>
    %mul3A_338 = arith.mulf %mul3A_337, %slice3A_335 : vector<600x128xf32>
    %dot_general3A_339 = arith.constant dense<0.000000e+00> : vector<50x128xf32>
    %dot_general3A_340 = tpu.matmul %convert_element_type3A_47, %mul3A_338, %dot_general3A_339 {dimension_numbers = #tpu.dot_dimension_numbers<[1], [0], [0], [1], [0, 0, 1, 1], [], []>, transpose_lhs_hint = false} : vector<50x600xf32>, vector<600x128xf32>, vector<50x128xf32> -> vector<50x128xf32>
    %slice3A_341 = vector.extract_strided_slice %exp3A_307 {offsets = [1800, 0], sizes = [600, 1], strides = [1, 1]} : vector<2400x1xf32> to vector<600x1xf32>
    %dot_general3A_342 = arith.constant dense<0.000000e+00> : vector<50x1xf32>
    %dot_general3A_343 = tpu.matmul %convert_element_type3A_47, %slice3A_341, %dot_general3A_342 {dimension_numbers = #tpu.dot_dimension_numbers<[1], [0], [0], [1], [0, 0, 1, 1], [], []>, transpose_lhs_hint = false} : vector<50x600xf32>, vector<600x1xf32>, vector<50x1xf32> -> vector<50x1xf32>
    %dot_general3A_344 = arith.constant dense<0.000000e+00> : vector<600x1xf32>
    %dot_general3A_345 = tpu.matmul %convert_element_type3A_47, %dot_general3A_343, %dot_general3A_344 {dimension_numbers = #tpu.dot_dimension_numbers<[0], [0], [1], [1], [0, 1, 1, 1], [], []>, transpose_lhs_hint = false} : vector<50x600xf32>, vector<50x1xf32>, vector<600x1xf32> -> vector<600x1xf32>
    %slice3A_346 = vector.extract_strided_slice %get3A_270 {offsets = [1800, 0], sizes = [600, 128], strides = [1, 1]} : vector<2400x128xf32> to vector<600x128xf32>
    %div3A_347 = arith.divf %slice3A_341, %dot_general3A_345 : vector<600x1xf32>
    %mul3A_348 = vector.broadcast %div3A_347 : vector<600x1xf32> to vector<600x128xf32>
    %mul3A_349 = arith.mulf %mul3A_348, %slice3A_346 : vector<600x128xf32>
    %dot_general3A_350 = arith.constant dense<0.000000e+00> : vector<50x128xf32>
    %dot_general3A_351 = tpu.matmul %convert_element_type3A_47, %mul3A_349, %dot_general3A_350 {dimension_numbers = #tpu.dot_dimension_numbers<[1], [0], [0], [1], [0, 0, 1, 1], [], []>, transpose_lhs_hint = false} : vector<50x600xf32>, vector<600x128xf32>, vector<50x128xf32> -> vector<50x128xf32>
    %concatenate3A_352 = tpu.concatenate %dot_general3A_318, %dot_general3A_329, %dot_general3A_340, %dot_general3A_351 in 0 : vector<50x128xf32>, vector<50x128xf32>, vector<50x128xf32>, vector<50x128xf32> -> vector<200x128xf32>
    %get3A_353 = arith.constant 0 : index
    %get3A_354 = arith.constant 0 : index
    %get3A_355 = vector.load %arg13[%get3A_353, %get3A_354] : memref<128x128xf32, #tpu.memory_space<vmem>>, vector<128x128xf32>
    %dot_general3A_356 = arith.constant dense<0.000000e+00> : vector<200x128xf32>
    %dot_general3A_357 = tpu.matmul %reshape3A, %get3A_355, %dot_general3A_356 {dimension_numbers = #tpu.dot_dimension_numbers<[1], [0], [0], [1], [0, 0, 1, 1], [], []>, transpose_lhs_hint = false} : vector<200x128xf32>, vector<128x128xf32>, vector<200x128xf32> -> vector<200x128xf32>
    %get3A_358 = arith.constant 0 : index
    %get3A_359 = arith.constant 0 : index
    %get3A_360 = vector.load %arg14[%get3A_358, %get3A_359] : memref<128x128xf32, #tpu.memory_space<vmem>>, vector<128x128xf32>
    %dot_general3A_361 = arith.constant dense<0.000000e+00> : vector<200x128xf32>
    %dot_general3A_362 = tpu.matmul %concatenate3A_352, %get3A_360, %dot_general3A_361 {dimension_numbers = #tpu.dot_dimension_numbers<[1], [0], [0], [1], [0, 0, 1, 1], [], []>, transpose_lhs_hint = false} : vector<200x128xf32>, vector<128x128xf32>, vector<200x128xf32> -> vector<200x128xf32>
    %add3A_363 = arith.addf %dot_general3A_357, %dot_general3A_362 : vector<200x128xf32>
    %max3A_364 = arith.constant 0.000000e+00 : f32
    %max3A_365 = vector.broadcast %max3A_364 : f32 to vector<200x128xf32>
    %max3A_366 = arith.maximumf %add3A_363, %max3A_365 : vector<200x128xf32>
    %add3A_367 = arith.addf %add3A_265, %max3A_366 : vector<200x128xf32>
    %mul3A_368 = arith.constant 0.333333343 : f32
    %mul3A_369 = vector.broadcast %mul3A_368 : f32 to vector<200x128xf32>
    %mul3A_370 = arith.mulf %add3A_367, %mul3A_369 : vector<200x128xf32>
    %reshape3A_371 = vector.shape_cast %mul3A_370 : vector<200x128xf32> to vector<4x50x128xf32>
    %swap3A = arith.constant 0 : index
    %swap3A_372 = arith.constant 0 : index
    %swap3A_373 = arith.constant 0 : index
    %swap3A_374 = vector.load %arg15[%swap3A, %swap3A_372, %swap3A_373] : memref<4x50x128xf32, #tpu.memory_space<vmem>>, vector<4x50x128xf32>
    tpu.vector_store %arg15[%swap3A, %swap3A_372, %swap3A_373], %reshape3A_371 {strides = array<i32>} : memref<4x50x128xf32, #tpu.memory_space<vmem>>, vector<4x50x128xf32>,
    return
  }
  func.func @transform_0(%arg0: i32) -> (i32, i32, i32) {
    %c0_i32 = arith.constant 0 : i32
    %c0_i32_0 = arith.constant 0 : i32
    %c0_i32_1 = arith.constant 0 : i32
    return %c0_i32, %arg0, %c0_i32_0 : i32, i32, i32
  }
  func.func @transform_1(%arg0: i32) -> (i32, i32, i32, i32) {
    %c0_i32 = arith.constant 0 : i32
    %c0_i32_0 = arith.constant 0 : i32
    %c0_i32_1 = arith.constant 0 : i32
    %c0_i32_2 = arith.constant 0 : i32
    return %c0_i32, %arg0, %c0_i32_0, %c0_i32_1 : i32, i32, i32, i32
  }
  func.func @transform_2(%arg0: i32) -> (i32, i32, i32, i32) {
    %c0_i32 = arith.constant 0 : i32
    %c0_i32_0 = arith.constant 0 : i32
    %c0_i32_1 = arith.constant 0 : i32
    %c0_i32_2 = arith.constant 0 : i32
    return %c0_i32, %arg0, %c0_i32_0, %c0_i32_1 : i32, i32, i32, i32
  }
  func.func @transform_3(%arg0: i32) -> (i32, i32, i32) {
    %c0_i32 = arith.constant 0 : i32
    %c0_i32_0 = arith.constant 0 : i32
    %c0_i32_1 = arith.constant 0 : i32
    return %arg0, %c0_i32, %c0_i32_0 : i32, i32, i32
  }
  func.func @transform_4(%arg0: i32) -> (i32, i32, i32) {
    %c0_i32 = arith.constant 0 : i32
    %c0_i32_0 = arith.constant 0 : i32
    %c0_i32_1 = arith.constant 0 : i32
    return %arg0, %c0_i32, %c0_i32_0 : i32, i32, i32
  }
  func.func @transform_5(%arg0: i32) -> (i32, i32) {
    %c0_i32 = arith.constant 0 : i32
    %c0_i32_0 = arith.constant 0 : i32
    %c0_i32_1 = arith.constant 0 : i32
    return %c0_i32, %c0_i32_0 : i32, i32
  }
  func.func @transform_6(%arg0: i32) -> (i32, i32) {
    %c0_i32 = arith.constant 0 : i32
    %c0_i32_0 = arith.constant 0 : i32
    %c0_i32_1 = arith.constant 0 : i32
    return %c0_i32, %c0_i32_0 : i32, i32
  }
  func.func @transform_7(%arg0: i32) -> (i32, i32) {
    %c0_i32 = arith.constant 0 : i32
    %c0_i32_0 = arith.constant 0 : i32
    %c0_i32_1 = arith.constant 0 : i32
    return %c0_i32, %c0_i32_0 : i32, i32
  }
  func.func @transform_8(%arg0: i32) -> (i32, i32) {
    %c0_i32 = arith.constant 0 : i32
    %c0_i32_0 = arith.constant 0 : i32
    %c0_i32_1 = arith.constant 0 : i32
    return %c0_i32, %c0_i32_0 : i32, i32
  }
  func.func @transform_9(%arg0: i32) -> (i32, i32) {
    %c0_i32 = arith.constant 0 : i32
    %c0_i32_0 = arith.constant 0 : i32
    %c0_i32_1 = arith.constant 0 : i32
    return %c0_i32, %c0_i32_0 : i32, i32
  }
  func.func @transform_10(%arg0: i32) -> (i32, i32) {
    %c0_i32 = arith.constant 0 : i32
    %c0_i32_0 = arith.constant 0 : i32
    %c0_i32_1 = arith.constant 0 : i32
    return %c0_i32, %c0_i32_0 : i32, i32
  }
  func.func @transform_11(%arg0: i32) -> (i32, i32) {
    %c0_i32 = arith.constant 0 : i32
    %c0_i32_0 = arith.constant 0 : i32
    %c0_i32_1 = arith.constant 0 : i32
    return %c0_i32, %c0_i32_0 : i32, i32
  }
  func.func @transform_12(%arg0: i32) -> (i32, i32) {
    %c0_i32 = arith.constant 0 : i32
    %c0_i32_0 = arith.constant 0 : i32
    %c0_i32_1 = arith.constant 0 : i32
    return %c0_i32, %c0_i32_0 : i32, i32
  }
  func.func @transform_13(%arg0: i32) -> (i32, i32) {
    %c0_i32 = arith.constant 0 : i32
    %c0_i32_0 = arith.constant 0 : i32
    %c0_i32_1 = arith.constant 0 : i32
    return %c0_i32, %c0_i32_0 : i32, i32
  }
  func.func @transform_14(%arg0: i32) -> (i32, i32, i32) {
    %c0_i32 = arith.constant 0 : i32
    %c0_i32_0 = arith.constant 0 : i32
    %c0_i32_1 = arith.constant 0 : i32
    return %arg0, %c0_i32, %c0_i32_0 : i32, i32, i32
  }
}

module attributes {stable_mosaic.version = 14 : i64} {
  func.func @_t3_pool(%arg0: memref<100x50x128xf32, #tpu.memory_space<vmem>>, %arg1: memref<100x50x128xf32, #tpu.memory_space<vmem>>, %arg2: memref<50x128xf32, #tpu.memory_space<vmem>>, %arg3: memref<128x128xf32, #tpu.memory_space<vmem>>, %arg4: memref<128x128xf32, #tpu.memory_space<vmem>>, %arg5: memref<128x128xf32, #tpu.memory_space<vmem>>, %arg6: memref<1x128xf32, #tpu.memory_space<vmem>>, %arg7: memref<128x128xf32, #tpu.memory_space<vmem>>, %arg8: memref<128x1xf32, #tpu.memory_space<vmem>>, %arg9: memref<100x100xf32, #tpu.memory_space<vmem>>, %arg10: memref<128x128xf32, #tpu.memory_space<vmem>>, %arg11: memref<100x128xf32, #tpu.memory_space<vmem>>, %arg12: memref<1x1xf32, #tpu.memory_space<vmem>>) attributes {dimension_semantics = [], scalar_prefetch = 0 : i64, scratch_operands = 0 : i64, tpu.core_type = #tpu.core_type<tc>} {
    %get3A = arith.constant 0 : index
    %get3A_0 = arith.constant 0 : index
    %get3A_1 = vector.load %arg2[%get3A, %get3A_0] : memref<50x128xf32, #tpu.memory_space<vmem>>, vector<50x128xf32>
    %get3A_2 = arith.constant 0 : index
    %get3A_3 = arith.constant 0 : index
    %get3A_4 = vector.load %arg3[%get3A_2, %get3A_3] : memref<128x128xf32, #tpu.memory_space<vmem>>, vector<128x128xf32>
    %dot_general3A = arith.constant dense<0.000000e+00> : vector<50x128xf32>
    %dot_general3A_5 = tpu.matmul %get3A_1, %get3A_4, %dot_general3A {dimension_numbers = #tpu.dot_dimension_numbers<[1], [0], [0], [1], [0, 0, 1, 1], [], []>, transpose_lhs_hint = false} : vector<50x128xf32>, vector<128x128xf32>, vector<50x128xf32> -> vector<50x128xf32>
    %get3A_6 = arith.constant 0 : index
    %get3A_7 = arith.constant 0 : index
    %get3A_8 = arith.constant 0 : index
    %get3A_9 = vector.load %arg0[%get3A_6, %get3A_7, %get3A_8] : memref<100x50x128xf32, #tpu.memory_space<vmem>>, vector<100x50x128xf32>
    %reduce_sum3A = arith.constant dense<0.000000e+00> : vector<100x128xf32>
    %reduce_sum3A_10 = vector.multi_reduction <add>, %get3A_9, %reduce_sum3A [1] : vector<100x50x128xf32> to vector<100x128xf32>
    %div3A = arith.constant 5.000000e+01 : f32
    %div3A_11 = vector.broadcast %div3A : f32 to vector<100x128xf32>
    %div3A_12 = arith.divf %reduce_sum3A_10, %div3A_11 : vector<100x128xf32>
    %reshape3A = vector.shape_cast %get3A_9 : vector<100x50x128xf32> to vector<5000x128xf32>
    %get3A_13 = arith.constant 0 : index
    %get3A_14 = arith.constant 0 : index
    %get3A_15 = vector.load %arg4[%get3A_13, %get3A_14] : memref<128x128xf32, #tpu.memory_space<vmem>>, vector<128x128xf32>
    %dot_general3A_16 = arith.constant dense<0.000000e+00> : vector<5000x128xf32>
    %dot_general3A_17 = tpu.matmul %reshape3A, %get3A_15, %dot_general3A_16 {dimension_numbers = #tpu.dot_dimension_numbers<[1], [0], [0], [1], [0, 0, 1, 1], [], []>, transpose_lhs_hint = false} : vector<5000x128xf32>, vector<128x128xf32>, vector<5000x128xf32> -> vector<5000x128xf32>
    %reshape3A_18 = vector.shape_cast %dot_general3A_17 : vector<5000x128xf32> to vector<100x50x128xf32>
    %broadcast_in_dim3A = vector.shape_cast %dot_general3A_5 : vector<50x128xf32> to vector<1x50x128xf32>
    %add3A = vector.broadcast %broadcast_in_dim3A : vector<1x50x128xf32> to vector<100x50x128xf32>
    %add3A_19 = arith.addf %reshape3A_18, %add3A : vector<100x50x128xf32>
    %tanh3A = math.tanh %add3A_19 : vector<100x50x128xf32>
    %reshape3A_20 = vector.shape_cast %tanh3A : vector<100x50x128xf32> to vector<5000x128xf32>
    %get3A_21 = arith.constant 0 : index
    %get3A_22 = arith.constant 0 : index
    %get3A_23 = vector.load %arg5[%get3A_21, %get3A_22] : memref<128x128xf32, #tpu.memory_space<vmem>>, vector<128x128xf32>
    %dot_general3A_24 = arith.constant dense<0.000000e+00> : vector<5000x128xf32>
    %dot_general3A_25 = tpu.matmul %reshape3A_20, %get3A_23, %dot_general3A_24 {dimension_numbers = #tpu.dot_dimension_numbers<[1], [0], [0], [1], [0, 0, 1, 1], [], []>, transpose_lhs_hint = false} : vector<5000x128xf32>, vector<128x128xf32>, vector<5000x128xf32> -> vector<5000x128xf32>
    %reshape3A_26 = vector.shape_cast %dot_general3A_25 : vector<5000x128xf32> to vector<100x50x128xf32>
    %get3A_27 = arith.constant 0 : index
    %get3A_28 = arith.constant 0 : index
    %get3A_29 = vector.load %arg6[%get3A_27, %get3A_28] : memref<1x128xf32, #tpu.memory_space<vmem>>, vector<1x128xf32>
    %broadcast_in_dim3A_30 = vector.shape_cast %get3A_29 : vector<1x128xf32> to vector<1x1x128xf32>
    %add3A_31 = vector.broadcast %broadcast_in_dim3A_30 : vector<1x1x128xf32> to vector<100x50x128xf32>
    %add3A_32 = arith.addf %reshape3A_26, %add3A_31 : vector<100x50x128xf32>
    %get3A_33 = arith.constant 0 : index
    %get3A_34 = arith.constant 0 : index
    %get3A_35 = vector.load %arg7[%get3A_33, %get3A_34] : memref<128x128xf32, #tpu.memory_space<vmem>>, vector<128x128xf32>
    %dot_general3A_36 = arith.constant dense<0.000000e+00> : vector<100x128xf32>
    %dot_general3A_37 = tpu.matmul %div3A_12, %get3A_35, %dot_general3A_36 {dimension_numbers = #tpu.dot_dimension_numbers<[1], [0], [0], [1], [0, 0, 1, 1], [], []>, transpose_lhs_hint = false} : vector<100x128xf32>, vector<128x128xf32>, vector<100x128xf32> -> vector<100x128xf32>
    %broadcast_in_dim3A_38 = vector.shape_cast %dot_general3A_37 : vector<100x128xf32> to vector<100x1x128xf32>
    %add3A_39 = vector.broadcast %broadcast_in_dim3A_38 : vector<100x1x128xf32> to vector<100x50x128xf32>
    %add3A_40 = arith.addf %add3A_32, %add3A_39 : vector<100x50x128xf32>
    %logistic3A = arith.negf %add3A_40 : vector<100x50x128xf32>
    %logistic3A_41 = math.exp %logistic3A : vector<100x50x128xf32>
    %logistic3A_42 = arith.constant 1.000000e+00 : f32
    %logistic3A_43 = vector.broadcast %logistic3A_42 : f32 to vector<100x50x128xf32>
    %logistic3A_44 = arith.addf %logistic3A_43, %logistic3A_41 : vector<100x50x128xf32>
    %logistic3A_45 = arith.divf %logistic3A_43, %logistic3A_44 : vector<100x50x128xf32>
    %reshape3A_46 = vector.shape_cast %logistic3A_45 : vector<100x50x128xf32> to vector<5000x128xf32>
    %get3A_47 = arith.constant 0 : index
    %get3A_48 = arith.constant 0 : index
    %get3A_49 = vector.load %arg8[%get3A_47, %get3A_48] : memref<128x1xf32, #tpu.memory_space<vmem>>, vector<128x1xf32>
    %dot_general3A_50 = arith.constant dense<0.000000e+00> : vector<5000x1xf32>
    %dot_general3A_51 = tpu.matmul %reshape3A_46, %get3A_49, %dot_general3A_50 {dimension_numbers = #tpu.dot_dimension_numbers<[1], [0], [0], [1], [0, 0, 1, 1], [], []>, transpose_lhs_hint = false} : vector<5000x128xf32>, vector<128x1xf32>, vector<5000x1xf32> -> vector<5000x1xf32>
    %reshape3A_52 = vector.shape_cast %dot_general3A_51 : vector<5000x1xf32> to vector<100x50x1xf32>
    %mul3A = vector.broadcast %reshape3A_52 : vector<100x50x1xf32> to vector<100x50x128xf32>
    %mul3A_53 = arith.mulf %mul3A, %get3A_9 : vector<100x50x128xf32>
    %reduce_sum3A_54 = arith.constant dense<0.000000e+00> : vector<100x128xf32>
    %reduce_sum3A_55 = vector.multi_reduction <add>, %mul3A_53, %reduce_sum3A_54 [1] : vector<100x50x128xf32> to vector<100x128xf32>
    %get3A_56 = arith.constant 0 : index
    %get3A_57 = arith.constant 0 : index
    %get3A_58 = arith.constant 0 : index
    %get3A_59 = vector.load %arg1[%get3A_56, %get3A_57, %get3A_58] : memref<100x50x128xf32, #tpu.memory_space<vmem>>, vector<100x50x128xf32>
    %reduce_sum3A_60 = arith.constant dense<0.000000e+00> : vector<100x128xf32>
    %reduce_sum3A_61 = vector.multi_reduction <add>, %get3A_59, %reduce_sum3A_60 [1] : vector<100x50x128xf32> to vector<100x128xf32>
    %div3A_62 = arith.constant 5.000000e+01 : f32
    %div3A_63 = vector.broadcast %div3A_62 : f32 to vector<100x128xf32>
    %div3A_64 = arith.divf %reduce_sum3A_61, %div3A_63 : vector<100x128xf32>
    %reshape3A_65 = vector.shape_cast %get3A_59 : vector<100x50x128xf32> to vector<5000x128xf32>
    %get3A_66 = arith.constant 0 : index
    %get3A_67 = arith.constant 0 : index
    %get3A_68 = vector.load %arg4[%get3A_66, %get3A_67] : memref<128x128xf32, #tpu.memory_space<vmem>>, vector<128x128xf32>
    %dot_general3A_69 = arith.constant dense<0.000000e+00> : vector<5000x128xf32>
    %dot_general3A_70 = tpu.matmul %reshape3A_65, %get3A_68, %dot_general3A_69 {dimension_numbers = #tpu.dot_dimension_numbers<[1], [0], [0], [1], [0, 0, 1, 1], [], []>, transpose_lhs_hint = false} : vector<5000x128xf32>, vector<128x128xf32>, vector<5000x128xf32> -> vector<5000x128xf32>
    %reshape3A_71 = vector.shape_cast %dot_general3A_70 : vector<5000x128xf32> to vector<100x50x128xf32>
    %broadcast_in_dim3A_72 = vector.shape_cast %dot_general3A_5 : vector<50x128xf32> to vector<1x50x128xf32>
    %add3A_73 = vector.broadcast %broadcast_in_dim3A_72 : vector<1x50x128xf32> to vector<100x50x128xf32>
    %add3A_74 = arith.addf %reshape3A_71, %add3A_73 : vector<100x50x128xf32>
    %tanh3A_75 = math.tanh %add3A_74 : vector<100x50x128xf32>
    %reshape3A_76 = vector.shape_cast %tanh3A_75 : vector<100x50x128xf32> to vector<5000x128xf32>
    %get3A_77 = arith.constant 0 : index
    %get3A_78 = arith.constant 0 : index
    %get3A_79 = vector.load %arg5[%get3A_77, %get3A_78] : memref<128x128xf32, #tpu.memory_space<vmem>>, vector<128x128xf32>
    %dot_general3A_80 = arith.constant dense<0.000000e+00> : vector<5000x128xf32>
    %dot_general3A_81 = tpu.matmul %reshape3A_76, %get3A_79, %dot_general3A_80 {dimension_numbers = #tpu.dot_dimension_numbers<[1], [0], [0], [1], [0, 0, 1, 1], [], []>, transpose_lhs_hint = false} : vector<5000x128xf32>, vector<128x128xf32>, vector<5000x128xf32> -> vector<5000x128xf32>
    %reshape3A_82 = vector.shape_cast %dot_general3A_81 : vector<5000x128xf32> to vector<100x50x128xf32>
    %get3A_83 = arith.constant 0 : index
    %get3A_84 = arith.constant 0 : index
    %get3A_85 = vector.load %arg6[%get3A_83, %get3A_84] : memref<1x128xf32, #tpu.memory_space<vmem>>, vector<1x128xf32>
    %broadcast_in_dim3A_86 = vector.shape_cast %get3A_85 : vector<1x128xf32> to vector<1x1x128xf32>
    %add3A_87 = vector.broadcast %broadcast_in_dim3A_86 : vector<1x1x128xf32> to vector<100x50x128xf32>
    %add3A_88 = arith.addf %reshape3A_82, %add3A_87 : vector<100x50x128xf32>
    %get3A_89 = arith.constant 0 : index
    %get3A_90 = arith.constant 0 : index
    %get3A_91 = vector.load %arg7[%get3A_89, %get3A_90] : memref<128x128xf32, #tpu.memory_space<vmem>>, vector<128x128xf32>
    %dot_general3A_92 = arith.constant dense<0.000000e+00> : vector<100x128xf32>
    %dot_general3A_93 = tpu.matmul %div3A_64, %get3A_91, %dot_general3A_92 {dimension_numbers = #tpu.dot_dimension_numbers<[1], [0], [0], [1], [0, 0, 1, 1], [], []>, transpose_lhs_hint = false} : vector<100x128xf32>, vector<128x128xf32>, vector<100x128xf32> -> vector<100x128xf32>
    %broadcast_in_dim3A_94 = vector.shape_cast %dot_general3A_93 : vector<100x128xf32> to vector<100x1x128xf32>
    %add3A_95 = vector.broadcast %broadcast_in_dim3A_94 : vector<100x1x128xf32> to vector<100x50x128xf32>
    %add3A_96 = arith.addf %add3A_88, %add3A_95 : vector<100x50x128xf32>
    %logistic3A_97 = arith.negf %add3A_96 : vector<100x50x128xf32>
    %logistic3A_98 = math.exp %logistic3A_97 : vector<100x50x128xf32>
    %logistic3A_99 = arith.constant 1.000000e+00 : f32
    %logistic3A_100 = vector.broadcast %logistic3A_99 : f32 to vector<100x50x128xf32>
    %logistic3A_101 = arith.addf %logistic3A_100, %logistic3A_98 : vector<100x50x128xf32>
    %logistic3A_102 = arith.divf %logistic3A_100, %logistic3A_101 : vector<100x50x128xf32>
    %reshape3A_103 = vector.shape_cast %logistic3A_102 : vector<100x50x128xf32> to vector<5000x128xf32>
    %get3A_104 = arith.constant 0 : index
    %get3A_105 = arith.constant 0 : index
    %get3A_106 = vector.load %arg8[%get3A_104, %get3A_105] : memref<128x1xf32, #tpu.memory_space<vmem>>, vector<128x1xf32>
    %dot_general3A_107 = arith.constant dense<0.000000e+00> : vector<5000x1xf32>
    %dot_general3A_108 = tpu.matmul %reshape3A_103, %get3A_106, %dot_general3A_107 {dimension_numbers = #tpu.dot_dimension_numbers<[1], [0], [0], [1], [0, 0, 1, 1], [], []>, transpose_lhs_hint = false} : vector<5000x128xf32>, vector<128x1xf32>, vector<5000x1xf32> -> vector<5000x1xf32>
    %reshape3A_109 = vector.shape_cast %dot_general3A_108 : vector<5000x1xf32> to vector<100x50x1xf32>
    %mul3A_110 = vector.broadcast %reshape3A_109 : vector<100x50x1xf32> to vector<100x50x128xf32>
    %mul3A_111 = arith.mulf %mul3A_110, %get3A_59 : vector<100x50x128xf32>
    %reduce_sum3A_112 = arith.constant dense<0.000000e+00> : vector<100x128xf32>
    %reduce_sum3A_113 = vector.multi_reduction <add>, %mul3A_111, %reduce_sum3A_112 [1] : vector<100x50x128xf32> to vector<100x128xf32>
    %get3A_114 = arith.constant 0 : index
    %get3A_115 = arith.constant 0 : index
    %get3A_116 = vector.load %arg9[%get3A_114, %get3A_115] : memref<100x100xf32, #tpu.memory_space<vmem>>, vector<100x100xf32>
    %dot_general3A_117 = arith.constant dense<0.000000e+00> : vector<100x128xf32>
    %dot_general3A_118 = tpu.matmul %get3A_116, %reduce_sum3A_55, %dot_general3A_117 {dimension_numbers = #tpu.dot_dimension_numbers<[1], [0], [0], [1], [0, 0, 1, 1], [], []>, transpose_lhs_hint = false} : vector<100x100xf32>, vector<100x128xf32>, vector<100x128xf32> -> vector<100x128xf32>
    %get3A_119 = arith.constant 0 : index
    %get3A_120 = arith.constant 0 : index
    %get3A_121 = vector.load %arg10[%get3A_119, %get3A_120] : memref<128x128xf32, #tpu.memory_space<vmem>>, vector<128x128xf32>
    %dot_general3A_122 = arith.constant dense<0.000000e+00> : vector<100x128xf32>
    %dot_general3A_123 = tpu.matmul %dot_general3A_118, %get3A_121, %dot_general3A_122 {dimension_numbers = #tpu.dot_dimension_numbers<[1], [0], [0], [1], [0, 0, 1, 1], [], []>, transpose_lhs_hint = false} : vector<100x128xf32>, vector<128x128xf32>, vector<100x128xf32> -> vector<100x128xf32>
    %mul3A_124 = arith.mulf %reduce_sum3A_55, %reduce_sum3A_113 : vector<100x128xf32>
    %reduce_sum3A_125 = arith.constant dense<0.000000e+00> : vector<100xf32>
    %reduce_sum3A_126 = vector.multi_reduction <add>, %mul3A_124, %reduce_sum3A_125 [1] : vector<100x128xf32> to vector<100xf32>
    %mul3A_127 = arith.mulf %reduce_sum3A_113, %dot_general3A_123 : vector<100x128xf32>
    %reduce_sum3A_128 = arith.constant dense<0.000000e+00> : vector<100xf32>
    %reduce_sum3A_129 = vector.multi_reduction <add>, %mul3A_127, %reduce_sum3A_128 [1] : vector<100x128xf32> to vector<100xf32>
    %logistic3A_130 = arith.negf %reduce_sum3A_126 : vector<100xf32>
    %logistic3A_131 = math.exp %logistic3A_130 : vector<100xf32>
    %logistic3A_132 = arith.constant 1.000000e+00 : f32
    %logistic3A_133 = vector.broadcast %logistic3A_132 : f32 to vector<100xf32>
    %logistic3A_134 = arith.addf %logistic3A_133, %logistic3A_131 : vector<100xf32>
    %logistic3A_135 = arith.divf %logistic3A_133, %logistic3A_134 : vector<100xf32>
    %add3A_136 = arith.constant 9.99999993E-9 : f32
    %add3A_137 = vector.broadcast %add3A_136 : f32 to vector<100xf32>
    %add3A_138 = arith.addf %add3A_137, %logistic3A_135 : vector<100xf32>
    %log3A = math.log %add3A_138 : vector<100xf32>
    %neg3A = arith.constant 0.000000e+00 : f32
    %neg3A_139 = vector.broadcast %neg3A : f32 to vector<100xf32>
    %neg3A_140 = arith.subf %neg3A_139, %log3A : vector<100xf32>
    %logistic3A_141 = arith.negf %reduce_sum3A_129 : vector<100xf32>
    %logistic3A_142 = math.exp %logistic3A_141 : vector<100xf32>
    %logistic3A_143 = arith.constant 1.000000e+00 : f32
    %logistic3A_144 = vector.broadcast %logistic3A_143 : f32 to vector<100xf32>
    %logistic3A_145 = arith.addf %logistic3A_144, %logistic3A_142 : vector<100xf32>
    %logistic3A_146 = arith.divf %logistic3A_144, %logistic3A_145 : vector<100xf32>
    %sub3A = arith.constant 1.000000e+00 : f32
    %sub3A_147 = vector.broadcast %sub3A : f32 to vector<100xf32>
    %sub3A_148 = arith.subf %sub3A_147, %logistic3A_146 : vector<100xf32>
    %add3A_149 = arith.constant 9.99999993E-9 : f32
    %add3A_150 = vector.broadcast %add3A_149 : f32 to vector<100xf32>
    %add3A_151 = arith.addf %add3A_150, %sub3A_148 : vector<100xf32>
    %log3A_152 = math.log %add3A_151 : vector<100xf32>
    %sub3A_153 = arith.subf %neg3A_140, %log3A_152 : vector<100xf32>
    %reduce_sum3A_154 = vector.shape_cast %sub3A_153 : vector<100xf32> to vector<1x100xf32>
    %reduce_sum3A_155 = arith.constant dense<0.000000e+00> : vector<1xf32>
    %reduce_sum3A_156 = vector.multi_reduction <add>, %reduce_sum3A_154, %reduce_sum3A_155 [1] : vector<1x100xf32> to vector<1xf32>
    %reduce_sum3A_157 = vector.shape_cast %reduce_sum3A_156 : vector<1xf32> to vector<1x1xf32>
    %reduce_sum3A_158 = vector.extract %reduce_sum3A_157[0, 0] : f32 from vector<1x1xf32>
    %mul3A_159 = arith.constant 5.000000e-03 : f32
    %mul3A_160 = arith.mulf %mul3A_159, %reduce_sum3A_158 : f32
    %reshape3A_161 = vector.broadcast %mul3A_160 : f32 to vector<1x1xf32>
    %swap3A = arith.constant 0 : index
    %swap3A_162 = arith.constant 0 : index
    %swap3A_163 = vector.load %arg12[%swap3A, %swap3A_162] : memref<1x1xf32, #tpu.memory_space<vmem>>, vector<1x1xf32>
    tpu.vector_store %arg12[%swap3A, %swap3A_162], %reshape3A_161 {strides = array<i32>} : memref<1x1xf32, #tpu.memory_space<vmem>>, vector<1x1xf32>,
    %add3A_164 = arith.addf %reduce_sum3A_55, %reduce_sum3A_113 : vector<100x128xf32>
    %swap3A_165 = arith.constant 0 : index
    %swap3A_166 = arith.constant 0 : index
    %swap3A_167 = vector.load %arg11[%swap3A_165, %swap3A_166] : memref<100x128xf32, #tpu.memory_space<vmem>>, vector<100x128xf32>
    tpu.vector_store %arg11[%swap3A_165, %swap3A_166], %add3A_164 {strides = array<i32>} : memref<100x128xf32, #tpu.memory_space<vmem>>, vector<100x128xf32>,
    return
  }
}

module attributes {stable_mosaic.version = 14 : i64} {
  func.func @_t4_scores(%arg0: i32, %arg1: memref<100x128xf32, #tpu.memory_space<vmem>>, %arg2: memref<2048x128xf32, #tpu.memory_space<vmem>>, %arg3: memref<2048x128xf32, #tpu.memory_space<vmem>>, %arg4: memref<100x2048xf32, #tpu.memory_space<vmem>>) attributes {dimension_semantics = [#tpu.dimension_semantics<arbitrary>], iteration_bounds = array<i64: 25>, scalar_prefetch = 0 : i64, scratch_operands = 0 : i64, tpu.core_type = #tpu.core_type<tc>, window_params = [{pipeline_mode = #tpu.pipeline_mode<synchronous>, transform_indices = @transform_0, window_bounds = array<i64: 100, 128>}, {transform_indices = @transform_1, window_bounds = array<i64: 2048, 128>}, {transform_indices = @transform_2, window_bounds = array<i64: 2048, 128>}, {transform_indices = @transform_3, window_bounds = array<i64: 100, 2048>}]} {
    %get3A = arith.constant 1 : index
    %get3A_0 = arith.constant 0 : index
    %get3A_1 = vector.load %arg2[%get3A, %get3A_0] : memref<2048x128xf32, #tpu.memory_space<vmem>>, vector<2047x128xf32>
    %get3A_2 = arith.constant 0 : index
    %get3A_3 = arith.constant 0 : index
    %get3A_4 = vector.load %arg3[%get3A_2, %get3A_3] : memref<2048x128xf32, #tpu.memory_space<vmem>>, vector<1x128xf32>
    %concatenate3A = tpu.concatenate %get3A_1, %get3A_4 in 0 : vector<2047x128xf32>, vector<1x128xf32> -> vector<2048x128xf32>
    %get3A_5 = arith.constant 0 : index
    %get3A_6 = arith.constant 0 : index
    %get3A_7 = vector.load %arg1[%get3A_5, %get3A_6] : memref<100x128xf32, #tpu.memory_space<vmem>>, vector<100x128xf32>
    %dot_general3A = arith.constant dense<0.000000e+00> : vector<100x2048xf32>
    %dot_general3A_8 = tpu.matmul %get3A_7, %concatenate3A, %dot_general3A {dimension_numbers = #tpu.dot_dimension_numbers<[1], [1], [0], [0], [0, 0, 1, 0], [], []>, transpose_lhs_hint = false} : vector<100x128xf32>, vector<2048x128xf32>, vector<100x2048xf32> -> vector<100x2048xf32>
    %swap3A = arith.constant 0 : index
    %swap3A_9 = arith.constant 0 : index
    %swap3A_10 = vector.load %arg4[%swap3A, %swap3A_9] : memref<100x2048xf32, #tpu.memory_space<vmem>>, vector<100x2048xf32>
    tpu.vector_store %arg4[%swap3A, %swap3A_9], %dot_general3A_8 {strides = array<i32>} : memref<100x2048xf32, #tpu.memory_space<vmem>>, vector<100x2048xf32>,
    return
  }
  func.func @transform_0(%arg0: i32) -> (i32, i32) {
    %c0_i32 = arith.constant 0 : i32
    %c0_i32_0 = arith.constant 0 : i32
    %c0_i32_1 = arith.constant 0 : i32
    return %c0_i32, %c0_i32_0 : i32, i32
  }
  func.func @transform_1(%arg0: i32) -> (i32, i32) {
    %c0_i32 = arith.constant 0 : i32
    %c0_i32_0 = arith.constant 0 : i32
    return %arg0, %c0_i32 : i32, i32
  }
  func.func @transform_2(%arg0: i32) -> (i32, i32) {
    %add3A = arith.constant 1 : i32
    %add3A_0 = arith.addi %arg0, %add3A : i32
    %min3A = arith.constant 24 : i32
    %min3A_1 = arith.minsi %add3A_0, %min3A : i32
    %c0_i32 = arith.constant 0 : i32
    %c0_i32_2 = arith.constant 0 : i32
    return %min3A_1, %c0_i32 : i32, i32
  }
  func.func @transform_3(%arg0: i32) -> (i32, i32) {
    %c0_i32 = arith.constant 0 : i32
    %c0_i32_0 = arith.constant 0 : i32
    return %c0_i32, %arg0 : i32, i32
  }
}

</mosaic_0001>

<sc_bundles>
// kernel: kernel.7.cloned.1.call-start
scs
__scs_entry_jumppad:
0x0: {  	(pc) =	sbr.rel $0x88, $3  }
0x1: {  	(tag) =	ssettag $0x0;
	lr =	simm.s32 $0x1  }
0x2: {  	[smem:$0x3F8A] =	sst lr;
	_ =	strace $0xD0000000  }
0x3: {  	_ = 	snop  }
0x4: {  	_ = 	snop  }
0x5: {  	_ = 	snop  }
0x6: {  	_ = 	snop  }
0x7: {  	_ = 	snop  }
__scs_overlays_trampoline_lowered:
0x8: {  	[smem:$0x3F99] =	sst s0  }
0x9: {  	[smem:$0x3F9A] =	sst s1  }
0xa: {  	[smem:$0x3F9B] =	sst s2  }
0xb: {  	[smem:$0x3F9C] =	sst s3  }
0xc: {  	[smem:$0x3F9D] =	sst s4  }
0xd: {  	[smem:$0x3F9E] =	sst s5  }
0xe: {  	[smem:$0x3F9F] =	sst s6  }
0xf: {  	[smem:$0x3FA0] =	sst s7  }
0x10: {  	[smem:$0x3FA1] =	sst s8  }
0x11: {  	[smem:$0x3FA2] =	sst s9;
	s0 =	simm.s32 @!p0 $0x0  }
0x12: {  	s1 =	sld [smem:$0x3F88];
	s0 =	simm.s32 @p0 $0x1  }
0x13: {  	[smem:$0x3FA3] =	sst s0;
	s0 =	simm.s32 @!p1 $0x0  }
0x14: {  	s2 =	sld [smem:$0x3F87];
	s0 =	simm.s32 @p1 $0x1  }
0x15: {  	[smem:$0x3FA4] =	sst s0;
	s0 =	simm.s32 @!p2 $0x0  }
0x16: {  	s3 =	sld [smem:$0x3FDB];
	s0 =	simm.s32 @p2 $0x1  }
0x17: {  	s4 =	simm.s32 $0x1BF5;
	[smem:$0x3FA6] =	sst s0  }
0x18: {  	s0 =	sld [smem:$0x3F89];
	_ =	swait.ge [sflag:s4], $0x0  }
0x19: {  	s7 =	sld [smem:$0x3F8A]  }
0x1a: {  	s8 =	sadd.s32 $0xFFFFE003, lr  }
0x1b: {  	s9 =	sadd.s32 $0xFFFFFEF7, lr;
	s5 =	simm.s32 $0xFFFFFFFF;
	p2 =	slt.u32 s8, $0xFFFFF086  }
0x1c: {  	p1 =	slt.u32 s9, $0xF7A;
	s5 =	simm.s32 @!p2 $0x0  }
0x1d: {  	s5 =	simm.s32 @p1 $0x1;
	p0 =	seq.s32 s7, s2  }
0x1e: {  	s7 =	smul.u32 @!p0 $0xF7A, s2;
	p2 =	seq.s32 @!p0 s5, $0x0  }
0x1f: {  	s9 =	smul.u32 $0xF7A, s1;
	s8 =	simm.s32 @!p0 $0x1BF5;
	p2 =	por !p2, p0  }
0x20: {  	[sflag:s8] =	ssyncset.s32 @!p0 $0xFFFFF086;
	s6 =	sadd.s32 @!p0 s3, s7;
	s7 =	simm.s32 @!p0 $0x108  }
0x21: {  	s3 =	sadd.s32 s3, s9;
	s6 =	sadd.s32 @!p0 $0x88, s6;
	s7 =	simm.s32 @p2 $0x1082  }
0x22: {  	[simem:s7], [sflag:s8] =	dma.local @!p0 [hbm:s6], $0xF7A  }
0x23: {  	s9 =	sor.u32 $0xD0000000, s2;
	s6 =	simm.s32 $0x108;
	_ =	swait.ge @!p0 [sflag:s8], $0x0  }
0x24: {  	s3 =	sadd.s32 $0x88, s3;
	s6 =	simm.s32 @!p1 $0x1082;
	[sflag:s4] =	ssyncset.s32 $0xFFFFF086  }
0x25: {  	[simem:s6], [sflag:s4] =	dma.local [hbm:s3], $0xF7A  }
0x26: {  	[smem:$0x3F8A] =	sst s1;
	(tag) =	ssettag s2;
	_ =	strace s9  }
0x27: {  	s1 =	sld [smem:$0x3F9A]  }
0x28: {  	s2 =	sld [smem:$0x3F9B]  }
0x29: {  	s4 =	sld [smem:$0x3F9D]  }
0x2a: {  	p0 =	seq.s32 s5, $0x0;
	s5 =	sld [smem:$0x3F9E]  }
0x2b: {  	s6 =	sld [smem:$0x3F9F]  }
0x2c: {  	s7 =	sld [smem:$0x3FA0]  }
0x2d: {  	s3 =	simm.s32 $0x108;
	s8 =	sld [smem:$0x3FA1]  }
0x2e: {  	s3 =	simm.s32 @!p0 $0x1082;
	s9 =	sld [smem:$0x3FA2]  }
0x2f: {  	lr =	sadd.s32 s0, s3;
	s0 =	sld [smem:$0x3F99]  }
0x30: {  	s3 =	sld [smem:$0x3F9C]  }
0x31: {  	[smem:$0x3FA5] =	sst s10  }
0x32: {  	s10 =	sld [smem:$0x3FA3];
	_ =	sdelay $0x3  }
0x33: {  	p0 =	seq.s32 s10, $0x1;
	s10 =	sld [smem:$0x3FA5];
	_ =	sdelay $0x3  }
0x34: {  	[smem:$0x3FA5] =	sst s10  }
0x35: {  	s10 =	sld [smem:$0x3FA4];
	_ =	sdelay $0x3  }
0x36: {  	p1 =	seq.s32 s10, $0x1;
	s10 =	sld [smem:$0x3FA5];
	_ =	sdelay $0x3  }
0x37: {  	[smem:$0x3FA5] =	sst s10  }
0x38: {  	s10 =	sld [smem:$0x3FA6]  }
0x39: {  	_ = 	snop;
	(pc) =	sbr.ind lr, $3  }
0x3a: {  	_ = 	snop  }
0x3b: {  	_ = 	snop  }
0x3c: {  	p2 =	seq.s32 s10, $0x1;
	s10 =	sld [smem:$0x3FA5]  }
0x3d: {  	_ =	shalt  }
0x3e: {  	_ =	shalt  }
0x3f: {  	_ =	shalt  }
0x40: {  	_ =	shalt  }
0x41: {  	_ =	shalt  }
0x42: {  	_ =	shalt  }
0x43: {  	_ =	shalt  }
0x44: {  	_ =	shalt  }
0x45: {  	_ =	shalt  }
0x46: {  	_ =	shalt  }
0x47: {  	_ =	shalt  }
0x48: {  	_ =	shalt  }
0x49: {  	_ =	shalt  }
0x4a: {  	_ =	shalt  }
0x4b: {  	_ =	shalt  }
0x4c: {  	_ =	shalt  }
0x4d: {  	_ =	shalt  }
0x4e: {  	_ =	shalt  }
0x4f: {  	_ =	shalt  }
0x50: {  	_ =	shalt  }
0x51: {  	_ =	shalt  }
0x52: {  	_ =	shalt  }
0x53: {  	_ =	shalt  }
0x54: {  	_ =	shalt  }
0x55: {  	_ =	shalt  }
0x56: {  	_ =	shalt  }
0x57: {  	_ =	shalt  }
0x58: {  	_ =	shalt  }
0x59: {  	_ =	shalt  }
0x5a: {  	_ =	shalt  }
0x5b: {  	_ =	shalt  }
0x5c: {  	_ =	shalt  }
0x5d: {  	_ =	shalt  }
0x5e: {  	_ =	shalt  }
0x5f: {  	_ =	shalt  }
0x60: {  	_ =	shalt  }
0x61: {  	_ =	shalt  }
0x62: {  	_ =	shalt  }
0x63: {  	_ =	shalt  }
0x64: {  	_ =	shalt  }
0x65: {  	_ =	shalt  }
0x66: {  	_ =	shalt  }
0x67: {  	_ =	shalt  }
0x68: {  	_ =	shalt  }
0x69: {  	_ =	shalt  }
0x6a: {  	_ =	shalt  }
0x6b: {  	_ =	shalt  }
0x6c: {  	_ =	shalt  }
0x6d: {  	_ =	shalt  }
0x6e: {  	_ =	shalt  }
0x6f: {  	_ =	shalt  }
0x70: {  	_ =	shalt  }
0x71: {  	_ =	shalt  }
0x72: {  	_ =	shalt  }
0x73: {  	_ =	shalt  }
0x74: {  	_ =	shalt  }
0x75: {  	_ =	shalt  }
0x76: {  	_ =	shalt  }
0x77: {  	_ =	shalt  }
0x78: {  	_ =	shalt  }
0x79: {  	_ =	shalt  }
0x7a: {  	_ =	shalt  }
0x7b: {  	_ =	shalt  }
0x7c: {  	_ =	shalt  }
0x7d: {  	_ =	shalt  }
0x7e: {  	_ =	shalt  }
0x7f: {  	_ =	shalt  }
0x80: {  	_ =	shalt  }
0x81: {  	_ =	shalt  }
0x82: {  	_ =	shalt  }
0x83: {  	_ =	shalt  }
0x84: {  	_ =	shalt  }
0x85: {  	_ =	shalt  }
0x86: {  	_ =	shalt  }
0x87: {  	_ =	shalt  }
.Lfunc_end0:
.L_simem_size_0:
called_computation_lowered:
.L_overlay_start_0:
0x88: {  	s2 =	sld [smem:$0x3FD9]  }
0x89: {  	s3 =	sld [smem:$0x3FFE];
	_ =	sdelay $0x1  }
0x8a: {  	s1 =	srdreg.scid  }
0x8b: {  	s0 =	sand.u32 $0x1, s1  }
0x8c: {  	s14 =	sshll.u32 s0, $0xA;
	s2 =	sadd.s32 s3, s2  }
0x8d: {  	s2 =	sadd.s32 s2, s14  }
0x8e: {  	[smem:$0x3FB1] =	sst s2  }
0x8f: {  	_ = 	snop  }
0x90: {  	s2 =	sld [smem:$0x3FD0];
	_ =	sdelay $0x2  }
0x91: {  	s4 =	simm.s32 $0xA;
	s5 =	simm.s32 $0x10;
	s15 =	sld [smem:$0x3FC5]  }
0x92: {  	[smem:s5], [sflag:s4] =	dma.local [hbm:s2], $0x1  }
0x93: {  	_ =	swait.eq [sflag:s4], $0x1  }
0x94: {  	[sflag:s4] =	ssyncset.done $0x0  }
0x95: {  	[sflag:s4] =	ssyncadd.s32 $0xFFFFFFFF  }
0x96: {  	s16 =	sld [smem:$0x10];
	(tm) =	ssettm $0x1  }
0x97: {  	s17 =	sld [smem:$0x3FFB];
	_ =	sdelay $0x3  }
0x98: {  	_ =	strace s17  }
0x99: {  	s4 =	sld [smem:$0x3FFC];
	_ =	sdelay $0x3  }
0x9a: {  	_ =	strace s4  }
0x9b: {  	s4 =	sld [smem:$0x3FFD];
	_ =	sdelay $0x3  }
0x9c: {  	_ =	strace s4  }
0x9d: {  	_ =	strace $0x8FFFFFFF  }
0x9e: {  	s18 =	sld [smem:$0x3FDB];
	_ =	sdelay $0x1  }
0x9f: {  	s19 =	simm.s32 $_scs_section_size  }
0xa0: {  	s6 =	simm.s32 $_size__tile_overlayer_lowered;
	s7 =	simm.s32 $_tile_overlayer_lowered  }
0xa1: {  	s22 =	simm.s32 $0x1BFF;
	s21 =	sshll.u32 s7, $0x1;
	s4 =	sadd.s32 s19, s18  }
0xa2: {  	s8 =	simm.s32 $0x0;
	s20 =	sshll.u32 s6, $0x1;
	s6 =	sadd.s32 s21, s4  }
0xa3: {  	[timem:s8], [sflag:s22] =	dma.local [hbm:s6], s20  }
0xa4: {  	_ =	swait.ge [sflag:s22], s20  }
0xa5: {  	s5 =	ssub.s32 $0x0, s20;
	[sflag:s22] =	ssyncset.done $0x0  }
0xa6: {  	[sflag:s22] =	ssyncadd.s32 s5;
	_ =	sdelay $0x1  }
0xa7: {  	s23 =	simm.s32 $0x1B8B  }
0xa8: {  	_ =	swait.ge [sflag:s23], $0x1  }
0xa9: {  	[sflag:s23] =	ssyncset.done $0x0  }
0xaa: {  	s25 =	simm.s32 $0x1B8E;
	s24 =	sld [smem:$0x3FFE];
	[sflag:s23] =	ssyncadd.s32 $0xFFFFFFFF  }
0xab: {  	s26 =	simm.s32 $execute0_lowered;
	[smem:$0x3FD2] =	sst s25  }
0xac: {  	s6 =	sshll.u32 s26, $0x1;
	_ =	strace $0x80000046;
	[dreg:$0x1] =	wrdreg $0xFFFFFFFF  }
0xad: {  	s28 =	simm.s32 $_size_execute0_lowered;
	s4 =	sadd.s32 s4, s6;
	[dreg:$0x0] =	wrdreg $0x0  }
0xae: {  	s6 =	sshll.u32 s28, $0x1;
	[dreg:$0x2] =	wrdreg s4  }
0xaf: {  	[dreg:$0x3] =	wrdreg s6  }
0xb0: {  	[dreg:$0x4] =	wrdreg $0xC0  }
0xb1: {  	_ =	task [dreg:s8], $0x5FFFF  }
0xb2: {  	[dreg:$0x1] =	wrdreg $0xFFFFFFFF  }
0xb3: {  	[dreg:$0x0] =	wrdreg $0x60  }
0xb4: {  	[dreg:$0x2] =	wrdreg s15  }
0xb5: {  	[dreg:$0x3] =	wrdreg s24  }
0xb6: {  	[dreg:$0x4] =	wrdreg s16  }
0xb7: {  	[dreg:$0x5] =	wrdreg $0x9  }
0xb8: {  	_ =	task.clear_ibuf [dreg:s8], $0x6FFFF;
	_ =	strace $0x90000046  }
0xb9: {  	s29 =	simm.s32 $0x9;
	_ =	strace $0x80000048  }
0xba: {  	_ =	swait.ge [sflag:s29], $0x1  }
0xbb: {  	[sflag:s29] =	ssyncadd.s32 $0xFFFFFFFF  }
0xbc: {  	_ =	strace $0x90000048  }
0xbd: {  	_ =	sfence  }
0xbe: {  	s30 =	sld [smem:$0x0];
	_ =	sdelay $0x2  }
0xbf: {  	s31 =	sshll.u32 s1, $0xD;
	s1 =	sshrl.u32 s1, $0x2  }
0xc0: {  	s3 =	sand.u32 $0x4000, s31;
	s1 =	sadd.s32 s1, s30  }
0xc1: {  	s0 =	sor.u32 s3, s0;
	s1 =	sshll.u32 s1, $0x11  }
0xc2: {  	s0 =	sor.u32 s1, s0  }
0xc3: {  	s0 =	sadd.s32 $0x8F2B, s0  }
0xc4: {  	[sflag:s0] =	ssyncadd.remote.s32 $0x1  }
0xc5: {  	_ =	sfence.sel $0xFFFF  }
0xc6: {  	[dreg:$0x0] =	wrdreg $0xFFFFFFFF;
	(pc) =	sbr.abs _section_cstart, $3  }
0xc7: {  	[dreg:$0x1] =	wrdreg $0xFFFFFFFF  }
0xc8: {  	_ =	task.clear_ibuf [dreg:s8], $0x2FFFF;
	_ =	strace $0x9FFFFFFF  }
0xc9: {  	(tm) =	ssettm $0x7FFFFFFF  }
tec
execute0_lowered:
.L_overlay_start_1:
0x0: {  	(tag) =	ssettag $0x1  }
0x1: {  	s1 =	rddreg [dreg:$0x0];
	s0 =	srdreg.scid  }
0x2: {  	s9 =	stileid.u32;
	s2 =	rddreg [dreg:$0x1];
	s4 =	simm.s32 $0x0  }
0x3: {  	s14 =	simm.s32 $0x3;
	s15 =	simm.s32 $0xA180;
	s16 =	simm.s32 $0x50  }
0x4: {  	s17 =	simm.s32 $0x180;
	s23 =	simm.s32 $0x1680;
	s28 =	simm.s32 $0x1  }
0x5: {  	s29 =	simm.s32 $0x80;
	s30 =	simm.s32 $0xFB80;
	s31 =	simm.s32 $0x13B80  }
0x6: {  	s0 =	sand.u32 $0x1, s0;
	s3 =	sshll.u32 s9, $0x1;
	s9 =	smul.u32 $0x2D000, s9  }
0x7: {  	s3 =	sor.u32 s0, s3;
	s25 =	ssub.s32 $0x2, s0;
	s0 =	smul.u32 $0x16800, s0  }
0x8: {  	[smem:$0x7FF] =	sst s4;
	s6 =	sadd.s32 $0x28B000, s2;
	s5 =	smul.u32 $0x28, s3  }
0x9: {  	_ =	strace $0x80000047;
	s7 =	smul.u32 $0x1400, s3;
	s13 =	sadd.s32 s9, s2  }
0xa: {  	s3 =	smul.u32 $0x1680, s3;
	s26 =	sshrl.u32 s25, $0x1;
	s0 =	sadd.s32 s0, s13  }
0xb: {  	s8 =	sadd.s32 s5, s2;
	s5 =	sadd.s32 $0x254000, s2;
	s10 =	sadd.s32 s7, s2  }
0xc: {  	s3 =	sshrl.u32 s3, $0x3;
	s13 =	sadd.s32 $0x2C3000, s0;
	s0 =	simm.s32 $0x2  }
0xd: {  	s2 =	sadd.s32 s3, s2;
	s3 =	ssub.s32 s25, s26;
	s7 =	sadd.s32 $0x9A00, s8  }
0xe: {  	s9 =	sadd.s32 $0xA000, s10;
	s25 =	simm.s32 $0xCE80;
	s26 =	simm.s32 $0xE500  }
0xf: {  	s8 =	sadd.s32 $0x4000, s2;
	s10 =	sadd.s32 $0x32000, s2;
	s11 =	sadd.s32 $0x37A00, s2  }
0x10: {  	s12 =	smax.u32 s3, $0x1;
	s2 =	simm.s32 $0x17B80;
	s3 =	simm.s32 $0x0  }
.LBB2_1:
0x11: {  	[tilespmem:s4], [sflag:$0x3] =	stream.linear.gather [hbm4b:s7+s4], $0x140, $0x38;
	[tilespmem:$0x1BB80] =	vst v63  }
0x12: {  	_ =	swait.ge [sflag:s14], $0x140  }
0x13: {  	[sflag:s14] =	ssyncset.done $0x0  }
0x14: {  	[sflag:s14] =	ssyncadd.s32 $0xFFFFFEC0  }
0x15: {  	[tilespmem:s15], [sflag:$0x3] =	stream.linear.gather [hbm4b:s8+s4], $0x1680, $0x38;
	[tilespmem:$0x1BB80] =	vst v63  }
0x16: {  	_ =	swait.ge [sflag:s14], $0x1680  }
0x17: {  	[sflag:s14] =	ssyncset.done $0x0  }
0x18: {  	[sflag:s14] =	ssyncadd.s32 $0xFFFFE980  }
0x19: {  	[tilespmem:s17], [sflag:$0x1] =	stream.indirect.gather [hbm4b:s1+s16], $0x80, s4, s16, $0xb8;
	[tilespmem:$0x1BB80] =	vst v63  }
0x1a: {  	s18 =	simm.s32 $0x2980  }
0x1b: {  	[tilespmem:s18], [sflag:$0x1] =	stream.indirect.gather [hbm4b:s1+s16], $0x80, s16, s16, $0xb8;
	[tilespmem:$0x1BB80] =	vst v63  }
0x1c: {  	s24 =	simm.s32 $0xA0;
	s19 =	simm.s32 $0x5180  }
0x1d: {  	[tilespmem:s19], [sflag:$0x1] =	stream.indirect.gather [hbm4b:s1+s16], $0x80, s24, s16, $0xb8;
	[tilespmem:$0x1BB80] =	vst v63  }
0x1e: {  	s20 =	simm.s32 $0xF0;
	s21 =	simm.s32 $0x7980  }
0x1f: {  	[tilespmem:s21], [sflag:$0x1] =	stream.indirect.gather [hbm4b:s1+s16], $0x80, s20, s16, $0xb8;
	[tilespmem:$0x1BB80] =	vst v63  }
0x20: {  	s22 =	rddreg [dreg:$0x2];
	s24 =	simm.s32 $0xB800  }
0x21: {  	[tilespmem:s24], [sflag:$0x1] =	stream.indirect.gather [hbm4b:s22+s23], $0x1, s15, s23, $0xb8;
	[tilespmem:$0x1BB80] =	vst v63  }
0x22: {  	_ = 	snop  }
0x23: {  	[tilespmem:s25], [sflag:$0x1] =	stream.indirect.gather [hbm4b:s5+s23], $0x1, s15, s23, $0xb8;
	[tilespmem:$0x1BB80] =	vst v63  }
0x24: {  	_ = 	snop  }
0x25: {  	[tilespmem:s26], [sflag:$0x1] =	stream.indirect.gather [hbm4b:s6+s23], $0x1, s15, s23, $0xb8;
	[tilespmem:$0x1BB80] =	vst v63  }
0x26: {  	_ =	swait.ge [sflag:s28], $0x2800  }
0x27: {  	[sflag:s28] =	ssyncset.done $0x0  }
0x28: {  	[sflag:s28] =	ssyncadd.s32 $0xFFFFD800  }
0x29: {  	_ =	swait.ge [sflag:s28], $0x2800  }
0x2a: {  	[sflag:s28] =	ssyncset.done $0x0  }
0x2b: {  	[sflag:s28] =	ssyncadd.s32 $0xFFFFD800  }
0x2c: {  	_ =	swait.ge [sflag:s28], $0x2800  }
0x2d: {  	[sflag:s28] =	ssyncset.done $0x0  }
0x2e: {  	[sflag:s28] =	ssyncadd.s32 $0xFFFFD800  }
0x2f: {  	_ =	swait.ge [sflag:s28], $0x2800  }
0x30: {  	[sflag:s28] =	ssyncset.done $0x0  }
0x31: {  	[sflag:s28] =	ssyncadd.s32 $0xFFFFD800  }
0x32: {  	_ =	swait.ge [sflag:s28], $0x1680  }
0x33: {  	[sflag:s28] =	ssyncset.done $0x0  }
0x34: {  	[sflag:s28] =	ssyncadd.s32 $0xFFFFE980  }
0x35: {  	_ =	swait.ge [sflag:s28], $0x1680  }
0x36: {  	[sflag:s28] =	ssyncset.done $0x0  }
0x37: {  	[sflag:s28] =	ssyncadd.s32 $0xFFFFE980  }
0x38: {  	_ =	swait.ge [sflag:s28], $0x1680  }
0x39: {  	[sflag:s28] =	ssyncset.done $0x0  }
0x3a: {  	[sflag:s28] =	ssyncadd.s32 $0xFFFFE980  }
0x3b: {  	[hbm4b:s9+s4] =	stream.linear.scatter [tilespmem:s17], [sflag:$0x3], $0xA000, $0x38;
	[tilespmem:$0x1BB80] =	vst v63  }
0x3c: {  	_ =	swait.ge [sflag:s14], $0xA000  }
0x3d: {  	[sflag:s14] =	ssyncset.done $0x0  }
0x3e: {  	[sflag:s14] =	ssyncadd.s32 $0xFFFF6000  }
0x3f: {  	[hbm4b:s10+s4] =	stream.linear.scatter [tilespmem:s25], [sflag:$0x3], $0x1680, $0x38;
	[tilespmem:$0x1BB80] =	vst v63  }
0x40: {  	_ =	swait.ge [sflag:s14], $0x1680  }
0x41: {  	[sflag:s14] =	ssyncset.done $0x0  }
0x42: {  	[sflag:s14] =	ssyncadd.s32 $0xFFFFE980  }
0x43: {  	[hbm4b:s11+s4] =	stream.linear.scatter [tilespmem:s26], [sflag:$0x3], $0x1680, $0x38;
	[tilespmem:$0x1BB80] =	vst v63  }
0x44: {  	_ =	swait.ge [sflag:s14], $0x1680  }
0x45: {  	[sflag:s14] =	ssyncset.done $0x0  }
0x46: {  	s19 =	simm.s32 $0xB800;
	[sflag:s14] =	ssyncadd.s32 $0xFFFFE980  }
0x47: {  	[tilespmem:s30], [sflag:$0x1] =	stream.indirect.gather [hbm4b:s1+s29], $0x80, s19, s29, $0xb8;
	[tilespmem:$0x1BB80] =	vst v63  }
0x48: {  	s20 =	simm.s32 $0xB880  }
0x49: {  	[tilespmem:s31], [sflag:$0x1] =	stream.indirect.gather [hbm4b:s1+s29], $0x80, s20, s29, $0xb8;
	[tilespmem:$0x1BB80] =	vst v63  }
0x4a: {  	s21 =	simm.s32 $0xB900  }
0x4b: {  	[tilespmem:s2], [sflag:$0x1] =	stream.indirect.gather [hbm4b:s1+s29], $0x80, s21, s29, $0xb8;
	[tilespmem:$0x1BB80] =	vst v63  }
0x4c: {  	_ =	swait.ge [sflag:s28], $0x4000  }
0x4d: {  	[sflag:s28] =	ssyncset.done $0x0  }
0x4e: {  	s22 =	sadd.s32 $0xFFFFF000, s13;
	[sflag:s28] =	ssyncadd.s32 $0xFFFFC000  }
0x4f: {  	[hbm4b:s22+s4] =	stream.linear.scatter [tilespmem:s30], [sflag:$0x2], $0x4000, $0x38;
	[tilespmem:$0x1BB80] =	vst v63  }
0x50: {  	_ =	swait.ge [sflag:s28], $0x4000  }
0x51: {  	[sflag:s28] =	ssyncset.done $0x0  }
0x52: {  	s24 =	sadd.s32 $0xFFFFF800, s13;
	[sflag:s28] =	ssyncadd.s32 $0xFFFFC000  }
0x53: {  	[hbm4b:s24+s4] =	stream.linear.scatter [tilespmem:s31], [sflag:$0x2], $0x4000, $0x38;
	[tilespmem:$0x1BB80] =	vst v63  }
0x54: {  	_ =	swait.ge [sflag:s28], $0x4000  }
0x55: {  	[sflag:s28] =	ssyncset.done $0x0  }
0x56: {  	[sflag:s28] =	ssyncadd.s32 $0xFFFFC000  }
0x57: {  	[hbm4b:s13+s4] =	stream.linear.scatter [tilespmem:s2], [sflag:$0x2], $0x4000, $0x38;
	[tilespmem:$0x1BB80] =	vst v63  }
0x58: {  	_ =	swait.ge [sflag:s0], $0x4000  }
0x59: {  	[sflag:s0] =	ssyncset.done $0x0  }
0x5a: {  	[sflag:s0] =	ssyncadd.s32 $0xFFFFC000  }
0x5b: {  	_ =	swait.ge [sflag:s0], $0x4000  }
0x5c: {  	[sflag:s0] =	ssyncset.done $0x0  }
0x5d: {  	[sflag:s0] =	ssyncadd.s32 $0xFFFFC000  }
0x5e: {  	s18 =	sadd.s32 $0x1800, s13;
	_ =	swait.ge [sflag:s0], $0x4000  }
0x5f: {  	s19 =	simm.s32 $0x180;
	s20 =	simm.s32 $0xC00;
	[sflag:s0] =	ssyncset.done $0x0  }
.LBB2_2:
0x60: {  	s21 =	sadd.s32 $0xB800, s19  }
0x61: {  	[sflag:s0] =	ssyncadd.s32 $0xFFFFC000;
	s22 =	smov.u32 s20;
	s24 =	sadd.s32 $0x600, s20  }
0x62: {  	[tilespmem:s30], [sflag:$0x1] =	stream.indirect.gather [hbm4b:s1+s29], $0x80, s21, s29, $0xb8;
	[tilespmem:$0x1BB80] =	vst v63  }
0x63: {  	p0 =	sne.s32 s20, $0x5400;
	s20 =	sadd.s32 $0xB880, s19  }
0x64: {  	[tilespmem:s31], [sflag:$0x1] =	stream.indirect.gather [hbm4b:s1+s29], $0x80, s20, s29, $0xb8;
	[tilespmem:$0x1BB80] =	vst v63  }
0x65: {  	s19 =	sadd.s32 $0xB900, s19  }
0x66: {  	[tilespmem:s2], [sflag:$0x1] =	stream.indirect.gather [hbm4b:s1+s29], $0x80, s19, s29, $0xb8;
	[tilespmem:$0x1BB80] =	vst v63  }
0x67: {  	_ =	swait.ge [sflag:s28], $0x4000  }
0x68: {  	[sflag:s28] =	ssyncset.done $0x0  }
0x69: {  	s19 =	sadd.s32 $0xFFFFF000, s18;
	[sflag:s28] =	ssyncadd.s32 $0xFFFFC000  }
0x6a: {  	[hbm4b:s19+s4] =	stream.linear.scatter [tilespmem:s30], [sflag:$0x2], $0x4000, $0x38;
	[tilespmem:$0x1BB80] =	vst v63  }
0x6b: {  	_ =	swait.ge [sflag:s28], $0x4000  }
0x6c: {  	[sflag:s28] =	ssyncset.done $0x0  }
0x6d: {  	s19 =	sadd.s32 $0xFFFFF800, s18;
	[sflag:s28] =	ssyncadd.s32 $0xFFFFC000  }
0x6e: {  	[hbm4b:s19+s4] =	stream.linear.scatter [tilespmem:s31], [sflag:$0x2], $0x4000, $0x38;
	[tilespmem:$0x1BB80] =	vst v63  }
0x6f: {  	_ =	swait.ge [sflag:s28], $0x4000  }
0x70: {  	[sflag:s28] =	ssyncset.done $0x0  }
0x71: {  	[sflag:s28] =	ssyncadd.s32 $0xFFFFC000  }
0x72: {  	[hbm4b:s18+s4] =	stream.linear.scatter [tilespmem:s2], [sflag:$0x2], $0x4000, $0x38;
	[tilespmem:$0x1BB80] =	vst v63  }
0x73: {  	_ =	swait.ge [sflag:s0], $0x4000  }
0x74: {  	[sflag:s0] =	ssyncset.done $0x0  }
0x75: {  	[sflag:s0] =	ssyncadd.s32 $0xFFFFC000  }
.Ltmp0:
0x76: {  	_ =	swait.ge [sflag:s0], $0x4000;
	(pc) =	sbr.rel @p0 .LBB2_2-.Ltmp0, $4  }
0x77: {  	[sflag:s0] =	ssyncset.done $0x0  }
0x78: {  	[sflag:s0] =	ssyncadd.s32 $0xFFFFC000  }
0x79: {  	s20 =	smov.u32 s24;
	_ =	swait.ge [sflag:s0], $0x4000  }
0x7a: {  	s19 =	sshra.s32 s22, $0x2;
	s18 =	sadd.s32 $0x1800, s18;
	[sflag:s0] =	ssyncset.done $0x0  }
0x7b: {  	s20 =	sadd.s32 $0xB800, s19;
	[sflag:s0] =	ssyncadd.s32 $0xFFFFC000  }
0x7c: {  	[tilespmem:s30], [sflag:$0x1] =	stream.indirect.gather [hbm4b:s1+s29], $0x80, s20, s29, $0xb8;
	[tilespmem:$0x1BB80] =	vst v63  }
0x7d: {  	s24 =	sadd.s32 $0xB880, s19  }
0x7e: {  	[tilespmem:s31], [sflag:$0x1] =	stream.indirect.gather [hbm4b:s1+s29], $0x80, s24, s29, $0xb8;
	[tilespmem:$0x1BB80] =	vst v63  }
0x7f: {  	s21 =	sadd.s32 $0xB900, s19  }
0x80: {  	[tilespmem:s2], [sflag:$0x1] =	stream.indirect.gather [hbm4b:s1+s29], $0x80, s21, s29, $0xb8;
	[tilespmem:$0x1BB80] =	vst v63  }
0x81: {  	_ =	swait.ge [sflag:s28], $0x4000  }
0x82: {  	[sflag:s28] =	ssyncset.done $0x0  }
0x83: {  	s22 =	sadd.s32 $0xFFFFF000, s18;
	[sflag:s28] =	ssyncadd.s32 $0xFFFFC000  }
0x84: {  	[hbm4b:s22+s4] =	stream.linear.scatter [tilespmem:s30], [sflag:$0x2], $0x4000, $0x38;
	[tilespmem:$0x1BB80] =	vst v63  }
0x85: {  	_ =	swait.ge [sflag:s28], $0x4000  }
0x86: {  	[sflag:s28] =	ssyncset.done $0x0  }
0x87: {  	s24 =	sadd.s32 $0xFFFFF800, s18;
	[sflag:s28] =	ssyncadd.s32 $0xFFFFC000  }
0x88: {  	[hbm4b:s24+s4] =	stream.linear.scatter [tilespmem:s31], [sflag:$0x2], $0x4000, $0x38;
	[tilespmem:$0x1BB80] =	vst v63  }
0x89: {  	_ =	swait.ge [sflag:s28], $0x4000  }
0x8a: {  	[sflag:s28] =	ssyncset.done $0x0  }
0x8b: {  	[sflag:s28] =	ssyncadd.s32 $0xFFFFC000  }
0x8c: {  	[hbm4b:s18+s4] =	stream.linear.scatter [tilespmem:s2], [sflag:$0x2], $0x4000, $0x38;
	[tilespmem:$0x1BB80] =	vst v63  }
0x8d: {  	_ =	swait.ge [sflag:s0], $0x4000  }
0x8e: {  	[sflag:s0] =	ssyncset.done $0x0  }
0x8f: {  	s3 =	sadd.s32 $0x1, s3;
	[sflag:s0] =	ssyncadd.s32 $0xFFFFC000  }
0x90: {  	p0 =	sne.s32 s3, s12;
	_ =	swait.ge [sflag:s0], $0x4000  }
.Ltmp1:
0x91: {  	[sflag:s0] =	ssyncset.done $0x0;
	(pc) =	sbr.rel @p0 .LBB2_1-.Ltmp1, $4  }
0x92: {  	[sflag:s0] =	ssyncadd.s32 $0xFFFFC000  }
0x93: {  	_ =	swait.ge [sflag:s0], $0x4000  }
0x94: {  	[sflag:s0] =	ssyncset.done $0x0  }
0x95: {  	[sflag:s0] =	ssyncadd.s32 $0xFFFFC000  }
0x96: {  	_ =	sfence.sel $0x180000  }
0x97: {  	[bflag:$0x0] =	sbarrier.arrive $0xFFFF  }
0x98: {  	_ =	strace $0x90000047  }
0x99: {  	s0 =	stileid.u32;
	[bflag:$0x2] =	sbarrier.arrive $0xFFFF  }
0x9a: {  	p0 =	sne.s32 s0, $0x0;
	s0 =	rddreg [dreg:$0x3]  }
0x9b: {  	s0 =	sadd.s32 @!p0 $0x100000, s0  }
0x9c: {  	[sflag:s0] =	ssyncadd.tile.s32 @!p0 $0x1;
	_ =	shalt  }
.Lfunc_end2:
_tile_overlayer_lowered:
.L_overlay_start_2:
0x9d: {  	(tag) =	ssettag $0x2  }
0x9e: {  	s0 =	rddreg [dreg:$0x0];
	s2 =	stileid.u32  }
0x9f: {  	s1 =	rddreg [dreg:$0x1];
	p0 =	sne.s32 s2, $0x0  }
0xa0: {  	s3 =	rddreg [dreg:$0x2];
	[bflag:$0x3] =	sbarrier.arrive $0xFFFF;
	s2 =	simm.s32 @!p0 $0x1C03  }
0xa1: {  	[timem:s3], [sflag:s2] =	dma.local @!p0 [hbm:s0], s1  }
0xa2: {  	s0 =	simm.s32 @!p0 $0x3  }
0xa3: {  	_ =	swait.ge @!p0 [sflag:s0], s1  }
0xa4: {  	s1 =	ssub.s32 @!p0 $0x0, s1;
	[sflag:s0] =	ssyncset.done @!p0 $0x0  }
0xa5: {  	[sflag:s0] =	ssyncadd.s32 @!p0 s1  }
0xa6: {  	[bflag:$0x3] =	sbarrier.arrive $0xFFFF  }
0xa7: {  	_ =	shalt  }

</sc_bundles>
